<compile_context>
chip_gen: v7x
topology: tpu7x:2x2x1
jax: 0.10.2.dev20260603
libtpu: 0.0.44.dev20260713+nightly
codegen_flags: <defaults>
</compile_context>

<pallas_src>
import functools

import jax
import jax.numpy as jnp
from jax import lax
from jax.experimental import pallas as pl
from jax.experimental.pallas import tpu as pltpu
from jax.experimental.pallas import tpu_sc as plsc

GRID_SIZE = 16
MARGIN = 1.0
LOSS_LAMBDA = 1.0

BN = 1024
NW = 32
L = 16


def _sc_sample_body(w_hbm, kd_hbm, d2_hbm, pos_hbm,
                    wv, idxv, wgtv, rows, kdv, posv, sem,
                    *, ppw, c, h, w):
    wid = lax.axis_index("s") * 2 + lax.axis_index("c")
    base = wid * ppw
    pltpu.sync_copy(w_hbm.at[pl.ds(base * 2, ppw * 2)], wv)
    pltpu.sync_copy(kd_hbm.at[pl.ds(base, ppw)], kdv)

    lanes = lax.iota(jnp.int32, L)
    ngroups = ppw // L

    def floorf(v):
        t = v.astype(jnp.int32).astype(jnp.float32)
        return jnp.where(v < t, t - 1.0, t)

    for g in range(ngroups):
        pyg = plsc.load_gather(wv, [(g * L + lanes) * 2])
        pxg = plsc.load_gather(wv, [(g * L + lanes) * 2 + 1])
        ys = pyg / GRID_SIZE - 0.5
        xs = pxg / GRID_SIZE - 0.5
        y0 = floorf(ys)
        x0 = floorf(xs)
        y1 = y0 + 1.0
        x1 = x0 + 1.0
        wx1 = xs - x0
        wx0 = 1.0 - wx1
        wy1 = ys - y0
        wy0 = 1.0 - wy1
        for k, (yf, xf, wgt) in enumerate((
                (y0, x0, wy0 * wx0), (y0, x1, wy0 * wx1),
                (y1, x0, wy1 * wx0), (y1, x1, wy1 * wx1))):
            valid = ((yf >= 0.0) & (yf <= h - 1.0)
                     & (xf >= 0.0) & (xf <= w - 1.0))
            yc = jnp.clip(yf, 0.0, h - 1.0).astype(jnp.int32)
            xc = jnp.clip(xf, 0.0, w - 1.0).astype(jnp.int32)
            idxv[pl.ds(k * ppw + g * L, L)] = yc * w + xc
            wgtv[pl.ds(k * ppw + g * L, L)] = jnp.where(valid, wgt, 0.0)

    pltpu.async_copy(d2_hbm.at[idxv], rows, sem).wait()

    z = jnp.zeros((L,), jnp.float32)

    def body(p, carry):
        d0, d1, n0, n1 = carry
        ws = [plsc.load_gather(wgtv, [jnp.full((L,), k * ppw + p, jnp.int32)])
              for k in range(4)]
        dv = z
        nv = z
        for ch in range(c // L):
            s = ch * L
            v = (ws[0] * rows[0 * ppw + p, pl.ds(s, L)]
                 + ws[1] * rows[1 * ppw + p, pl.ds(s, L)]
                 + ws[2] * rows[2 * ppw + p, pl.ds(s, L)]
                 + ws[3] * rows[3 * ppw + p, pl.ds(s, L)])
            kdc = kdv[p, pl.ds(s, L)]
            dv = dv + v * kdc
            nv = nv + v * v
        dot = jnp.full((L,), jnp.sum(dv))
        n2 = jnp.full((L,), jnp.sum(nv))
        sel = lanes == jnp.full((L,), p % L, jnp.int32)
        in0 = jnp.full((L,), p < L)
        d0 = jnp.where(sel & in0, dot, d0)
        n0 = jnp.where(sel & in0, n2, n0)
        d1 = jnp.where(sel & (~in0), dot, d1)
        n1 = jnp.where(sel & (~in0), n2, n1)
        return (d0, d1, n0, n1)

    accs = plsc.parallel_loop(0, ppw, carry=(z, z, z, z))(body)

    for g in range(ngroups):
        dacc = accs[g]
        nacc = accs[2 + g]
        n2 = jnp.maximum(nacc, 1e-24)
        i = plsc.bitcast(n2, jnp.int32)
        y = plsc.bitcast(0x5F3759DF - lax.shift_right_logical(i, 1),
                         jnp.float32)
        for _ in range(3):
            y = y * (1.5 - 0.5 * n2 * y * y)
        posv[pl.ds(g * L, L)] = 2.0 - 2.0 * dacc * y

    pltpu.sync_copy(posv, pos_hbm.at[0, pl.ds(base, ppw)])


def _tc_body(wt_ref, kd_ref, d2t_ref, neg_ref,
             *, n_rows, m, w):
    px = wt_ref[1:2, :]
    py = wt_ref[0:1, :]
    kdt = kd_ref[...]
    d2t = d2t_ref[...]

    dmat = jax.lax.dot_general(kdt, d2t, (((0,), (0,)), ((), ())),
                               preferred_element_type=jnp.float32,
                               precision=jax.lax.Precision.HIGHEST)

    lane = jax.lax.broadcasted_iota(jnp.int32, (n_rows, m), 1)

    half = GRID_SIZE // 2

    def three_nearest(p):
        il = jnp.clip(jnp.floor((p - half) / GRID_SIZE), 0.0, w - 2.0)
        c_l = il * GRID_SIZE + half
        c_h = c_l + GRID_SIZE
        near_l = jnp.abs(p - c_l) <= jnp.abs(p - c_h)
        a0 = jnp.where(near_l, il, il + 1.0)
        a1 = jnp.where(near_l, il + 1.0, il)
        dm1 = jnp.abs(p - (c_l - GRID_SIZE))
        dp2 = jnp.abs(p - (c_h + GRID_SIZE))
        a2 = jnp.where(il == 0.0, il + 2.0,
                       jnp.where(il == w - 2.0, il - 1.0,
                                 jnp.where(dm1 <= dp2, il - 1.0, il + 2.0)))
        return a0, a1, a2

    x0c, x1c, x2c = three_nearest(px)
    y0c, y1c, y2c = three_nearest(py)
    dists, fids = [], []
    for (xc, yc) in ((x0c, y0c), (x1c, y0c), (x0c, y1c),
                     (x1c, y1c), (x2c, y0c), (x0c, y2c)):
        dx = px - (xc * GRID_SIZE + half)
        dy = py - (yc * GRID_SIZE + half)
        dists.append(jnp.sqrt(dx * dx + dy * dy))
        fids.append(yc.astype(jnp.int32) * w + xc.astype(jnp.int32))
    cnts = []
    for j in range(6):
        cnt = jnp.zeros_like(fids[j])
        for k in range(6):
            if k == j:
                continue
            less = (dists[k] < dists[j]) | ((dists[k] == dists[j])
                                            & (fids[k] < fids[j]))
            cnt = cnt + less.astype(jnp.int32)
        cnts.append(cnt)
    rank_ids = []
    for r in range(4):
        rid = jnp.zeros_like(fids[0])
        for j in range(6):
            rid = rid + jnp.where(cnts[j] == r, fids[j], 0)
        rank_ids.append(rid.reshape(n_rows, 1))
    hit = ((lane == rank_ids[0]) | (lane == rank_ids[1])
           | (lane == rank_ids[2]) | (lane == rank_ids[3]))
    dm = dmat - jnp.where(hit, 2.5, 0.0)

    mx = None
    for k in range(4):
        if mx is None:
            mx = jnp.max(dm, axis=1, keepdims=True)
        else:
            mx = jnp.max(jnp.where(dm < mx, dm, -jnp.inf),
                         axis=1, keepdims=True)
        neg_ref[k:k + 1, :] = 2.0 - 2.0 * mx.reshape(1, n_rows)


def _combine_body(neg_ref, pos_ref, loss_ref, posm_ref, *, n):
    negs = neg_ref[...]
    pos = pos_ref[...]
    lsum = jnp.sum(jnp.maximum(pos - negs + MARGIN, 0.0))
    loss_ref[...] = jnp.full((1, 1), lsum * (LOSS_LAMBDA / (4.0 * n)))
    posm_ref[...] = jnp.full((1, 1), jnp.sum(pos) / n)


@jax.jit
def kernel(kp1, w_kp1, kp1_desc, desc2):
    del kp1
    n, c = kp1_desc.shape
    _, _, hc, wc = desc2.shape
    m = hc * wc
    g = n // BN
    ppw = n // NW

    d2 = jnp.transpose(desc2[0], (1, 2, 0)).reshape(m, c)

    mesh = plsc.VectorSubcoreMesh(core_axis_name="c", subcore_axis_name="s",
                                  num_cores=2, num_subcores=16)
    sc_body = functools.partial(_sc_sample_body, ppw=ppw, c=c, h=hc, w=wc)
    sc_fn = pl.kernel(
        sc_body,
        out_type=jax.ShapeDtypeStruct((1, n), jnp.float32),
        mesh=mesh,
        compiler_params=pltpu.CompilerParams(use_tc_tiling_on_sc=False,
                                             needs_layout_passes=False),
        scratch_types=[
            pltpu.VMEM((2 * ppw,), jnp.float32),
            pltpu.VMEM((4 * ppw,), jnp.int32),
            pltpu.VMEM((4 * ppw,), jnp.float32),
            pltpu.VMEM((4 * ppw, c), jnp.float32),
            pltpu.VMEM((ppw, c), jnp.float32),
            pltpu.VMEM((ppw,), jnp.float32),
            pltpu.SemaphoreType.DMA,
        ],
    )
    pos = sc_fn(w_kp1.reshape(-1), kp1_desc, d2)

    d2t = desc2[0].reshape(c, m)
    kdt = kp1_desc.T
    wt = w_kp1.T
    posl = pos

    body = functools.partial(_tc_body, n_rows=BN, m=m, w=wc)
    negs = pl.pallas_call(
        body,
        out_shape=jax.ShapeDtypeStruct((4, BN), jnp.float32),
    )(wt, kdt, d2t)

    loss, posm = pl.pallas_call(
        functools.partial(_combine_body, n=n),
        out_shape=[
            jax.ShapeDtypeStruct((1, 1), jnp.float32),
            jax.ShapeDtypeStruct((1, 1), jnp.float32),
        ],
    )(negs, posl)
    return (loss[0, 0], posm[0, 0])

# --- scband reference (transcript-rebuilt; emitter-appended) ---
"""Pipeline reference for scband-hard-triplet-loss-16466904613712 (READ-ONLY COPY).

The authoritative reference and input builder live on the scoring server;
editing this copy changes nothing except your own understanding.
"""

import jax, jax.numpy as jnp
import numpy as np

GRID_SIZE = 16
MARGIN = 1.0
LOSS_LAMBDA = 1.0


def sample_descriptors(desc2, kp, grid_size):
    # desc2: [B, C, Hc, Wc]; kp: [N, 2] pixel coords (y, x) in full image space.
    # Equivalent to F.grid_sample(bilinear, zero padding, align_corners=False) + F.normalize.
    B, C, H, W = desc2.shape
    d = desc2[0]
    ys = kp[:, 0] / grid_size - 0.5
    xs = kp[:, 1] / grid_size - 0.5
    x0 = jnp.floor(xs); y0 = jnp.floor(ys)
    x1 = x0 + 1.0; y1 = y0 + 1.0
    wx1 = xs - x0; wx0 = 1.0 - wx1
    wy1 = ys - y0; wy0 = 1.0 - wy1
    def gather(yi, xi):
        valid = (yi >= 0) & (yi <= H - 1) & (xi >= 0) & (xi <= W - 1)
        yc = jnp.clip(yi, 0, H - 1).astype(jnp.int32)
        xc = jnp.clip(xi, 0, W - 1).astype(jnp.int32)
        v = d[:, yc, xc].T  # [N, C]
        return v * valid.astype(d.dtype)[:, None]
    out = (gather(y0, x0) * (wy0 * wx0)[:, None]
           + gather(y0, x1) * (wy0 * wx1)[:, None]
           + gather(y1, x0) * (wy1 * wx0)[:, None]
           + gather(y1, x1) * (wy1 * wx1)[:, None])
    n = jnp.linalg.norm(out, axis=-1, keepdims=True)
    return out / jnp.maximum(n, 1e-12)


def kp2coord(kp):
    # (y, x) -> (x, y)
    return kp[:, ::-1]


def create_coordinates_grid(size):
    B, C, H, W = size
    X, Y = jnp.meshgrid(jnp.arange(W, dtype=jnp.float32), jnp.arange(H, dtype=jnp.float32), indexing='xy')
    return jnp.stack([X, Y], axis=-1)  # [H, W, 2] in (x, y)


def calculate_similarity_vector(d1, d2):
    # squared-euclidean distance between unit descriptors
    return 2.0 - 2.0 * jnp.sum(d1 * d2, axis=-1)


def calculate_similarity_matrix(d1, d2):
    return 2.0 - 2.0 * d1 @ d2.T


def setup_inputs(seed: int = 0):
    key = jax.random.key(seed)
    k1, k2, k3, k4 = jax.random.split(key, 4)
    N, C, Hc, Wc = 1024, 192, 32, 32
    H_img = Hc * GRID_SIZE  # 512
    kp1 = jax.random.uniform(k1, (N, 2), minval=0.0, maxval=float(H_img), dtype=jnp.float32)
    w_kp1 = jax.random.uniform(k2, (N, 2), minval=0.0, maxval=float(H_img), dtype=jnp.float32)
    kp1_desc = jax.random.normal(k3, (N, C), dtype=jnp.float32)
    kp1_desc = kp1_desc / jnp.linalg.norm(kp1_desc, axis=-1, keepdims=True)
    desc2 = jax.random.normal(k4, (1, C, Hc, Wc), dtype=jnp.float32)
    desc2 = desc2 / jnp.linalg.norm(desc2, axis=1, keepdims=True)
    return {"kp1": kp1, "w_kp1": w_kp1, "kp1_desc": kp1_desc, "desc2": desc2}


def reference(kp1, w_kp1, kp1_desc, desc2):
    grid_size = GRID_SIZE
    w_kp1_desc = sample_descriptors(desc2, w_kp1, grid_size)
    positive_sim = calculate_similarity_vector(kp1_desc, w_kp1_desc)
    positive_sim = jnp.repeat(positive_sim.reshape(-1, 1), 4, axis=1).reshape(-1)
    kp_grid = kp2coord(w_kp1)[:, None, :]  # [N, 1, 2]
    coo_grid = create_coordinates_grid(desc2.shape).reshape(-1, 2)[None, :, :]  # [1, M, 2]
    coo_grid = coo_grid * grid_size + grid_size // 2
    grid_dist = jnp.linalg.norm(kp_grid - coo_grid, axis=-1)  # [N, M]
    ids = jax.lax.top_k(-grid_dist, 4)[1]  # 4 nearest cells (smallest dist)
    r_ids = jnp.repeat(jnp.arange(ids.shape[0]).reshape(-1, 1), ids.shape[1], axis=1).reshape(-1)
    mask = jnp.zeros_like(grid_dist).at[r_ids, ids.reshape(-1)].set(1.0)
    C = desc2.shape[1]
    desc2_flat = jnp.transpose(desc2, (0, 2, 3, 1)).reshape(-1, C)
    desc_sim = calculate_similarity_matrix(kp1_desc, desc2_flat)
    desc_sim = desc_sim + mask * 5
    neg_sim = (-jax.lax.top_k(-desc_sim, 4)[0]).reshape(-1)
    loss = jnp.mean(jnp.maximum(positive_sim - neg_sim + MARGIN, 0.0)) * LOSS_LAMBDA
    return (loss, jnp.mean(positive_sim))

if __name__ == "__main__":
    import jax
    _d = setup_inputs()
    print(jax.jit(kernel)(*tuple(_d.values())))

</pallas_src>

<mosaic_0001>
#map = affine_map<(d0, d1) -> (0)>
#map1 = affine_map<(d0, d1) -> (0, 0)>
module attributes {stable_mosaic.version = 14 : i64} {
  func.func @_sc_sample_body(%arg0: i32, %arg1: i32, %arg2: memref<2048xf32, #tpu.memory_space<hbm>>, %arg3: memref<1024x192xf32, #tpu.memory_space<hbm>>, %arg4: memref<1024x192xf32, #tpu.memory_space<hbm>>, %arg5: memref<1x1024xf32, #tpu.memory_space<hbm>>, %arg6: memref<64xf32, #tpu.memory_space<vmem>>, %arg7: memref<128xi32, #tpu.memory_space<vmem>>, %arg8: memref<128xf32, #tpu.memory_space<vmem>>, %arg9: memref<128x192xf32, #tpu.memory_space<vmem>>, %arg10: memref<32x192xf32, #tpu.memory_space<vmem>>, %arg11: memref<32xf32, #tpu.memory_space<vmem>>, %arg12: memref<!tpu.dma_semaphore, #tpu.memory_space<semaphore_mem>>) attributes {dimension_semantics = [#tpu.dimension_semantics<core_parallel>, #tpu.dimension_semantics<subcore_parallel>], iteration_bounds = array<i64: 2, 16>, scalar_prefetch = 0 : i64, scratch_operands = 7 : i64, tpu.core_type = #tpu.core_type<sc_vector_subcore>, window_params = [{transform_indices = #map}, {transform_indices = #map1}, {transform_indices = #map1}, {transform_indices = #map1}]} {
    %mul3A = arith.constant 2 : i32
    %mul3A_0 = arith.muli %arg1, %mul3A : i32
    %add3A = arith.addi %mul3A_0, %arg0 : i32
    %mul3A_1 = arith.constant 32 : i32
    %mul3A_2 = arith.muli %add3A, %mul3A_1 : i32
    %mul3A_3 = arith.constant 2 : i32
    %mul3A_4 = arith.muli %mul3A_2, %mul3A_3 : i32
    "tpu.region"() ({
      %run_scoped3A_534 = tpu.sem_alloc : memref<!tpu.dma_semaphore, #tpu.memory_space<semaphore_mem>>
      %dma_start3A_535 = tpu.memref_slice %arg2[%mul3A_4] : memref<2048xf32, #tpu.memory_space<hbm>> -> memref<64xf32, #tpu.memory_space<hbm>>
      %dma_start3A_536 = tpu.memref_slice %arg2[%mul3A_4] : memref<2048xf32, #tpu.memory_space<hbm>> -> memref<64xf32, #tpu.memory_space<hbm>>
      tpu.enqueue_dma source(%dma_start3A_536 : memref<64xf32, #tpu.memory_space<hbm>>) target(%arg6 : memref<64xf32, #tpu.memory_space<vmem>>) target_semaphore(%run_scoped3A_534 : memref<!tpu.dma_semaphore, #tpu.memory_space<semaphore_mem>>)
      %dma_wait3A_537 = tpu.memref_slice %arg2[%mul3A_4] : memref<2048xf32, #tpu.memory_space<hbm>> -> memref<64xf32, #tpu.memory_space<hbm>>
      %dma_wait3A_538 = tpu.memref_slice %arg2[%mul3A_4] : memref<2048xf32, #tpu.memory_space<hbm>> -> memref<64xf32, #tpu.memory_space<hbm>>
      tpu.wait_dma2 semaphore(%run_scoped3A_534 : memref<!tpu.dma_semaphore, #tpu.memory_space<semaphore_mem>>) src(%dma_wait3A_538 : memref<64xf32, #tpu.memory_space<hbm>>) dst(%arg6 : memref<64xf32, #tpu.memory_space<vmem>>)
      tpu.yield
    }) : () -> ()
    "tpu.region"() ({
      %run_scoped3A_534 = tpu.sem_alloc : memref<!tpu.dma_semaphore, #tpu.memory_space<semaphore_mem>>
      %dma_start3A_535 = arith.constant 0 : i32
      %dma_start3A_536 = tpu.memref_slice %arg3[%mul3A_2, %dma_start3A_535] : memref<1024x192xf32, #tpu.memory_space<hbm>> -> memref<32x192xf32, #tpu.memory_space<hbm>>
      %dma_start3A_537 = arith.constant 0 : i32
      %dma_start3A_538 = tpu.memref_slice %arg3[%mul3A_2, %dma_start3A_537] : memref<1024x192xf32, #tpu.memory_space<hbm>> -> memref<32x192xf32, #tpu.memory_space<hbm>>
      tpu.enqueue_dma source(%dma_start3A_538 : memref<32x192xf32, #tpu.memory_space<hbm>>) target(%arg10 : memref<32x192xf32, #tpu.memory_space<vmem>>) target_semaphore(%run_scoped3A_534 : memref<!tpu.dma_semaphore, #tpu.memory_space<semaphore_mem>>)
      %dma_wait3A_539 = arith.constant 0 : i32
      %dma_wait3A_540 = tpu.memref_slice %arg3[%mul3A_2, %dma_wait3A_539] : memref<1024x192xf32, #tpu.memory_space<hbm>> -> memref<32x192xf32, #tpu.memory_space<hbm>>
      %dma_wait3A_541 = arith.constant 0 : i32
      %dma_wait3A_542 = tpu.memref_slice %arg3[%mul3A_2, %dma_wait3A_541] : memref<1024x192xf32, #tpu.memory_space<hbm>> -> memref<32x192xf32, #tpu.memory_space<hbm>>
      tpu.wait_dma2 semaphore(%run_scoped3A_534 : memref<!tpu.dma_semaphore, #tpu.memory_space<semaphore_mem>>) src(%dma_wait3A_542 : memref<32x192xf32, #tpu.memory_space<hbm>>) dst(%arg10 : memref<32x192xf32, #tpu.memory_space<vmem>>)
      tpu.yield
    }) : () -> ()
    %iota3A = tpu.iota {dimensions = array<i32: 0>} : vector<16xi32>
    %add3A_5 = arith.constant 0 : i32
    %add3A_6 = vector.broadcast %add3A_5 : i32 to vector<16xi32>
    %add3A_7 = arith.addi %add3A_6, %iota3A : vector<16xi32>
    %mul3A_8 = arith.constant 2 : i32
    %mul3A_9 = vector.broadcast %mul3A_8 : i32 to vector<16xi32>
    %mul3A_10 = arith.muli %add3A_7, %mul3A_9 : vector<16xi32>
    %gather3A = tpu.vector_load_idx %arg6[%mul3A_10] : memref<64xf32, #tpu.memory_space<vmem>>[vector<16xi32>], vector<16xf32>,
    %add3A_11 = arith.constant 0 : i32
    %add3A_12 = vector.broadcast %add3A_11 : i32 to vector<16xi32>
    %add3A_13 = arith.addi %add3A_12, %iota3A : vector<16xi32>
    %mul3A_14 = arith.constant 2 : i32
    %mul3A_15 = vector.broadcast %mul3A_14 : i32 to vector<16xi32>
    %mul3A_16 = arith.muli %add3A_13, %mul3A_15 : vector<16xi32>
    %add3A_17 = arith.constant 1 : i32
    %add3A_18 = vector.broadcast %add3A_17 : i32 to vector<16xi32>
    %add3A_19 = arith.addi %mul3A_16, %add3A_18 : vector<16xi32>
    %gather3A_20 = tpu.vector_load_idx %arg6[%add3A_19] : memref<64xf32, #tpu.memory_space<vmem>>[vector<16xi32>], vector<16xf32>,
    %div3A = arith.constant 1.600000e+01 : f32
    %div3A_21 = vector.broadcast %div3A : f32 to vector<16xf32>
    %div3A_22 = arith.divf %gather3A, %div3A_21 : vector<16xf32>
    %sub3A = arith.constant 5.000000e-01 : f32
    %sub3A_23 = vector.broadcast %sub3A : f32 to vector<16xf32>
    %sub3A_24 = arith.subf %div3A_22, %sub3A_23 : vector<16xf32>
    %div3A_25 = arith.constant 1.600000e+01 : f32
    %div3A_26 = vector.broadcast %div3A_25 : f32 to vector<16xf32>
    %div3A_27 = arith.divf %gather3A_20, %div3A_26 : vector<16xf32>
    %sub3A_28 = arith.constant 5.000000e-01 : f32
    %sub3A_29 = vector.broadcast %sub3A_28 : f32 to vector<16xf32>
    %sub3A_30 = arith.subf %div3A_27, %sub3A_29 : vector<16xf32>
    %convert_element_type3A = arith.fptosi %sub3A_24 : vector<16xf32> to vector<16xi32>
    %convert_element_type3A_31 = arith.sitofp %convert_element_type3A : vector<16xi32> to vector<16xf32>
    %lt3A = arith.cmpf olt, %sub3A_24, %convert_element_type3A_31 : vector<16xf32>
    %sub3A_32 = arith.constant 1.000000e+00 : f32
    %sub3A_33 = vector.broadcast %sub3A_32 : f32 to vector<16xf32>
    %sub3A_34 = arith.subf %convert_element_type3A_31, %sub3A_33 : vector<16xf32>
    %select_n3A = arith.select %lt3A, %sub3A_34, %convert_element_type3A_31 : vector<16xi1>, vector<16xf32>
    %convert_element_type3A_35 = arith.fptosi %sub3A_30 : vector<16xf32> to vector<16xi32>
    %convert_element_type3A_36 = arith.sitofp %convert_element_type3A_35 : vector<16xi32> to vector<16xf32>
    %lt3A_37 = arith.cmpf olt, %sub3A_30, %convert_element_type3A_36 : vector<16xf32>
    %sub3A_38 = arith.constant 1.000000e+00 : f32
    %sub3A_39 = vector.broadcast %sub3A_38 : f32 to vector<16xf32>
    %sub3A_40 = arith.subf %convert_element_type3A_36, %sub3A_39 : vector<16xf32>
    %select_n3A_41 = arith.select %lt3A_37, %sub3A_40, %convert_element_type3A_36 : vector<16xi1>, vector<16xf32>
    %add3A_42 = arith.constant 1.000000e+00 : f32
    %add3A_43 = vector.broadcast %add3A_42 : f32 to vector<16xf32>
    %add3A_44 = arith.addf %select_n3A, %add3A_43 : vector<16xf32>
    %add3A_45 = arith.constant 1.000000e+00 : f32
    %add3A_46 = vector.broadcast %add3A_45 : f32 to vector<16xf32>
    %add3A_47 = arith.addf %select_n3A_41, %add3A_46 : vector<16xf32>
    %sub3A_48 = arith.subf %sub3A_30, %select_n3A_41 : vector<16xf32>
    %sub3A_49 = arith.constant 1.000000e+00 : f32
    %sub3A_50 = vector.broadcast %sub3A_49 : f32 to vector<16xf32>
    %sub3A_51 = arith.subf %sub3A_50, %sub3A_48 : vector<16xf32>
    %sub3A_52 = arith.subf %sub3A_24, %select_n3A : vector<16xf32>
    %sub3A_53 = arith.constant 1.000000e+00 : f32
    %sub3A_54 = vector.broadcast %sub3A_53 : f32 to vector<16xf32>
    %sub3A_55 = arith.subf %sub3A_54, %sub3A_52 : vector<16xf32>
    %mul3A_56 = arith.mulf %sub3A_55, %sub3A_51 : vector<16xf32>
    %mul3A_57 = arith.mulf %sub3A_55, %sub3A_48 : vector<16xf32>
    %mul3A_58 = arith.mulf %sub3A_52, %sub3A_51 : vector<16xf32>
    %mul3A_59 = arith.mulf %sub3A_52, %sub3A_48 : vector<16xf32>
    %ge3A = arith.constant 0.000000e+00 : f32
    %ge3A_60 = vector.broadcast %ge3A : f32 to vector<16xf32>
    %ge3A_61 = arith.cmpf oge, %select_n3A, %ge3A_60 : vector<16xf32>
    %le3A = arith.constant 3.100000e+01 : f32
    %le3A_62 = vector.broadcast %le3A : f32 to vector<16xf32>
    %le3A_63 = arith.cmpf ole, %select_n3A, %le3A_62 : vector<16xf32>
    %and3A = arith.andi %ge3A_61, %le3A_63 : vector<16xi1>
    %ge3A_64 = arith.constant 0.000000e+00 : f32
    %ge3A_65 = vector.broadcast %ge3A_64 : f32 to vector<16xf32>
    %ge3A_66 = arith.cmpf oge, %select_n3A_41, %ge3A_65 : vector<16xf32>
    %and3A_67 = arith.andi %and3A, %ge3A_66 : vector<16xi1>
    %le3A_68 = arith.constant 3.100000e+01 : f32
    %le3A_69 = vector.broadcast %le3A_68 : f32 to vector<16xf32>
    %le3A_70 = arith.cmpf ole, %select_n3A_41, %le3A_69 : vector<16xf32>
    %and3A_71 = arith.andi %and3A_67, %le3A_70 : vector<16xi1>
    %jit3A = arith.constant 0.000000e+00 : f32
    %jit3A_72 = arith.constant 3.100000e+01 : f32
    %max3A = vector.broadcast %jit3A : f32 to vector<16xf32>
    %max3A_73 = arith.maximumf %max3A, %select_n3A : vector<16xf32>
    %min3A = vector.broadcast %jit3A_72 : f32 to vector<16xf32>
    %min3A_74 = arith.minimumf %min3A, %max3A_73 : vector<16xf32>
    %convert_element_type3A_75 = arith.fptosi %min3A_74 : vector<16xf32> to vector<16xi32>
    %jit3A_76 = arith.constant 0.000000e+00 : f32
    %jit3A_77 = arith.constant 3.100000e+01 : f32
    %max3A_78 = vector.broadcast %jit3A_76 : f32 to vector<16xf32>
    %max3A_79 = arith.maximumf %max3A_78, %select_n3A_41 : vector<16xf32>
    %min3A_80 = vector.broadcast %jit3A_77 : f32 to vector<16xf32>
    %min3A_81 = arith.minimumf %min3A_80, %max3A_79 : vector<16xf32>
    %convert_element_type3A_82 = arith.fptosi %min3A_81 : vector<16xf32> to vector<16xi32>
    %mul3A_83 = arith.constant 32 : i32
    %mul3A_84 = vector.broadcast %mul3A_83 : i32 to vector<16xi32>
    %mul3A_85 = arith.muli %convert_element_type3A_75, %mul3A_84 : vector<16xi32>
    %add3A_86 = arith.addi %mul3A_85, %convert_element_type3A_82 : vector<16xi32>
    %swap3A = arith.constant 0 : index
    %swap3A_87 = tpu.vector_load %arg7[%swap3A] {strides = array<i32>} : memref<128xi32, #tpu.memory_space<vmem>>, vector<16xi32>,
    tpu.vector_store %arg7[%swap3A], %add3A_86 {strides = array<i32>} : memref<128xi32, #tpu.memory_space<vmem>>, vector<16xi32>,
    %jit3A_88 = arith.constant 0.000000e+00 : f32
    %broadcast_in_dim3A = vector.broadcast %jit3A_88 : f32 to vector<16xf32>
    %select_n3A_89 = arith.select %and3A_71, %mul3A_56, %broadcast_in_dim3A : vector<16xi1>, vector<16xf32>
    %swap3A_90 = arith.constant 0 : index
    %swap3A_91 = tpu.vector_load %arg8[%swap3A_90] {strides = array<i32>} : memref<128xf32, #tpu.memory_space<vmem>>, vector<16xf32>,
    tpu.vector_store %arg8[%swap3A_90], %select_n3A_89 {strides = array<i32>} : memref<128xf32, #tpu.memory_space<vmem>>, vector<16xf32>,
    %ge3A_92 = arith.constant 0.000000e+00 : f32
    %ge3A_93 = vector.broadcast %ge3A_92 : f32 to vector<16xf32>
    %ge3A_94 = arith.cmpf oge, %select_n3A, %ge3A_93 : vector<16xf32>
    %le3A_95 = arith.constant 3.100000e+01 : f32
    %le3A_96 = vector.broadcast %le3A_95 : f32 to vector<16xf32>
    %le3A_97 = arith.cmpf ole, %select_n3A, %le3A_96 : vector<16xf32>
    %and3A_98 = arith.andi %ge3A_94, %le3A_97 : vector<16xi1>
    %ge3A_99 = arith.constant 0.000000e+00 : f32
    %ge3A_100 = vector.broadcast %ge3A_99 : f32 to vector<16xf32>
    %ge3A_101 = arith.cmpf oge, %add3A_47, %ge3A_100 : vector<16xf32>
    %and3A_102 = arith.andi %and3A_98, %ge3A_101 : vector<16xi1>
    %le3A_103 = arith.constant 3.100000e+01 : f32
    %le3A_104 = vector.broadcast %le3A_103 : f32 to vector<16xf32>
    %le3A_105 = arith.cmpf ole, %add3A_47, %le3A_104 : vector<16xf32>
    %and3A_106 = arith.andi %and3A_102, %le3A_105 : vector<16xi1>
    %jit3A_107 = arith.constant 0.000000e+00 : f32
    %jit3A_108 = arith.constant 3.100000e+01 : f32
    %max3A_109 = vector.broadcast %jit3A_107 : f32 to vector<16xf32>
    %max3A_110 = arith.maximumf %max3A_109, %select_n3A : vector<16xf32>
    %min3A_111 = vector.broadcast %jit3A_108 : f32 to vector<16xf32>
    %min3A_112 = arith.minimumf %min3A_111, %max3A_110 : vector<16xf32>
    %convert_element_type3A_113 = arith.fptosi %min3A_112 : vector<16xf32> to vector<16xi32>
    %jit3A_114 = arith.constant 0.000000e+00 : f32
    %jit3A_115 = arith.constant 3.100000e+01 : f32
    %max3A_116 = vector.broadcast %jit3A_114 : f32 to vector<16xf32>
    %max3A_117 = arith.maximumf %max3A_116, %add3A_47 : vector<16xf32>
    %min3A_118 = vector.broadcast %jit3A_115 : f32 to vector<16xf32>
    %min3A_119 = arith.minimumf %min3A_118, %max3A_117 : vector<16xf32>
    %convert_element_type3A_120 = arith.fptosi %min3A_119 : vector<16xf32> to vector<16xi32>
    %mul3A_121 = arith.constant 32 : i32
    %mul3A_122 = vector.broadcast %mul3A_121 : i32 to vector<16xi32>
    %mul3A_123 = arith.muli %convert_element_type3A_113, %mul3A_122 : vector<16xi32>
    %add3A_124 = arith.addi %mul3A_123, %convert_element_type3A_120 : vector<16xi32>
    %swap3A_125 = arith.constant 32 : index
    %swap3A_126 = tpu.vector_load %arg7[%swap3A_125] {strides = array<i32>} : memref<128xi32, #tpu.memory_space<vmem>>, vector<16xi32>,
    tpu.vector_store %arg7[%swap3A_125], %add3A_124 {strides = array<i32>} : memref<128xi32, #tpu.memory_space<vmem>>, vector<16xi32>,
    %jit3A_127 = arith.constant 0.000000e+00 : f32
    %broadcast_in_dim3A_128 = vector.broadcast %jit3A_127 : f32 to vector<16xf32>
    %select_n3A_129 = arith.select %and3A_106, %mul3A_57, %broadcast_in_dim3A_128 : vector<16xi1>, vector<16xf32>
    %swap3A_130 = arith.constant 32 : index
    %swap3A_131 = tpu.vector_load %arg8[%swap3A_130] {strides = array<i32>} : memref<128xf32, #tpu.memory_space<vmem>>, vector<16xf32>,
    tpu.vector_store %arg8[%swap3A_130], %select_n3A_129 {strides = array<i32>} : memref<128xf32, #tpu.memory_space<vmem>>, vector<16xf32>,
    %ge3A_132 = arith.constant 0.000000e+00 : f32
    %ge3A_133 = vector.broadcast %ge3A_132 : f32 to vector<16xf32>
    %ge3A_134 = arith.cmpf oge, %add3A_44, %ge3A_133 : vector<16xf32>
    %le3A_135 = arith.constant 3.100000e+01 : f32
    %le3A_136 = vector.broadcast %le3A_135 : f32 to vector<16xf32>
    %le3A_137 = arith.cmpf ole, %add3A_44, %le3A_136 : vector<16xf32>
    %and3A_138 = arith.andi %ge3A_134, %le3A_137 : vector<16xi1>
    %ge3A_139 = arith.constant 0.000000e+00 : f32
    %ge3A_140 = vector.broadcast %ge3A_139 : f32 to vector<16xf32>
    %ge3A_141 = arith.cmpf oge, %select_n3A_41, %ge3A_140 : vector<16xf32>
    %and3A_142 = arith.andi %and3A_138, %ge3A_141 : vector<16xi1>
    %le3A_143 = arith.constant 3.100000e+01 : f32
    %le3A_144 = vector.broadcast %le3A_143 : f32 to vector<16xf32>
    %le3A_145 = arith.cmpf ole, %select_n3A_41, %le3A_144 : vector<16xf32>
    %and3A_146 = arith.andi %and3A_142, %le3A_145 : vector<16xi1>
    %jit3A_147 = arith.constant 0.000000e+00 : f32
    %jit3A_148 = arith.constant 3.100000e+01 : f32
    %max3A_149 = vector.broadcast %jit3A_147 : f32 to vector<16xf32>
    %max3A_150 = arith.maximumf %max3A_149, %add3A_44 : vector<16xf32>
    %min3A_151 = vector.broadcast %jit3A_148 : f32 to vector<16xf32>
    %min3A_152 = arith.minimumf %min3A_151, %max3A_150 : vector<16xf32>
    %convert_element_type3A_153 = arith.fptosi %min3A_152 : vector<16xf32> to vector<16xi32>
    %jit3A_154 = arith.constant 0.000000e+00 : f32
    %jit3A_155 = arith.constant 3.100000e+01 : f32
    %max3A_156 = vector.broadcast %jit3A_154 : f32 to vector<16xf32>
    %max3A_157 = arith.maximumf %max3A_156, %select_n3A_41 : vector<16xf32>
    %min3A_158 = vector.broadcast %jit3A_155 : f32 to vector<16xf32>
    %min3A_159 = arith.minimumf %min3A_158, %max3A_157 : vector<16xf32>
    %convert_element_type3A_160 = arith.fptosi %min3A_159 : vector<16xf32> to vector<16xi32>
    %mul3A_161 = arith.constant 32 : i32
    %mul3A_162 = vector.broadcast %mul3A_161 : i32 to vector<16xi32>
    %mul3A_163 = arith.muli %convert_element_type3A_153, %mul3A_162 : vector<16xi32>
    %add3A_164 = arith.addi %mul3A_163, %convert_element_type3A_160 : vector<16xi32>
    %swap3A_165 = arith.constant 64 : index
    %swap3A_166 = tpu.vector_load %arg7[%swap3A_165] {strides = array<i32>} : memref<128xi32, #tpu.memory_space<vmem>>, vector<16xi32>,
    tpu.vector_store %arg7[%swap3A_165], %add3A_164 {strides = array<i32>} : memref<128xi32, #tpu.memory_space<vmem>>, vector<16xi32>,
    %jit3A_167 = arith.constant 0.000000e+00 : f32
    %broadcast_in_dim3A_168 = vector.broadcast %jit3A_167 : f32 to vector<16xf32>
    %select_n3A_169 = arith.select %and3A_146, %mul3A_58, %broadcast_in_dim3A_168 : vector<16xi1>, vector<16xf32>
    %swap3A_170 = arith.constant 64 : index
    %swap3A_171 = tpu.vector_load %arg8[%swap3A_170] {strides = array<i32>} : memref<128xf32, #tpu.memory_space<vmem>>, vector<16xf32>,
    tpu.vector_store %arg8[%swap3A_170], %select_n3A_169 {strides = array<i32>} : memref<128xf32, #tpu.memory_space<vmem>>, vector<16xf32>,
    %ge3A_172 = arith.constant 0.000000e+00 : f32
    %ge3A_173 = vector.broadcast %ge3A_172 : f32 to vector<16xf32>
    %ge3A_174 = arith.cmpf oge, %add3A_44, %ge3A_173 : vector<16xf32>
    %le3A_175 = arith.constant 3.100000e+01 : f32
    %le3A_176 = vector.broadcast %le3A_175 : f32 to vector<16xf32>
    %le3A_177 = arith.cmpf ole, %add3A_44, %le3A_176 : vector<16xf32>
    %and3A_178 = arith.andi %ge3A_174, %le3A_177 : vector<16xi1>
    %ge3A_179 = arith.constant 0.000000e+00 : f32
    %ge3A_180 = vector.broadcast %ge3A_179 : f32 to vector<16xf32>
    %ge3A_181 = arith.cmpf oge, %add3A_47, %ge3A_180 : vector<16xf32>
    %and3A_182 = arith.andi %and3A_178, %ge3A_181 : vector<16xi1>
    %le3A_183 = arith.constant 3.100000e+01 : f32
    %le3A_184 = vector.broadcast %le3A_183 : f32 to vector<16xf32>
    %le3A_185 = arith.cmpf ole, %add3A_47, %le3A_184 : vector<16xf32>
    %and3A_186 = arith.andi %and3A_182, %le3A_185 : vector<16xi1>
    %jit3A_187 = arith.constant 0.000000e+00 : f32
    %jit3A_188 = arith.constant 3.100000e+01 : f32
    %max3A_189 = vector.broadcast %jit3A_187 : f32 to vector<16xf32>
    %max3A_190 = arith.maximumf %max3A_189, %add3A_44 : vector<16xf32>
    %min3A_191 = vector.broadcast %jit3A_188 : f32 to vector<16xf32>
    %min3A_192 = arith.minimumf %min3A_191, %max3A_190 : vector<16xf32>
    %convert_element_type3A_193 = arith.fptosi %min3A_192 : vector<16xf32> to vector<16xi32>
    %jit3A_194 = arith.constant 0.000000e+00 : f32
    %jit3A_195 = arith.constant 3.100000e+01 : f32
    %max3A_196 = vector.broadcast %jit3A_194 : f32 to vector<16xf32>
    %max3A_197 = arith.maximumf %max3A_196, %add3A_47 : vector<16xf32>
    %min3A_198 = vector.broadcast %jit3A_195 : f32 to vector<16xf32>
    %min3A_199 = arith.minimumf %min3A_198, %max3A_197 : vector<16xf32>
    %convert_element_type3A_200 = arith.fptosi %min3A_199 : vector<16xf32> to vector<16xi32>
    %mul3A_201 = arith.constant 32 : i32
    %mul3A_202 = vector.broadcast %mul3A_201 : i32 to vector<16xi32>
    %mul3A_203 = arith.muli %convert_element_type3A_193, %mul3A_202 : vector<16xi32>
    %add3A_204 = arith.addi %mul3A_203, %convert_element_type3A_200 : vector<16xi32>
    %swap3A_205 = arith.constant 96 : index
    %swap3A_206 = tpu.vector_load %arg7[%swap3A_205] {strides = array<i32>} : memref<128xi32, #tpu.memory_space<vmem>>, vector<16xi32>,
    tpu.vector_store %arg7[%swap3A_205], %add3A_204 {strides = array<i32>} : memref<128xi32, #tpu.memory_space<vmem>>, vector<16xi32>,
    %jit3A_207 = arith.constant 0.000000e+00 : f32
    %broadcast_in_dim3A_208 = vector.broadcast %jit3A_207 : f32 to vector<16xf32>
    %select_n3A_209 = arith.select %and3A_186, %mul3A_59, %broadcast_in_dim3A_208 : vector<16xi1>, vector<16xf32>
    %swap3A_210 = arith.constant 96 : index
    %swap3A_211 = tpu.vector_load %arg8[%swap3A_210] {strides = array<i32>} : memref<128xf32, #tpu.memory_space<vmem>>, vector<16xf32>,
    tpu.vector_store %arg8[%swap3A_210], %select_n3A_209 {strides = array<i32>} : memref<128xf32, #tpu.memory_space<vmem>>, vector<16xf32>,
    %add3A_212 = arith.constant 16 : i32
    %add3A_213 = vector.broadcast %add3A_212 : i32 to vector<16xi32>
    %add3A_214 = arith.addi %add3A_213, %iota3A : vector<16xi32>
    %mul3A_215 = arith.constant 2 : i32
    %mul3A_216 = vector.broadcast %mul3A_215 : i32 to vector<16xi32>
    %mul3A_217 = arith.muli %add3A_214, %mul3A_216 : vector<16xi32>
    %gather3A_218 = tpu.vector_load_idx %arg6[%mul3A_217] : memref<64xf32, #tpu.memory_space<vmem>>[vector<16xi32>], vector<16xf32>,
    %add3A_219 = arith.constant 16 : i32
    %add3A_220 = vector.broadcast %add3A_219 : i32 to vector<16xi32>
    %add3A_221 = arith.addi %add3A_220, %iota3A : vector<16xi32>
    %mul3A_222 = arith.constant 2 : i32
    %mul3A_223 = vector.broadcast %mul3A_222 : i32 to vector<16xi32>
    %mul3A_224 = arith.muli %add3A_221, %mul3A_223 : vector<16xi32>
    %add3A_225 = arith.constant 1 : i32
    %add3A_226 = vector.broadcast %add3A_225 : i32 to vector<16xi32>
    %add3A_227 = arith.addi %mul3A_224, %add3A_226 : vector<16xi32>
    %gather3A_228 = tpu.vector_load_idx %arg6[%add3A_227] : memref<64xf32, #tpu.memory_space<vmem>>[vector<16xi32>], vector<16xf32>,
    %div3A_229 = arith.constant 1.600000e+01 : f32
    %div3A_230 = vector.broadcast %div3A_229 : f32 to vector<16xf32>
    %div3A_231 = arith.divf %gather3A_218, %div3A_230 : vector<16xf32>
    %sub3A_232 = arith.constant 5.000000e-01 : f32
    %sub3A_233 = vector.broadcast %sub3A_232 : f32 to vector<16xf32>
    %sub3A_234 = arith.subf %div3A_231, %sub3A_233 : vector<16xf32>
    %div3A_235 = arith.constant 1.600000e+01 : f32
    %div3A_236 = vector.broadcast %div3A_235 : f32 to vector<16xf32>
    %div3A_237 = arith.divf %gather3A_228, %div3A_236 : vector<16xf32>
    %sub3A_238 = arith.constant 5.000000e-01 : f32
    %sub3A_239 = vector.broadcast %sub3A_238 : f32 to vector<16xf32>
    %sub3A_240 = arith.subf %div3A_237, %sub3A_239 : vector<16xf32>
    %convert_element_type3A_241 = arith.fptosi %sub3A_234 : vector<16xf32> to vector<16xi32>
    %convert_element_type3A_242 = arith.sitofp %convert_element_type3A_241 : vector<16xi32> to vector<16xf32>
    %lt3A_243 = arith.cmpf olt, %sub3A_234, %convert_element_type3A_242 : vector<16xf32>
    %sub3A_244 = arith.constant 1.000000e+00 : f32
    %sub3A_245 = vector.broadcast %sub3A_244 : f32 to vector<16xf32>
    %sub3A_246 = arith.subf %convert_element_type3A_242, %sub3A_245 : vector<16xf32>
    %select_n3A_247 = arith.select %lt3A_243, %sub3A_246, %convert_element_type3A_242 : vector<16xi1>, vector<16xf32>
    %convert_element_type3A_248 = arith.fptosi %sub3A_240 : vector<16xf32> to vector<16xi32>
    %convert_element_type3A_249 = arith.sitofp %convert_element_type3A_248 : vector<16xi32> to vector<16xf32>
    %lt3A_250 = arith.cmpf olt, %sub3A_240, %convert_element_type3A_249 : vector<16xf32>
    %sub3A_251 = arith.constant 1.000000e+00 : f32
    %sub3A_252 = vector.broadcast %sub3A_251 : f32 to vector<16xf32>
    %sub3A_253 = arith.subf %convert_element_type3A_249, %sub3A_252 : vector<16xf32>
    %select_n3A_254 = arith.select %lt3A_250, %sub3A_253, %convert_element_type3A_249 : vector<16xi1>, vector<16xf32>
    %add3A_255 = arith.constant 1.000000e+00 : f32
    %add3A_256 = vector.broadcast %add3A_255 : f32 to vector<16xf32>
    %add3A_257 = arith.addf %select_n3A_247, %add3A_256 : vector<16xf32>
    %add3A_258 = arith.constant 1.000000e+00 : f32
    %add3A_259 = vector.broadcast %add3A_258 : f32 to vector<16xf32>
    %add3A_260 = arith.addf %select_n3A_254, %add3A_259 : vector<16xf32>
    %sub3A_261 = arith.subf %sub3A_240, %select_n3A_254 : vector<16xf32>
    %sub3A_262 = arith.constant 1.000000e+00 : f32
    %sub3A_263 = vector.broadcast %sub3A_262 : f32 to vector<16xf32>
    %sub3A_264 = arith.subf %sub3A_263, %sub3A_261 : vector<16xf32>
    %sub3A_265 = arith.subf %sub3A_234, %select_n3A_247 : vector<16xf32>
    %sub3A_266 = arith.constant 1.000000e+00 : f32
    %sub3A_267 = vector.broadcast %sub3A_266 : f32 to vector<16xf32>
    %sub3A_268 = arith.subf %sub3A_267, %sub3A_265 : vector<16xf32>
    %mul3A_269 = arith.mulf %sub3A_268, %sub3A_264 : vector<16xf32>
    %mul3A_270 = arith.mulf %sub3A_268, %sub3A_261 : vector<16xf32>
    %mul3A_271 = arith.mulf %sub3A_265, %sub3A_264 : vector<16xf32>
    %mul3A_272 = arith.mulf %sub3A_265, %sub3A_261 : vector<16xf32>
    %ge3A_273 = arith.constant 0.000000e+00 : f32
    %ge3A_274 = vector.broadcast %ge3A_273 : f32 to vector<16xf32>
    %ge3A_275 = arith.cmpf oge, %select_n3A_247, %ge3A_274 : vector<16xf32>
    %le3A_276 = arith.constant 3.100000e+01 : f32
    %le3A_277 = vector.broadcast %le3A_276 : f32 to vector<16xf32>
    %le3A_278 = arith.cmpf ole, %select_n3A_247, %le3A_277 : vector<16xf32>
    %and3A_279 = arith.andi %ge3A_275, %le3A_278 : vector<16xi1>
    %ge3A_280 = arith.constant 0.000000e+00 : f32
    %ge3A_281 = vector.broadcast %ge3A_280 : f32 to vector<16xf32>
    %ge3A_282 = arith.cmpf oge, %select_n3A_254, %ge3A_281 : vector<16xf32>
    %and3A_283 = arith.andi %and3A_279, %ge3A_282 : vector<16xi1>
    %le3A_284 = arith.constant 3.100000e+01 : f32
    %le3A_285 = vector.broadcast %le3A_284 : f32 to vector<16xf32>
    %le3A_286 = arith.cmpf ole, %select_n3A_254, %le3A_285 : vector<16xf32>
    %and3A_287 = arith.andi %and3A_283, %le3A_286 : vector<16xi1>
    %jit3A_288 = arith.constant 0.000000e+00 : f32
    %jit3A_289 = arith.constant 3.100000e+01 : f32
    %max3A_290 = vector.broadcast %jit3A_288 : f32 to vector<16xf32>
    %max3A_291 = arith.maximumf %max3A_290, %select_n3A_247 : vector<16xf32>
    %min3A_292 = vector.broadcast %jit3A_289 : f32 to vector<16xf32>
    %min3A_293 = arith.minimumf %min3A_292, %max3A_291 : vector<16xf32>
    %convert_element_type3A_294 = arith.fptosi %min3A_293 : vector<16xf32> to vector<16xi32>
    %jit3A_295 = arith.constant 0.000000e+00 : f32
    %jit3A_296 = arith.constant 3.100000e+01 : f32
    %max3A_297 = vector.broadcast %jit3A_295 : f32 to vector<16xf32>
    %max3A_298 = arith.maximumf %max3A_297, %select_n3A_254 : vector<16xf32>
    %min3A_299 = vector.broadcast %jit3A_296 : f32 to vector<16xf32>
    %min3A_300 = arith.minimumf %min3A_299, %max3A_298 : vector<16xf32>
    %convert_element_type3A_301 = arith.fptosi %min3A_300 : vector<16xf32> to vector<16xi32>
    %mul3A_302 = arith.constant 32 : i32
    %mul3A_303 = vector.broadcast %mul3A_302 : i32 to vector<16xi32>
    %mul3A_304 = arith.muli %convert_element_type3A_294, %mul3A_303 : vector<16xi32>
    %add3A_305 = arith.addi %mul3A_304, %convert_element_type3A_301 : vector<16xi32>
    %swap3A_306 = arith.constant 16 : index
    %swap3A_307 = tpu.vector_load %arg7[%swap3A_306] {strides = array<i32>} : memref<128xi32, #tpu.memory_space<vmem>>, vector<16xi32>,
    tpu.vector_store %arg7[%swap3A_306], %add3A_305 {strides = array<i32>} : memref<128xi32, #tpu.memory_space<vmem>>, vector<16xi32>,
    %jit3A_308 = arith.constant 0.000000e+00 : f32
    %broadcast_in_dim3A_309 = vector.broadcast %jit3A_308 : f32 to vector<16xf32>
    %select_n3A_310 = arith.select %and3A_287, %mul3A_269, %broadcast_in_dim3A_309 : vector<16xi1>, vector<16xf32>
    %swap3A_311 = arith.constant 16 : index
    %swap3A_312 = tpu.vector_load %arg8[%swap3A_311] {strides = array<i32>} : memref<128xf32, #tpu.memory_space<vmem>>, vector<16xf32>,
    tpu.vector_store %arg8[%swap3A_311], %select_n3A_310 {strides = array<i32>} : memref<128xf32, #tpu.memory_space<vmem>>, vector<16xf32>,
    %ge3A_313 = arith.constant 0.000000e+00 : f32
    %ge3A_314 = vector.broadcast %ge3A_313 : f32 to vector<16xf32>
    %ge3A_315 = arith.cmpf oge, %select_n3A_247, %ge3A_314 : vector<16xf32>
    %le3A_316 = arith.constant 3.100000e+01 : f32
    %le3A_317 = vector.broadcast %le3A_316 : f32 to vector<16xf32>
    %le3A_318 = arith.cmpf ole, %select_n3A_247, %le3A_317 : vector<16xf32>
    %and3A_319 = arith.andi %ge3A_315, %le3A_318 : vector<16xi1>
    %ge3A_320 = arith.constant 0.000000e+00 : f32
    %ge3A_321 = vector.broadcast %ge3A_320 : f32 to vector<16xf32>
    %ge3A_322 = arith.cmpf oge, %add3A_260, %ge3A_321 : vector<16xf32>
    %and3A_323 = arith.andi %and3A_319, %ge3A_322 : vector<16xi1>
    %le3A_324 = arith.constant 3.100000e+01 : f32
    %le3A_325 = vector.broadcast %le3A_324 : f32 to vector<16xf32>
    %le3A_326 = arith.cmpf ole, %add3A_260, %le3A_325 : vector<16xf32>
    %and3A_327 = arith.andi %and3A_323, %le3A_326 : vector<16xi1>
    %jit3A_328 = arith.constant 0.000000e+00 : f32
    %jit3A_329 = arith.constant 3.100000e+01 : f32
    %max3A_330 = vector.broadcast %jit3A_328 : f32 to vector<16xf32>
    %max3A_331 = arith.maximumf %max3A_330, %select_n3A_247 : vector<16xf32>
    %min3A_332 = vector.broadcast %jit3A_329 : f32 to vector<16xf32>
    %min3A_333 = arith.minimumf %min3A_332, %max3A_331 : vector<16xf32>
    %convert_element_type3A_334 = arith.fptosi %min3A_333 : vector<16xf32> to vector<16xi32>
    %jit3A_335 = arith.constant 0.000000e+00 : f32
    %jit3A_336 = arith.constant 3.100000e+01 : f32
    %max3A_337 = vector.broadcast %jit3A_335 : f32 to vector<16xf32>
    %max3A_338 = arith.maximumf %max3A_337, %add3A_260 : vector<16xf32>
    %min3A_339 = vector.broadcast %jit3A_336 : f32 to vector<16xf32>
    %min3A_340 = arith.minimumf %min3A_339, %max3A_338 : vector<16xf32>
    %convert_element_type3A_341 = arith.fptosi %min3A_340 : vector<16xf32> to vector<16xi32>
    %mul3A_342 = arith.constant 32 : i32
    %mul3A_343 = vector.broadcast %mul3A_342 : i32 to vector<16xi32>
    %mul3A_344 = arith.muli %convert_element_type3A_334, %mul3A_343 : vector<16xi32>
    %add3A_345 = arith.addi %mul3A_344, %convert_element_type3A_341 : vector<16xi32>
    %swap3A_346 = arith.constant 48 : index
    %swap3A_347 = tpu.vector_load %arg7[%swap3A_346] {strides = array<i32>} : memref<128xi32, #tpu.memory_space<vmem>>, vector<16xi32>,
    tpu.vector_store %arg7[%swap3A_346], %add3A_345 {strides = array<i32>} : memref<128xi32, #tpu.memory_space<vmem>>, vector<16xi32>,
    %jit3A_348 = arith.constant 0.000000e+00 : f32
    %broadcast_in_dim3A_349 = vector.broadcast %jit3A_348 : f32 to vector<16xf32>
    %select_n3A_350 = arith.select %and3A_327, %mul3A_270, %broadcast_in_dim3A_349 : vector<16xi1>, vector<16xf32>
    %swap3A_351 = arith.constant 48 : index
    %swap3A_352 = tpu.vector_load %arg8[%swap3A_351] {strides = array<i32>} : memref<128xf32, #tpu.memory_space<vmem>>, vector<16xf32>,
    tpu.vector_store %arg8[%swap3A_351], %select_n3A_350 {strides = array<i32>} : memref<128xf32, #tpu.memory_space<vmem>>, vector<16xf32>,
    %ge3A_353 = arith.constant 0.000000e+00 : f32
    %ge3A_354 = vector.broadcast %ge3A_353 : f32 to vector<16xf32>
    %ge3A_355 = arith.cmpf oge, %add3A_257, %ge3A_354 : vector<16xf32>
    %le3A_356 = arith.constant 3.100000e+01 : f32
    %le3A_357 = vector.broadcast %le3A_356 : f32 to vector<16xf32>
    %le3A_358 = arith.cmpf ole, %add3A_257, %le3A_357 : vector<16xf32>
    %and3A_359 = arith.andi %ge3A_355, %le3A_358 : vector<16xi1>
    %ge3A_360 = arith.constant 0.000000e+00 : f32
    %ge3A_361 = vector.broadcast %ge3A_360 : f32 to vector<16xf32>
    %ge3A_362 = arith.cmpf oge, %select_n3A_254, %ge3A_361 : vector<16xf32>
    %and3A_363 = arith.andi %and3A_359, %ge3A_362 : vector<16xi1>
    %le3A_364 = arith.constant 3.100000e+01 : f32
    %le3A_365 = vector.broadcast %le3A_364 : f32 to vector<16xf32>
    %le3A_366 = arith.cmpf ole, %select_n3A_254, %le3A_365 : vector<16xf32>
    %and3A_367 = arith.andi %and3A_363, %le3A_366 : vector<16xi1>
    %jit3A_368 = arith.constant 0.000000e+00 : f32
    %jit3A_369 = arith.constant 3.100000e+01 : f32
    %max3A_370 = vector.broadcast %jit3A_368 : f32 to vector<16xf32>
    %max3A_371 = arith.maximumf %max3A_370, %add3A_257 : vector<16xf32>
    %min3A_372 = vector.broadcast %jit3A_369 : f32 to vector<16xf32>
    %min3A_373 = arith.minimumf %min3A_372, %max3A_371 : vector<16xf32>
    %convert_element_type3A_374 = arith.fptosi %min3A_373 : vector<16xf32> to vector<16xi32>
    %jit3A_375 = arith.constant 0.000000e+00 : f32
    %jit3A_376 = arith.constant 3.100000e+01 : f32
    %max3A_377 = vector.broadcast %jit3A_375 : f32 to vector<16xf32>
    %max3A_378 = arith.maximumf %max3A_377, %select_n3A_254 : vector<16xf32>
    %min3A_379 = vector.broadcast %jit3A_376 : f32 to vector<16xf32>
    %min3A_380 = arith.minimumf %min3A_379, %max3A_378 : vector<16xf32>
    %convert_element_type3A_381 = arith.fptosi %min3A_380 : vector<16xf32> to vector<16xi32>
    %mul3A_382 = arith.constant 32 : i32
    %mul3A_383 = vector.broadcast %mul3A_382 : i32 to vector<16xi32>
    %mul3A_384 = arith.muli %convert_element_type3A_374, %mul3A_383 : vector<16xi32>
    %add3A_385 = arith.addi %mul3A_384, %convert_element_type3A_381 : vector<16xi32>
    %swap3A_386 = arith.constant 80 : index
    %swap3A_387 = tpu.vector_load %arg7[%swap3A_386] {strides = array<i32>} : memref<128xi32, #tpu.memory_space<vmem>>, vector<16xi32>,
    tpu.vector_store %arg7[%swap3A_386], %add3A_385 {strides = array<i32>} : memref<128xi32, #tpu.memory_space<vmem>>, vector<16xi32>,
    %jit3A_388 = arith.constant 0.000000e+00 : f32
    %broadcast_in_dim3A_389 = vector.broadcast %jit3A_388 : f32 to vector<16xf32>
    %select_n3A_390 = arith.select %and3A_367, %mul3A_271, %broadcast_in_dim3A_389 : vector<16xi1>, vector<16xf32>
    %swap3A_391 = arith.constant 80 : index
    %swap3A_392 = tpu.vector_load %arg8[%swap3A_391] {strides = array<i32>} : memref<128xf32, #tpu.memory_space<vmem>>, vector<16xf32>,
    tpu.vector_store %arg8[%swap3A_391], %select_n3A_390 {strides = array<i32>} : memref<128xf32, #tpu.memory_space<vmem>>, vector<16xf32>,
    %ge3A_393 = arith.constant 0.000000e+00 : f32
    %ge3A_394 = vector.broadcast %ge3A_393 : f32 to vector<16xf32>
    %ge3A_395 = arith.cmpf oge, %add3A_257, %ge3A_394 : vector<16xf32>
    %le3A_396 = arith.constant 3.100000e+01 : f32
    %le3A_397 = vector.broadcast %le3A_396 : f32 to vector<16xf32>
    %le3A_398 = arith.cmpf ole, %add3A_257, %le3A_397 : vector<16xf32>
    %and3A_399 = arith.andi %ge3A_395, %le3A_398 : vector<16xi1>
    %ge3A_400 = arith.constant 0.000000e+00 : f32
    %ge3A_401 = vector.broadcast %ge3A_400 : f32 to vector<16xf32>
    %ge3A_402 = arith.cmpf oge, %add3A_260, %ge3A_401 : vector<16xf32>
    %and3A_403 = arith.andi %and3A_399, %ge3A_402 : vector<16xi1>
    %le3A_404 = arith.constant 3.100000e+01 : f32
    %le3A_405 = vector.broadcast %le3A_404 : f32 to vector<16xf32>
    %le3A_406 = arith.cmpf ole, %add3A_260, %le3A_405 : vector<16xf32>
    %and3A_407 = arith.andi %and3A_403, %le3A_406 : vector<16xi1>
    %jit3A_408 = arith.constant 0.000000e+00 : f32
    %jit3A_409 = arith.constant 3.100000e+01 : f32
    %max3A_410 = vector.broadcast %jit3A_408 : f32 to vector<16xf32>
    %max3A_411 = arith.maximumf %max3A_410, %add3A_257 : vector<16xf32>
    %min3A_412 = vector.broadcast %jit3A_409 : f32 to vector<16xf32>
    %min3A_413 = arith.minimumf %min3A_412, %max3A_411 : vector<16xf32>
    %convert_element_type3A_414 = arith.fptosi %min3A_413 : vector<16xf32> to vector<16xi32>
    %jit3A_415 = arith.constant 0.000000e+00 : f32
    %jit3A_416 = arith.constant 3.100000e+01 : f32
    %max3A_417 = vector.broadcast %jit3A_415 : f32 to vector<16xf32>
    %max3A_418 = arith.maximumf %max3A_417, %add3A_260 : vector<16xf32>
    %min3A_419 = vector.broadcast %jit3A_416 : f32 to vector<16xf32>
    %min3A_420 = arith.minimumf %min3A_419, %max3A_418 : vector<16xf32>
    %convert_element_type3A_421 = arith.fptosi %min3A_420 : vector<16xf32> to vector<16xi32>
    %mul3A_422 = arith.constant 32 : i32
    %mul3A_423 = vector.broadcast %mul3A_422 : i32 to vector<16xi32>
    %mul3A_424 = arith.muli %convert_element_type3A_414, %mul3A_423 : vector<16xi32>
    %add3A_425 = arith.addi %mul3A_424, %convert_element_type3A_421 : vector<16xi32>
    %swap3A_426 = arith.constant 112 : index
    %swap3A_427 = tpu.vector_load %arg7[%swap3A_426] {strides = array<i32>} : memref<128xi32, #tpu.memory_space<vmem>>, vector<16xi32>,
    tpu.vector_store %arg7[%swap3A_426], %add3A_425 {strides = array<i32>} : memref<128xi32, #tpu.memory_space<vmem>>, vector<16xi32>,
    %jit3A_428 = arith.constant 0.000000e+00 : f32
    %broadcast_in_dim3A_429 = vector.broadcast %jit3A_428 : f32 to vector<16xf32>
    %select_n3A_430 = arith.select %and3A_407, %mul3A_272, %broadcast_in_dim3A_429 : vector<16xi1>, vector<16xf32>
    %swap3A_431 = arith.constant 112 : index
    %swap3A_432 = tpu.vector_load %arg8[%swap3A_431] {strides = array<i32>} : memref<128xf32, #tpu.memory_space<vmem>>, vector<16xf32>,
    tpu.vector_store %arg8[%swap3A_431], %select_n3A_430 {strides = array<i32>} : memref<128xf32, #tpu.memory_space<vmem>>, vector<16xf32>,
    %dma_start3A = arith.constant 0 : i32
    %dma_start3A_433 = arith.constant 0 : i32
    %dma_start3A_434 = tpu.memref_slice %arg4[%dma_start3A, %dma_start3A_433] : memref<1024x192xf32, #tpu.memory_space<hbm>> -> memref<1024x192xf32, #tpu.memory_space<hbm>>
    tpu.enqueue_indirect_dma source(%dma_start3A_434 : memref<1024x192xf32, #tpu.memory_space<hbm>>) target(%arg9 : memref<128x192xf32, #tpu.memory_space<vmem>>) offsets(%arg7 : memref<128xi32, #tpu.memory_space<vmem>>) semaphore(%arg12 : memref<!tpu.dma_semaphore, #tpu.memory_space<semaphore_mem>>)
    %dma_wait3A = arith.constant 0 : i32
    %dma_wait3A_435 = arith.constant 0 : i32
    %dma_wait3A_436 = tpu.memref_slice %arg4[%dma_wait3A, %dma_wait3A_435] : memref<1024x192xf32, #tpu.memory_space<hbm>> -> memref<1024x192xf32, #tpu.memory_space<hbm>>
    tpu.wait_indirect_dma semaphore(%arg12 : memref<!tpu.dma_semaphore, #tpu.memory_space<semaphore_mem>>) src(%dma_wait3A_436 : memref<1024x192xf32, #tpu.memory_space<hbm>>) dst(%arg9 : memref<128x192xf32, #tpu.memory_space<vmem>>)
    %broadcast_in_dim3A_437 = arith.constant 0.000000e+00 : f32
    %broadcast_in_dim3A_438 = vector.broadcast %broadcast_in_dim3A_437 : f32 to vector<16xf32>
    %parallel_loop3A = arith.constant 0 : i32
    %parallel_loop3A_439 = arith.constant 32 : i32
    %parallel_loop3A_440 = arith.constant 1 : i32
    %parallel_loop3A_441:4 = scf.for %parallel_loop3A_534 = %parallel_loop3A to %parallel_loop3A_439 step %parallel_loop3A_440 iter_args(%parallel_loop3A_535 = %broadcast_in_dim3A_438, %parallel_loop3A_536 = %broadcast_in_dim3A_438, %parallel_loop3A_537 = %broadcast_in_dim3A_438, %parallel_loop3A_538 = %broadcast_in_dim3A_438) -> (vector<16xf32>, vector<16xf32>, vector<16xf32>, vector<16xf32>)  : i32 {
      %parallel_loop3A_539 = arith.constant 0 : i32
      %parallel_loop3A_540 = arith.addi %parallel_loop3A_539, %parallel_loop3A_534 : i32
      %parallel_loop3A_541 = vector.broadcast %parallel_loop3A_540 : i32 to vector<16xi32>
      %parallel_loop3A_542 = tpu.vector_load_idx %arg8[%parallel_loop3A_541] : memref<128xf32, #tpu.memory_space<vmem>>[vector<16xi32>], vector<16xf32>,
      %parallel_loop3A_543 = arith.constant 32 : i32
      %parallel_loop3A_544 = arith.addi %parallel_loop3A_543, %parallel_loop3A_534 : i32
      %parallel_loop3A_545 = vector.broadcast %parallel_loop3A_544 : i32 to vector<16xi32>
      %parallel_loop3A_546 = tpu.vector_load_idx %arg8[%parallel_loop3A_545] : memref<128xf32, #tpu.memory_space<vmem>>[vector<16xi32>], vector<16xf32>,
      %parallel_loop3A_547 = arith.constant 64 : i32
      %parallel_loop3A_548 = arith.addi %parallel_loop3A_547, %parallel_loop3A_534 : i32
      %parallel_loop3A_549 = vector.broadcast %parallel_loop3A_548 : i32 to vector<16xi32>
      %parallel_loop3A_550 = tpu.vector_load_idx %arg8[%parallel_loop3A_549] : memref<128xf32, #tpu.memory_space<vmem>>[vector<16xi32>], vector<16xf32>,
      %parallel_loop3A_551 = arith.constant 96 : i32
      %parallel_loop3A_552 = arith.addi %parallel_loop3A_551, %parallel_loop3A_534 : i32
      %parallel_loop3A_553 = vector.broadcast %parallel_loop3A_552 : i32 to vector<16xi32>
      %parallel_loop3A_554 = tpu.vector_load_idx %arg8[%parallel_loop3A_553] : memref<128xf32, #tpu.memory_space<vmem>>[vector<16xi32>], vector<16xf32>,
      %parallel_loop3A_555 = arith.constant 0 : i32
      %parallel_loop3A_556 = arith.addi %parallel_loop3A_555, %parallel_loop3A_534 : i32
      %parallel_loop3A_557 = arith.index_cast %parallel_loop3A_556 : i32 to index
      %parallel_loop3A_558 = arith.constant 0 : index
      %parallel_loop3A_559 = tpu.vector_load %arg9[%parallel_loop3A_557, %parallel_loop3A_558] {strides = array<i32>} : memref<128x192xf32, #tpu.memory_space<vmem>>, vector<16xf32>,
      %parallel_loop3A_560 = arith.mulf %parallel_loop3A_542, %parallel_loop3A_559 : vector<16xf32>
      %parallel_loop3A_561 = arith.constant 32 : i32
      %parallel_loop3A_562 = arith.addi %parallel_loop3A_561, %parallel_loop3A_534 : i32
      %parallel_loop3A_563 = arith.index_cast %parallel_loop3A_562 : i32 to index
      %parallel_loop3A_564 = arith.constant 0 : index
      %parallel_loop3A_565 = tpu.vector_load %arg9[%parallel_loop3A_563, %parallel_loop3A_564] {strides = array<i32>} : memref<128x192xf32, #tpu.memory_space<vmem>>, vector<16xf32>,
      %parallel_loop3A_566 = arith.mulf %parallel_loop3A_546, %parallel_loop3A_565 : vector<16xf32>
      %parallel_loop3A_567 = arith.addf %parallel_loop3A_560, %parallel_loop3A_566 : vector<16xf32>
      %parallel_loop3A_568 = arith.constant 64 : i32
      %parallel_loop3A_569 = arith.addi %parallel_loop3A_568, %parallel_loop3A_534 : i32
      %parallel_loop3A_570 = arith.index_cast %parallel_loop3A_569 : i32 to index
      %parallel_loop3A_571 = arith.constant 0 : index
      %parallel_loop3A_572 = tpu.vector_load %arg9[%parallel_loop3A_570, %parallel_loop3A_571] {strides = array<i32>} : memref<128x192xf32, #tpu.memory_space<vmem>>, vector<16xf32>,
      %parallel_loop3A_573 = arith.mulf %parallel_loop3A_550, %parallel_loop3A_572 : vector<16xf32>
      %parallel_loop3A_574 = arith.addf %parallel_loop3A_567, %parallel_loop3A_573 : vector<16xf32>
      %parallel_loop3A_575 = arith.constant 96 : i32
      %parallel_loop3A_576 = arith.addi %parallel_loop3A_575, %parallel_loop3A_534 : i32
      %parallel_loop3A_577 = arith.index_cast %parallel_loop3A_576 : i32 to index
      %parallel_loop3A_578 = arith.constant 0 : index
      %parallel_loop3A_579 = tpu.vector_load %arg9[%parallel_loop3A_577, %parallel_loop3A_578] {strides = array<i32>} : memref<128x192xf32, #tpu.memory_space<vmem>>, vector<16xf32>,
      %parallel_loop3A_580 = arith.mulf %parallel_loop3A_554, %parallel_loop3A_579 : vector<16xf32>
      %parallel_loop3A_581 = arith.addf %parallel_loop3A_574, %parallel_loop3A_580 : vector<16xf32>
      %parallel_loop3A_582 = arith.index_cast %parallel_loop3A_534 : i32 to index
      %parallel_loop3A_583 = arith.constant 0 : index
      %parallel_loop3A_584 = tpu.vector_load %arg10[%parallel_loop3A_582, %parallel_loop3A_583] {strides = array<i32>} : memref<32x192xf32, #tpu.memory_space<vmem>>, vector<16xf32>,
      %parallel_loop3A_585 = arith.mulf %parallel_loop3A_581, %parallel_loop3A_584 : vector<16xf32>
      %parallel_loop3A_586 = arith.addf %broadcast_in_dim3A_438, %parallel_loop3A_585 : vector<16xf32>
      %parallel_loop3A_587 = arith.mulf %parallel_loop3A_581, %parallel_loop3A_581 : vector<16xf32>
      %parallel_loop3A_588 = arith.addf %broadcast_in_dim3A_438, %parallel_loop3A_587 : vector<16xf32>
      %parallel_loop3A_589 = arith.constant 0 : i32
      %parallel_loop3A_590 = arith.addi %parallel_loop3A_589, %parallel_loop3A_534 : i32
      %parallel_loop3A_591 = arith.index_cast %parallel_loop3A_590 : i32 to index
      %parallel_loop3A_592 = arith.constant 16 : index
      %parallel_loop3A_593 = tpu.vector_load %arg9[%parallel_loop3A_591, %parallel_loop3A_592] {strides = array<i32>} : memref<128x192xf32, #tpu.memory_space<vmem>>, vector<16xf32>,
      %parallel_loop3A_594 = arith.mulf %parallel_loop3A_542, %parallel_loop3A_593 : vector<16xf32>
      %parallel_loop3A_595 = arith.constant 32 : i32
      %parallel_loop3A_596 = arith.addi %parallel_loop3A_595, %parallel_loop3A_534 : i32
      %parallel_loop3A_597 = arith.index_cast %parallel_loop3A_596 : i32 to index
      %parallel_loop3A_598 = arith.constant 16 : index
      %parallel_loop3A_599 = tpu.vector_load %arg9[%parallel_loop3A_597, %parallel_loop3A_598] {strides = array<i32>} : memref<128x192xf32, #tpu.memory_space<vmem>>, vector<16xf32>,
      %parallel_loop3A_600 = arith.mulf %parallel_loop3A_546, %parallel_loop3A_599 : vector<16xf32>
      %parallel_loop3A_601 = arith.addf %parallel_loop3A_594, %parallel_loop3A_600 : vector<16xf32>
      %parallel_loop3A_602 = arith.constant 64 : i32
      %parallel_loop3A_603 = arith.addi %parallel_loop3A_602, %parallel_loop3A_534 : i32
      %parallel_loop3A_604 = arith.index_cast %parallel_loop3A_603 : i32 to index
      %parallel_loop3A_605 = arith.constant 16 : index
      %parallel_loop3A_606 = tpu.vector_load %arg9[%parallel_loop3A_604, %parallel_loop3A_605] {strides = array<i32>} : memref<128x192xf32, #tpu.memory_space<vmem>>, vector<16xf32>,
      %parallel_loop3A_607 = arith.mulf %parallel_loop3A_550, %parallel_loop3A_606 : vector<16xf32>
      %parallel_loop3A_608 = arith.addf %parallel_loop3A_601, %parallel_loop3A_607 : vector<16xf32>
      %parallel_loop3A_609 = arith.constant 96 : i32
      %parallel_loop3A_610 = arith.addi %parallel_loop3A_609, %parallel_loop3A_534 : i32
      %parallel_loop3A_611 = arith.index_cast %parallel_loop3A_610 : i32 to index
      %parallel_loop3A_612 = arith.constant 16 : index
      %parallel_loop3A_613 = tpu.vector_load %arg9[%parallel_loop3A_611, %parallel_loop3A_612] {strides = array<i32>} : memref<128x192xf32, #tpu.memory_space<vmem>>, vector<16xf32>,
      %parallel_loop3A_614 = arith.mulf %parallel_loop3A_554, %parallel_loop3A_613 : vector<16xf32>
      %parallel_loop3A_615 = arith.addf %parallel_loop3A_608, %parallel_loop3A_614 : vector<16xf32>
      %parallel_loop3A_616 = arith.index_cast %parallel_loop3A_534 : i32 to index
      %parallel_loop3A_617 = arith.constant 16 : index
      %parallel_loop3A_618 = tpu.vector_load %arg10[%parallel_loop3A_616, %parallel_loop3A_617] {strides = array<i32>} : memref<32x192xf32, #tpu.memory_space<vmem>>, vector<16xf32>,
      %parallel_loop3A_619 = arith.mulf %parallel_loop3A_615, %parallel_loop3A_618 : vector<16xf32>
      %parallel_loop3A_620 = arith.addf %parallel_loop3A_586, %parallel_loop3A_619 : vector<16xf32>
      %parallel_loop3A_621 = arith.mulf %parallel_loop3A_615, %parallel_loop3A_615 : vector<16xf32>
      %parallel_loop3A_622 = arith.addf %parallel_loop3A_588, %parallel_loop3A_621 : vector<16xf32>
      %parallel_loop3A_623 = arith.constant 0 : i32
      %parallel_loop3A_624 = arith.addi %parallel_loop3A_623, %parallel_loop3A_534 : i32
      %parallel_loop3A_625 = arith.index_cast %parallel_loop3A_624 : i32 to index
      %parallel_loop3A_626 = arith.constant 32 : index
      %parallel_loop3A_627 = tpu.vector_load %arg9[%parallel_loop3A_625, %parallel_loop3A_626] {strides = array<i32>} : memref<128x192xf32, #tpu.memory_space<vmem>>, vector<16xf32>,
      %parallel_loop3A_628 = arith.mulf %parallel_loop3A_542, %parallel_loop3A_627 : vector<16xf32>
      %parallel_loop3A_629 = arith.constant 32 : i32
      %parallel_loop3A_630 = arith.addi %parallel_loop3A_629, %parallel_loop3A_534 : i32
      %parallel_loop3A_631 = arith.index_cast %parallel_loop3A_630 : i32 to index
      %parallel_loop3A_632 = arith.constant 32 : index
      %parallel_loop3A_633 = tpu.vector_load %arg9[%parallel_loop3A_631, %parallel_loop3A_632] {strides = array<i32>} : memref<128x192xf32, #tpu.memory_space<vmem>>, vector<16xf32>,
      %parallel_loop3A_634 = arith.mulf %parallel_loop3A_546, %parallel_loop3A_633 : vector<16xf32>
      %parallel_loop3A_635 = arith.addf %parallel_loop3A_628, %parallel_loop3A_634 : vector<16xf32>
      %parallel_loop3A_636 = arith.constant 64 : i32
      %parallel_loop3A_637 = arith.addi %parallel_loop3A_636, %parallel_loop3A_534 : i32
      %parallel_loop3A_638 = arith.index_cast %parallel_loop3A_637 : i32 to index
      %parallel_loop3A_639 = arith.constant 32 : index
      %parallel_loop3A_640 = tpu.vector_load %arg9[%parallel_loop3A_638, %parallel_loop3A_639] {strides = array<i32>} : memref<128x192xf32, #tpu.memory_space<vmem>>, vector<16xf32>,
      %parallel_loop3A_641 = arith.mulf %parallel_loop3A_550, %parallel_loop3A_640 : vector<16xf32>
      %parallel_loop3A_642 = arith.addf %parallel_loop3A_635, %parallel_loop3A_641 : vector<16xf32>
      %parallel_loop3A_643 = arith.constant 96 : i32
      %parallel_loop3A_644 = arith.addi %parallel_loop3A_643, %parallel_loop3A_534 : i32
      %parallel_loop3A_645 = arith.index_cast %parallel_loop3A_644 : i32 to index
      %parallel_loop3A_646 = arith.constant 32 : index
      %parallel_loop3A_647 = tpu.vector_load %arg9[%parallel_loop3A_645, %parallel_loop3A_646] {strides = array<i32>} : memref<128x192xf32, #tpu.memory_space<vmem>>, vector<16xf32>,
      %parallel_loop3A_648 = arith.mulf %parallel_loop3A_554, %parallel_loop3A_647 : vector<16xf32>
      %parallel_loop3A_649 = arith.addf %parallel_loop3A_642, %parallel_loop3A_648 : vector<16xf32>
      %parallel_loop3A_650 = arith.index_cast %parallel_loop3A_534 : i32 to index
      %parallel_loop3A_651 = arith.constant 32 : index
      %parallel_loop3A_652 = tpu.vector_load %arg10[%parallel_loop3A_650, %parallel_loop3A_651] {strides = array<i32>} : memref<32x192xf32, #tpu.memory_space<vmem>>, vector<16xf32>,
      %parallel_loop3A_653 = arith.mulf %parallel_loop3A_649, %parallel_loop3A_652 : vector<16xf32>
      %parallel_loop3A_654 = arith.addf %parallel_loop3A_620, %parallel_loop3A_653 : vector<16xf32>
      %parallel_loop3A_655 = arith.mulf %parallel_loop3A_649, %parallel_loop3A_649 : vector<16xf32>
      %parallel_loop3A_656 = arith.addf %parallel_loop3A_622, %parallel_loop3A_655 : vector<16xf32>
      %parallel_loop3A_657 = arith.constant 0 : i32
      %parallel_loop3A_658 = arith.addi %parallel_loop3A_657, %parallel_loop3A_534 : i32
      %parallel_loop3A_659 = arith.index_cast %parallel_loop3A_658 : i32 to index
      %parallel_loop3A_660 = arith.constant 48 : index
      %parallel_loop3A_661 = tpu.vector_load %arg9[%parallel_loop3A_659, %parallel_loop3A_660] {strides = array<i32>} : memref<128x192xf32, #tpu.memory_space<vmem>>, vector<16xf32>,
      %parallel_loop3A_662 = arith.mulf %parallel_loop3A_542, %parallel_loop3A_661 : vector<16xf32>
      %parallel_loop3A_663 = arith.constant 32 : i32
      %parallel_loop3A_664 = arith.addi %parallel_loop3A_663, %parallel_loop3A_534 : i32
      %parallel_loop3A_665 = arith.index_cast %parallel_loop3A_664 : i32 to index
      %parallel_loop3A_666 = arith.constant 48 : index
      %parallel_loop3A_667 = tpu.vector_load %arg9[%parallel_loop3A_665, %parallel_loop3A_666] {strides = array<i32>} : memref<128x192xf32, #tpu.memory_space<vmem>>, vector<16xf32>,
      %parallel_loop3A_668 = arith.mulf %parallel_loop3A_546, %parallel_loop3A_667 : vector<16xf32>
      %parallel_loop3A_669 = arith.addf %parallel_loop3A_662, %parallel_loop3A_668 : vector<16xf32>
      %parallel_loop3A_670 = arith.constant 64 : i32
      %parallel_loop3A_671 = arith.addi %parallel_loop3A_670, %parallel_loop3A_534 : i32
      %parallel_loop3A_672 = arith.index_cast %parallel_loop3A_671 : i32 to index
      %parallel_loop3A_673 = arith.constant 48 : index
      %parallel_loop3A_674 = tpu.vector_load %arg9[%parallel_loop3A_672, %parallel_loop3A_673] {strides = array<i32>} : memref<128x192xf32, #tpu.memory_space<vmem>>, vector<16xf32>,
      %parallel_loop3A_675 = arith.mulf %parallel_loop3A_550, %parallel_loop3A_674 : vector<16xf32>
      %parallel_loop3A_676 = arith.addf %parallel_loop3A_669, %parallel_loop3A_675 : vector<16xf32>
      %parallel_loop3A_677 = arith.constant 96 : i32
      %parallel_loop3A_678 = arith.addi %parallel_loop3A_677, %parallel_loop3A_534 : i32
      %parallel_loop3A_679 = arith.index_cast %parallel_loop3A_678 : i32 to index
      %parallel_loop3A_680 = arith.constant 48 : index
      %parallel_loop3A_681 = tpu.vector_load %arg9[%parallel_loop3A_679, %parallel_loop3A_680] {strides = array<i32>} : memref<128x192xf32, #tpu.memory_space<vmem>>, vector<16xf32>,
      %parallel_loop3A_682 = arith.mulf %parallel_loop3A_554, %parallel_loop3A_681 : vector<16xf32>
      %parallel_loop3A_683 = arith.addf %parallel_loop3A_676, %parallel_loop3A_682 : vector<16xf32>
      %parallel_loop3A_684 = arith.index_cast %parallel_loop3A_534 : i32 to index
      %parallel_loop3A_685 = arith.constant 48 : index
      %parallel_loop3A_686 = tpu.vector_load %arg10[%parallel_loop3A_684, %parallel_loop3A_685] {strides = array<i32>} : memref<32x192xf32, #tpu.memory_space<vmem>>, vector<16xf32>,
      %parallel_loop3A_687 = arith.mulf %parallel_loop3A_683, %parallel_loop3A_686 : vector<16xf32>
      %parallel_loop3A_688 = arith.addf %parallel_loop3A_654, %parallel_loop3A_687 : vector<16xf32>
      %parallel_loop3A_689 = arith.mulf %parallel_loop3A_683, %parallel_loop3A_683 : vector<16xf32>
      %parallel_loop3A_690 = arith.addf %parallel_loop3A_656, %parallel_loop3A_689 : vector<16xf32>
      %parallel_loop3A_691 = arith.constant 0 : i32
      %parallel_loop3A_692 = arith.addi %parallel_loop3A_691, %parallel_loop3A_534 : i32
      %parallel_loop3A_693 = arith.index_cast %parallel_loop3A_692 : i32 to index
      %parallel_loop3A_694 = arith.constant 64 : index
      %parallel_loop3A_695 = tpu.vector_load %arg9[%parallel_loop3A_693, %parallel_loop3A_694] {strides = array<i32>} : memref<128x192xf32, #tpu.memory_space<vmem>>, vector<16xf32>,
      %parallel_loop3A_696 = arith.mulf %parallel_loop3A_542, %parallel_loop3A_695 : vector<16xf32>
      %parallel_loop3A_697 = arith.constant 32 : i32
      %parallel_loop3A_698 = arith.addi %parallel_loop3A_697, %parallel_loop3A_534 : i32
      %parallel_loop3A_699 = arith.index_cast %parallel_loop3A_698 : i32 to index
      %parallel_loop3A_700 = arith.constant 64 : index
      %parallel_loop3A_701 = tpu.vector_load %arg9[%parallel_loop3A_699, %parallel_loop3A_700] {strides = array<i32>} : memref<128x192xf32, #tpu.memory_space<vmem>>, vector<16xf32>,
      %parallel_loop3A_702 = arith.mulf %parallel_loop3A_546, %parallel_loop3A_701 : vector<16xf32>
      %parallel_loop3A_703 = arith.addf %parallel_loop3A_696, %parallel_loop3A_702 : vector<16xf32>
      %parallel_loop3A_704 = arith.constant 64 : i32
      %parallel_loop3A_705 = arith.addi %parallel_loop3A_704, %parallel_loop3A_534 : i32
      %parallel_loop3A_706 = arith.index_cast %parallel_loop3A_705 : i32 to index
      %parallel_loop3A_707 = arith.constant 64 : index
      %parallel_loop3A_708 = tpu.vector_load %arg9[%parallel_loop3A_706, %parallel_loop3A_707] {strides = array<i32>} : memref<128x192xf32, #tpu.memory_space<vmem>>, vector<16xf32>,
      %parallel_loop3A_709 = arith.mulf %parallel_loop3A_550, %parallel_loop3A_708 : vector<16xf32>
      %parallel_loop3A_710 = arith.addf %parallel_loop3A_703, %parallel_loop3A_709 : vector<16xf32>
      %parallel_loop3A_711 = arith.constant 96 : i32
      %parallel_loop3A_712 = arith.addi %parallel_loop3A_711, %parallel_loop3A_534 : i32
      %parallel_loop3A_713 = arith.index_cast %parallel_loop3A_712 : i32 to index
      %parallel_loop3A_714 = arith.constant 64 : index
      %parallel_loop3A_715 = tpu.vector_load %arg9[%parallel_loop3A_713, %parallel_loop3A_714] {strides = array<i32>} : memref<128x192xf32, #tpu.memory_space<vmem>>, vector<16xf32>,
      %parallel_loop3A_716 = arith.mulf %parallel_loop3A_554, %parallel_loop3A_715 : vector<16xf32>
      %parallel_loop3A_717 = arith.addf %parallel_loop3A_710, %parallel_loop3A_716 : vector<16xf32>
      %parallel_loop3A_718 = arith.index_cast %parallel_loop3A_534 : i32 to index
      %parallel_loop3A_719 = arith.constant 64 : index
      %parallel_loop3A_720 = tpu.vector_load %arg10[%parallel_loop3A_718, %parallel_loop3A_719] {strides = array<i32>} : memref<32x192xf32, #tpu.memory_space<vmem>>, vector<16xf32>,
      %parallel_loop3A_721 = arith.mulf %parallel_loop3A_717, %parallel_loop3A_720 : vector<16xf32>
      %parallel_loop3A_722 = arith.addf %parallel_loop3A_688, %parallel_loop3A_721 : vector<16xf32>
      %parallel_loop3A_723 = arith.mulf %parallel_loop3A_717, %parallel_loop3A_717 : vector<16xf32>
      %parallel_loop3A_724 = arith.addf %parallel_loop3A_690, %parallel_loop3A_723 : vector<16xf32>
      %parallel_loop3A_725 = arith.constant 0 : i32
      %parallel_loop3A_726 = arith.addi %parallel_loop3A_725, %parallel_loop3A_534 : i32
      %parallel_loop3A_727 = arith.index_cast %parallel_loop3A_726 : i32 to index
      %parallel_loop3A_728 = arith.constant 80 : index
      %parallel_loop3A_729 = tpu.vector_load %arg9[%parallel_loop3A_727, %parallel_loop3A_728] {strides = array<i32>} : memref<128x192xf32, #tpu.memory_space<vmem>>, vector<16xf32>,
      %parallel_loop3A_730 = arith.mulf %parallel_loop3A_542, %parallel_loop3A_729 : vector<16xf32>
      %parallel_loop3A_731 = arith.constant 32 : i32
      %parallel_loop3A_732 = arith.addi %parallel_loop3A_731, %parallel_loop3A_534 : i32
      %parallel_loop3A_733 = arith.index_cast %parallel_loop3A_732 : i32 to index
      %parallel_loop3A_734 = arith.constant 80 : index
      %parallel_loop3A_735 = tpu.vector_load %arg9[%parallel_loop3A_733, %parallel_loop3A_734] {strides = array<i32>} : memref<128x192xf32, #tpu.memory_space<vmem>>, vector<16xf32>,
      %parallel_loop3A_736 = arith.mulf %parallel_loop3A_546, %parallel_loop3A_735 : vector<16xf32>
      %parallel_loop3A_737 = arith.addf %parallel_loop3A_730, %parallel_loop3A_736 : vector<16xf32>
      %parallel_loop3A_738 = arith.constant 64 : i32
      %parallel_loop3A_739 = arith.addi %parallel_loop3A_738, %parallel_loop3A_534 : i32
      %parallel_loop3A_740 = arith.index_cast %parallel_loop3A_739 : i32 to index
      %parallel_loop3A_741 = arith.constant 80 : index
      %parallel_loop3A_742 = tpu.vector_load %arg9[%parallel_loop3A_740, %parallel_loop3A_741] {strides = array<i32>} : memref<128x192xf32, #tpu.memory_space<vmem>>, vector<16xf32>,
      %parallel_loop3A_743 = arith.mulf %parallel_loop3A_550, %parallel_loop3A_742 : vector<16xf32>
      %parallel_loop3A_744 = arith.addf %parallel_loop3A_737, %parallel_loop3A_743 : vector<16xf32>
      %parallel_loop3A_745 = arith.constant 96 : i32
      %parallel_loop3A_746 = arith.addi %parallel_loop3A_745, %parallel_loop3A_534 : i32
      %parallel_loop3A_747 = arith.index_cast %parallel_loop3A_746 : i32 to index
      %parallel_loop3A_748 = arith.constant 80 : index
      %parallel_loop3A_749 = tpu.vector_load %arg9[%parallel_loop3A_747, %parallel_loop3A_748] {strides = array<i32>} : memref<128x192xf32, #tpu.memory_space<vmem>>, vector<16xf32>,
      %parallel_loop3A_750 = arith.mulf %parallel_loop3A_554, %parallel_loop3A_749 : vector<16xf32>
      %parallel_loop3A_751 = arith.addf %parallel_loop3A_744, %parallel_loop3A_750 : vector<16xf32>
      %parallel_loop3A_752 = arith.index_cast %parallel_loop3A_534 : i32 to index
      %parallel_loop3A_753 = arith.constant 80 : index
      %parallel_loop3A_754 = tpu.vector_load %arg10[%parallel_loop3A_752, %parallel_loop3A_753] {strides = array<i32>} : memref<32x192xf32, #tpu.memory_space<vmem>>, vector<16xf32>,
      %parallel_loop3A_755 = arith.mulf %parallel_loop3A_751, %parallel_loop3A_754 : vector<16xf32>
      %parallel_loop3A_756 = arith.addf %parallel_loop3A_722, %parallel_loop3A_755 : vector<16xf32>
      %parallel_loop3A_757 = arith.mulf %parallel_loop3A_751, %parallel_loop3A_751 : vector<16xf32>
      %parallel_loop3A_758 = arith.addf %parallel_loop3A_724, %parallel_loop3A_757 : vector<16xf32>
      %parallel_loop3A_759 = arith.constant 0 : i32
      %parallel_loop3A_760 = arith.addi %parallel_loop3A_759, %parallel_loop3A_534 : i32
      %parallel_loop3A_761 = arith.index_cast %parallel_loop3A_760 : i32 to index
      %parallel_loop3A_762 = arith.constant 96 : index
      %parallel_loop3A_763 = tpu.vector_load %arg9[%parallel_loop3A_761, %parallel_loop3A_762] {strides = array<i32>} : memref<128x192xf32, #tpu.memory_space<vmem>>, vector<16xf32>,
      %parallel_loop3A_764 = arith.mulf %parallel_loop3A_542, %parallel_loop3A_763 : vector<16xf32>
      %parallel_loop3A_765 = arith.constant 32 : i32
      %parallel_loop3A_766 = arith.addi %parallel_loop3A_765, %parallel_loop3A_534 : i32
      %parallel_loop3A_767 = arith.index_cast %parallel_loop3A_766 : i32 to index
      %parallel_loop3A_768 = arith.constant 96 : index
      %parallel_loop3A_769 = tpu.vector_load %arg9[%parallel_loop3A_767, %parallel_loop3A_768] {strides = array<i32>} : memref<128x192xf32, #tpu.memory_space<vmem>>, vector<16xf32>,
      %parallel_loop3A_770 = arith.mulf %parallel_loop3A_546, %parallel_loop3A_769 : vector<16xf32>
      %parallel_loop3A_771 = arith.addf %parallel_loop3A_764, %parallel_loop3A_770 : vector<16xf32>
      %parallel_loop3A_772 = arith.constant 64 : i32
      %parallel_loop3A_773 = arith.addi %parallel_loop3A_772, %parallel_loop3A_534 : i32
      %parallel_loop3A_774 = arith.index_cast %parallel_loop3A_773 : i32 to index
      %parallel_loop3A_775 = arith.constant 96 : index
      %parallel_loop3A_776 = tpu.vector_load %arg9[%parallel_loop3A_774, %parallel_loop3A_775] {strides = array<i32>} : memref<128x192xf32, #tpu.memory_space<vmem>>, vector<16xf32>,
      %parallel_loop3A_777 = arith.mulf %parallel_loop3A_550, %parallel_loop3A_776 : vector<16xf32>
      %parallel_loop3A_778 = arith.addf %parallel_loop3A_771, %parallel_loop3A_777 : vector<16xf32>
      %parallel_loop3A_779 = arith.constant 96 : i32
      %parallel_loop3A_780 = arith.addi %parallel_loop3A_779, %parallel_loop3A_534 : i32
      %parallel_loop3A_781 = arith.index_cast %parallel_loop3A_780 : i32 to index
      %parallel_loop3A_782 = arith.constant 96 : index
      %parallel_loop3A_783 = tpu.vector_load %arg9[%parallel_loop3A_781, %parallel_loop3A_782] {strides = array<i32>} : memref<128x192xf32, #tpu.memory_space<vmem>>, vector<16xf32>,
      %parallel_loop3A_784 = arith.mulf %parallel_loop3A_554, %parallel_loop3A_783 : vector<16xf32>
      %parallel_loop3A_785 = arith.addf %parallel_loop3A_778, %parallel_loop3A_784 : vector<16xf32>
      %parallel_loop3A_786 = arith.index_cast %parallel_loop3A_534 : i32 to index
      %parallel_loop3A_787 = arith.constant 96 : index
      %parallel_loop3A_788 = tpu.vector_load %arg10[%parallel_loop3A_786, %parallel_loop3A_787] {strides = array<i32>} : memref<32x192xf32, #tpu.memory_space<vmem>>, vector<16xf32>,
      %parallel_loop3A_789 = arith.mulf %parallel_loop3A_785, %parallel_loop3A_788 : vector<16xf32>
      %parallel_loop3A_790 = arith.addf %parallel_loop3A_756, %parallel_loop3A_789 : vector<16xf32>
      %parallel_loop3A_791 = arith.mulf %parallel_loop3A_785, %parallel_loop3A_785 : vector<16xf32>
      %parallel_loop3A_792 = arith.addf %parallel_loop3A_758, %parallel_loop3A_791 : vector<16xf32>
      %parallel_loop3A_793 = arith.constant 0 : i32
      %parallel_loop3A_794 = arith.addi %parallel_loop3A_793, %parallel_loop3A_534 : i32
      %parallel_loop3A_795 = arith.index_cast %parallel_loop3A_794 : i32 to index
      %parallel_loop3A_796 = arith.constant 112 : index
      %parallel_loop3A_797 = tpu.vector_load %arg9[%parallel_loop3A_795, %parallel_loop3A_796] {strides = array<i32>} : memref<128x192xf32, #tpu.memory_space<vmem>>, vector<16xf32>,
      %parallel_loop3A_798 = arith.mulf %parallel_loop3A_542, %parallel_loop3A_797 : vector<16xf32>
      %parallel_loop3A_799 = arith.constant 32 : i32
      %parallel_loop3A_800 = arith.addi %parallel_loop3A_799, %parallel_loop3A_534 : i32
      %parallel_loop3A_801 = arith.index_cast %parallel_loop3A_800 : i32 to index
      %parallel_loop3A_802 = arith.constant 112 : index
      %parallel_loop3A_803 = tpu.vector_load %arg9[%parallel_loop3A_801, %parallel_loop3A_802] {strides = array<i32>} : memref<128x192xf32, #tpu.memory_space<vmem>>, vector<16xf32>,
      %parallel_loop3A_804 = arith.mulf %parallel_loop3A_546, %parallel_loop3A_803 : vector<16xf32>
      %parallel_loop3A_805 = arith.addf %parallel_loop3A_798, %parallel_loop3A_804 : vector<16xf32>
      %parallel_loop3A_806 = arith.constant 64 : i32
      %parallel_loop3A_807 = arith.addi %parallel_loop3A_806, %parallel_loop3A_534 : i32
      %parallel_loop3A_808 = arith.index_cast %parallel_loop3A_807 : i32 to index
      %parallel_loop3A_809 = arith.constant 112 : index
      %parallel_loop3A_810 = tpu.vector_load %arg9[%parallel_loop3A_808, %parallel_loop3A_809] {strides = array<i32>} : memref<128x192xf32, #tpu.memory_space<vmem>>, vector<16xf32>,
      %parallel_loop3A_811 = arith.mulf %parallel_loop3A_550, %parallel_loop3A_810 : vector<16xf32>
      %parallel_loop3A_812 = arith.addf %parallel_loop3A_805, %parallel_loop3A_811 : vector<16xf32>
      %parallel_loop3A_813 = arith.constant 96 : i32
      %parallel_loop3A_814 = arith.addi %parallel_loop3A_813, %parallel_loop3A_534 : i32
      %parallel_loop3A_815 = arith.index_cast %parallel_loop3A_814 : i32 to index
      %parallel_loop3A_816 = arith.constant 112 : index
      %parallel_loop3A_817 = tpu.vector_load %arg9[%parallel_loop3A_815, %parallel_loop3A_816] {strides = array<i32>} : memref<128x192xf32, #tpu.memory_space<vmem>>, vector<16xf32>,
      %parallel_loop3A_818 = arith.mulf %parallel_loop3A_554, %parallel_loop3A_817 : vector<16xf32>
      %parallel_loop3A_819 = arith.addf %parallel_loop3A_812, %parallel_loop3A_818 : vector<16xf32>
      %parallel_loop3A_820 = arith.index_cast %parallel_loop3A_534 : i32 to index
      %parallel_loop3A_821 = arith.constant 112 : index
      %parallel_loop3A_822 = tpu.vector_load %arg10[%parallel_loop3A_820, %parallel_loop3A_821] {strides = array<i32>} : memref<32x192xf32, #tpu.memory_space<vmem>>, vector<16xf32>,
      %parallel_loop3A_823 = arith.mulf %parallel_loop3A_819, %parallel_loop3A_822 : vector<16xf32>
      %parallel_loop3A_824 = arith.addf %parallel_loop3A_790, %parallel_loop3A_823 : vector<16xf32>
      %parallel_loop3A_825 = arith.mulf %parallel_loop3A_819, %parallel_loop3A_819 : vector<16xf32>
      %parallel_loop3A_826 = arith.addf %parallel_loop3A_792, %parallel_loop3A_825 : vector<16xf32>
      %parallel_loop3A_827 = arith.constant 0 : i32
      %parallel_loop3A_828 = arith.addi %parallel_loop3A_827, %parallel_loop3A_534 : i32
      %parallel_loop3A_829 = arith.index_cast %parallel_loop3A_828 : i32 to index
      %parallel_loop3A_830 = arith.constant 128 : index
      %parallel_loop3A_831 = tpu.vector_load %arg9[%parallel_loop3A_829, %parallel_loop3A_830] {strides = array<i32>} : memref<128x192xf32, #tpu.memory_space<vmem>>, vector<16xf32>,
      %parallel_loop3A_832 = arith.mulf %parallel_loop3A_542, %parallel_loop3A_831 : vector<16xf32>
      %parallel_loop3A_833 = arith.constant 32 : i32
      %parallel_loop3A_834 = arith.addi %parallel_loop3A_833, %parallel_loop3A_534 : i32
      %parallel_loop3A_835 = arith.index_cast %parallel_loop3A_834 : i32 to index
      %parallel_loop3A_836 = arith.constant 128 : index
      %parallel_loop3A_837 = tpu.vector_load %arg9[%parallel_loop3A_835, %parallel_loop3A_836] {strides = array<i32>} : memref<128x192xf32, #tpu.memory_space<vmem>>, vector<16xf32>,
      %parallel_loop3A_838 = arith.mulf %parallel_loop3A_546, %parallel_loop3A_837 : vector<16xf32>
      %parallel_loop3A_839 = arith.addf %parallel_loop3A_832, %parallel_loop3A_838 : vector<16xf32>
      %parallel_loop3A_840 = arith.constant 64 : i32
      %parallel_loop3A_841 = arith.addi %parallel_loop3A_840, %parallel_loop3A_534 : i32
      %parallel_loop3A_842 = arith.index_cast %parallel_loop3A_841 : i32 to index
      %parallel_loop3A_843 = arith.constant 128 : index
      %parallel_loop3A_844 = tpu.vector_load %arg9[%parallel_loop3A_842, %parallel_loop3A_843] {strides = array<i32>} : memref<128x192xf32, #tpu.memory_space<vmem>>, vector<16xf32>,
      %parallel_loop3A_845 = arith.mulf %parallel_loop3A_550, %parallel_loop3A_844 : vector<16xf32>
      %parallel_loop3A_846 = arith.addf %parallel_loop3A_839, %parallel_loop3A_845 : vector<16xf32>
      %parallel_loop3A_847 = arith.constant 96 : i32
      %parallel_loop3A_848 = arith.addi %parallel_loop3A_847, %parallel_loop3A_534 : i32
      %parallel_loop3A_849 = arith.index_cast %parallel_loop3A_848 : i32 to index
      %parallel_loop3A_850 = arith.constant 128 : index
      %parallel_loop3A_851 = tpu.vector_load %arg9[%parallel_loop3A_849, %parallel_loop3A_850] {strides = array<i32>} : memref<128x192xf32, #tpu.memory_space<vmem>>, vector<16xf32>,
      %parallel_loop3A_852 = arith.mulf %parallel_loop3A_554, %parallel_loop3A_851 : vector<16xf32>
      %parallel_loop3A_853 = arith.addf %parallel_loop3A_846, %parallel_loop3A_852 : vector<16xf32>
      %parallel_loop3A_854 = arith.index_cast %parallel_loop3A_534 : i32 to index
      %parallel_loop3A_855 = arith.constant 128 : index
      %parallel_loop3A_856 = tpu.vector_load %arg10[%parallel_loop3A_854, %parallel_loop3A_855] {strides = array<i32>} : memref<32x192xf32, #tpu.memory_space<vmem>>, vector<16xf32>,
      %parallel_loop3A_857 = arith.mulf %parallel_loop3A_853, %parallel_loop3A_856 : vector<16xf32>
      %parallel_loop3A_858 = arith.addf %parallel_loop3A_824, %parallel_loop3A_857 : vector<16xf32>
      %parallel_loop3A_859 = arith.mulf %parallel_loop3A_853, %parallel_loop3A_853 : vector<16xf32>
      %parallel_loop3A_860 = arith.addf %parallel_loop3A_826, %parallel_loop3A_859 : vector<16xf32>
      %parallel_loop3A_861 = arith.constant 0 : i32
      %parallel_loop3A_862 = arith.addi %parallel_loop3A_861, %parallel_loop3A_534 : i32
      %parallel_loop3A_863 = arith.index_cast %parallel_loop3A_862 : i32 to index
      %parallel_loop3A_864 = arith.constant 144 : index
      %parallel_loop3A_865 = tpu.vector_load %arg9[%parallel_loop3A_863, %parallel_loop3A_864] {strides = array<i32>} : memref<128x192xf32, #tpu.memory_space<vmem>>, vector<16xf32>,
      %parallel_loop3A_866 = arith.mulf %parallel_loop3A_542, %parallel_loop3A_865 : vector<16xf32>
      %parallel_loop3A_867 = arith.constant 32 : i32
      %parallel_loop3A_868 = arith.addi %parallel_loop3A_867, %parallel_loop3A_534 : i32
      %parallel_loop3A_869 = arith.index_cast %parallel_loop3A_868 : i32 to index
      %parallel_loop3A_870 = arith.constant 144 : index
      %parallel_loop3A_871 = tpu.vector_load %arg9[%parallel_loop3A_869, %parallel_loop3A_870] {strides = array<i32>} : memref<128x192xf32, #tpu.memory_space<vmem>>, vector<16xf32>,
      %parallel_loop3A_872 = arith.mulf %parallel_loop3A_546, %parallel_loop3A_871 : vector<16xf32>
      %parallel_loop3A_873 = arith.addf %parallel_loop3A_866, %parallel_loop3A_872 : vector<16xf32>
      %parallel_loop3A_874 = arith.constant 64 : i32
      %parallel_loop3A_875 = arith.addi %parallel_loop3A_874, %parallel_loop3A_534 : i32
      %parallel_loop3A_876 = arith.index_cast %parallel_loop3A_875 : i32 to index
      %parallel_loop3A_877 = arith.constant 144 : index
      %parallel_loop3A_878 = tpu.vector_load %arg9[%parallel_loop3A_876, %parallel_loop3A_877] {strides = array<i32>} : memref<128x192xf32, #tpu.memory_space<vmem>>, vector<16xf32>,
      %parallel_loop3A_879 = arith.mulf %parallel_loop3A_550, %parallel_loop3A_878 : vector<16xf32>
      %parallel_loop3A_880 = arith.addf %parallel_loop3A_873, %parallel_loop3A_879 : vector<16xf32>
      %parallel_loop3A_881 = arith.constant 96 : i32
      %parallel_loop3A_882 = arith.addi %parallel_loop3A_881, %parallel_loop3A_534 : i32
      %parallel_loop3A_883 = arith.index_cast %parallel_loop3A_882 : i32 to index
      %parallel_loop3A_884 = arith.constant 144 : index
      %parallel_loop3A_885 = tpu.vector_load %arg9[%parallel_loop3A_883, %parallel_loop3A_884] {strides = array<i32>} : memref<128x192xf32, #tpu.memory_space<vmem>>, vector<16xf32>,
      %parallel_loop3A_886 = arith.mulf %parallel_loop3A_554, %parallel_loop3A_885 : vector<16xf32>
      %parallel_loop3A_887 = arith.addf %parallel_loop3A_880, %parallel_loop3A_886 : vector<16xf32>
      %parallel_loop3A_888 = arith.index_cast %parallel_loop3A_534 : i32 to index
      %parallel_loop3A_889 = arith.constant 144 : index
      %parallel_loop3A_890 = tpu.vector_load %arg10[%parallel_loop3A_888, %parallel_loop3A_889] {strides = array<i32>} : memref<32x192xf32, #tpu.memory_space<vmem>>, vector<16xf32>,
      %parallel_loop3A_891 = arith.mulf %parallel_loop3A_887, %parallel_loop3A_890 : vector<16xf32>
      %parallel_loop3A_892 = arith.addf %parallel_loop3A_858, %parallel_loop3A_891 : vector<16xf32>
      %parallel_loop3A_893 = arith.mulf %parallel_loop3A_887, %parallel_loop3A_887 : vector<16xf32>
      %parallel_loop3A_894 = arith.addf %parallel_loop3A_860, %parallel_loop3A_893 : vector<16xf32>
      %parallel_loop3A_895 = arith.constant 0 : i32
      %parallel_loop3A_896 = arith.addi %parallel_loop3A_895, %parallel_loop3A_534 : i32
      %parallel_loop3A_897 = arith.index_cast %parallel_loop3A_896 : i32 to index
      %parallel_loop3A_898 = arith.constant 160 : index
      %parallel_loop3A_899 = tpu.vector_load %arg9[%parallel_loop3A_897, %parallel_loop3A_898] {strides = array<i32>} : memref<128x192xf32, #tpu.memory_space<vmem>>, vector<16xf32>,
      %parallel_loop3A_900 = arith.mulf %parallel_loop3A_542, %parallel_loop3A_899 : vector<16xf32>
      %parallel_loop3A_901 = arith.constant 32 : i32
      %parallel_loop3A_902 = arith.addi %parallel_loop3A_901, %parallel_loop3A_534 : i32
      %parallel_loop3A_903 = arith.index_cast %parallel_loop3A_902 : i32 to index
      %parallel_loop3A_904 = arith.constant 160 : index
      %parallel_loop3A_905 = tpu.vector_load %arg9[%parallel_loop3A_903, %parallel_loop3A_904] {strides = array<i32>} : memref<128x192xf32, #tpu.memory_space<vmem>>, vector<16xf32>,
      %parallel_loop3A_906 = arith.mulf %parallel_loop3A_546, %parallel_loop3A_905 : vector<16xf32>
      %parallel_loop3A_907 = arith.addf %parallel_loop3A_900, %parallel_loop3A_906 : vector<16xf32>
      %parallel_loop3A_908 = arith.constant 64 : i32
      %parallel_loop3A_909 = arith.addi %parallel_loop3A_908, %parallel_loop3A_534 : i32
      %parallel_loop3A_910 = arith.index_cast %parallel_loop3A_909 : i32 to index
      %parallel_loop3A_911 = arith.constant 160 : index
      %parallel_loop3A_912 = tpu.vector_load %arg9[%parallel_loop3A_910, %parallel_loop3A_911] {strides = array<i32>} : memref<128x192xf32, #tpu.memory_space<vmem>>, vector<16xf32>,
      %parallel_loop3A_913 = arith.mulf %parallel_loop3A_550, %parallel_loop3A_912 : vector<16xf32>
      %parallel_loop3A_914 = arith.addf %parallel_loop3A_907, %parallel_loop3A_913 : vector<16xf32>
      %parallel_loop3A_915 = arith.constant 96 : i32
      %parallel_loop3A_916 = arith.addi %parallel_loop3A_915, %parallel_loop3A_534 : i32
      %parallel_loop3A_917 = arith.index_cast %parallel_loop3A_916 : i32 to index
      %parallel_loop3A_918 = arith.constant 160 : index
      %parallel_loop3A_919 = tpu.vector_load %arg9[%parallel_loop3A_917, %parallel_loop3A_918] {strides = array<i32>} : memref<128x192xf32, #tpu.memory_space<vmem>>, vector<16xf32>,
      %parallel_loop3A_920 = arith.mulf %parallel_loop3A_554, %parallel_loop3A_919 : vector<16xf32>
      %parallel_loop3A_921 = arith.addf %parallel_loop3A_914, %parallel_loop3A_920 : vector<16xf32>
      %parallel_loop3A_922 = arith.index_cast %parallel_loop3A_534 : i32 to index
      %parallel_loop3A_923 = arith.constant 160 : index
      %parallel_loop3A_924 = tpu.vector_load %arg10[%parallel_loop3A_922, %parallel_loop3A_923] {strides = array<i32>} : memref<32x192xf32, #tpu.memory_space<vmem>>, vector<16xf32>,
      %parallel_loop3A_925 = arith.mulf %parallel_loop3A_921, %parallel_loop3A_924 : vector<16xf32>
      %parallel_loop3A_926 = arith.addf %parallel_loop3A_892, %parallel_loop3A_925 : vector<16xf32>
      %parallel_loop3A_927 = arith.mulf %parallel_loop3A_921, %parallel_loop3A_921 : vector<16xf32>
      %parallel_loop3A_928 = arith.addf %parallel_loop3A_894, %parallel_loop3A_927 : vector<16xf32>
      %parallel_loop3A_929 = arith.constant 0 : i32
      %parallel_loop3A_930 = arith.addi %parallel_loop3A_929, %parallel_loop3A_534 : i32
      %parallel_loop3A_931 = arith.index_cast %parallel_loop3A_930 : i32 to index
      %parallel_loop3A_932 = arith.constant 176 : index
      %parallel_loop3A_933 = tpu.vector_load %arg9[%parallel_loop3A_931, %parallel_loop3A_932] {strides = array<i32>} : memref<128x192xf32, #tpu.memory_space<vmem>>, vector<16xf32>,
      %parallel_loop3A_934 = arith.mulf %parallel_loop3A_542, %parallel_loop3A_933 : vector<16xf32>
      %parallel_loop3A_935 = arith.constant 32 : i32
      %parallel_loop3A_936 = arith.addi %parallel_loop3A_935, %parallel_loop3A_534 : i32
      %parallel_loop3A_937 = arith.index_cast %parallel_loop3A_936 : i32 to index
      %parallel_loop3A_938 = arith.constant 176 : index
      %parallel_loop3A_939 = tpu.vector_load %arg9[%parallel_loop3A_937, %parallel_loop3A_938] {strides = array<i32>} : memref<128x192xf32, #tpu.memory_space<vmem>>, vector<16xf32>,
      %parallel_loop3A_940 = arith.mulf %parallel_loop3A_546, %parallel_loop3A_939 : vector<16xf32>
      %parallel_loop3A_941 = arith.addf %parallel_loop3A_934, %parallel_loop3A_940 : vector<16xf32>
      %parallel_loop3A_942 = arith.constant 64 : i32
      %parallel_loop3A_943 = arith.addi %parallel_loop3A_942, %parallel_loop3A_534 : i32
      %parallel_loop3A_944 = arith.index_cast %parallel_loop3A_943 : i32 to index
      %parallel_loop3A_945 = arith.constant 176 : index
      %parallel_loop3A_946 = tpu.vector_load %arg9[%parallel_loop3A_944, %parallel_loop3A_945] {strides = array<i32>} : memref<128x192xf32, #tpu.memory_space<vmem>>, vector<16xf32>,
      %parallel_loop3A_947 = arith.mulf %parallel_loop3A_550, %parallel_loop3A_946 : vector<16xf32>
      %parallel_loop3A_948 = arith.addf %parallel_loop3A_941, %parallel_loop3A_947 : vector<16xf32>
      %parallel_loop3A_949 = arith.constant 96 : i32
      %parallel_loop3A_950 = arith.addi %parallel_loop3A_949, %parallel_loop3A_534 : i32
      %parallel_loop3A_951 = arith.index_cast %parallel_loop3A_950 : i32 to index
      %parallel_loop3A_952 = arith.constant 176 : index
      %parallel_loop3A_953 = tpu.vector_load %arg9[%parallel_loop3A_951, %parallel_loop3A_952] {strides = array<i32>} : memref<128x192xf32, #tpu.memory_space<vmem>>, vector<16xf32>,
      %parallel_loop3A_954 = arith.mulf %parallel_loop3A_554, %parallel_loop3A_953 : vector<16xf32>
      %parallel_loop3A_955 = arith.addf %parallel_loop3A_948, %parallel_loop3A_954 : vector<16xf32>
      %parallel_loop3A_956 = arith.index_cast %parallel_loop3A_534 : i32 to index
      %parallel_loop3A_957 = arith.constant 176 : index
      %parallel_loop3A_958 = tpu.vector_load %arg10[%parallel_loop3A_956, %parallel_loop3A_957] {strides = array<i32>} : memref<32x192xf32, #tpu.memory_space<vmem>>, vector<16xf32>,
      %parallel_loop3A_959 = arith.mulf %parallel_loop3A_955, %parallel_loop3A_958 : vector<16xf32>
      %parallel_loop3A_960 = arith.addf %parallel_loop3A_926, %parallel_loop3A_959 : vector<16xf32>
      %parallel_loop3A_961 = arith.mulf %parallel_loop3A_955, %parallel_loop3A_955 : vector<16xf32>
      %parallel_loop3A_962 = arith.addf %parallel_loop3A_928, %parallel_loop3A_961 : vector<16xf32>
      %parallel_loop3A_963 = arith.constant true
      %parallel_loop3A_964 = vector.broadcast %parallel_loop3A_963 : i1 to vector<16xi1>
      %parallel_loop3A_965 = tpu.scan <sum>, %parallel_loop3A_960 masked %parallel_loop3A_964 : vector<16xf32>, vector<16xi1> -> vector<16xf32>
      %parallel_loop3A_966 = vector.extract %parallel_loop3A_965[15] : f32 from vector<16xf32>
      %parallel_loop3A_967 = vector.broadcast %parallel_loop3A_966 : f32 to vector<16xf32>
      %parallel_loop3A_968 = arith.constant true
      %parallel_loop3A_969 = vector.broadcast %parallel_loop3A_968 : i1 to vector<16xi1>
      %parallel_loop3A_970 = tpu.scan <sum>, %parallel_loop3A_962 masked %parallel_loop3A_969 : vector<16xf32>, vector<16xi1> -> vector<16xf32>
      %parallel_loop3A_971 = vector.extract %parallel_loop3A_970[15] : f32 from vector<16xf32>
      %parallel_loop3A_972 = vector.broadcast %parallel_loop3A_971 : f32 to vector<16xf32>
      %parallel_loop3A_973 = arith.constant 16 : i32
      %parallel_loop3A_974 = arith.constant 0 : i32
      %parallel_loop3A_975 = arith.cmpi eq, %parallel_loop3A_973, %parallel_loop3A_974 : i32
      %parallel_loop3A_976 = arith.constant 1 : i32
      %parallel_loop3A_977 = arith.select %parallel_loop3A_975, %parallel_loop3A_976, %parallel_loop3A_973 : i32
      %parallel_loop3A_978 = arith.remsi %parallel_loop3A_534, %parallel_loop3A_977 : i32
      %parallel_loop3A_979 = arith.constant 0 : i32
      %parallel_loop3A_980 = arith.cmpi ne, %parallel_loop3A_978, %parallel_loop3A_979 : i32
      %parallel_loop3A_981 = arith.constant 0 : i32
      %parallel_loop3A_982 = arith.cmpi slt, %parallel_loop3A_978, %parallel_loop3A_981 : i32
      %parallel_loop3A_983 = arith.constant 0 : i32
      %parallel_loop3A_984 = arith.cmpi slt, %parallel_loop3A_977, %parallel_loop3A_983 : i32
      %parallel_loop3A_985 = arith.xori %parallel_loop3A_982, %parallel_loop3A_984 : i1
      %parallel_loop3A_986 = arith.andi %parallel_loop3A_985, %parallel_loop3A_980 : i1
      %parallel_loop3A_987 = arith.addi %parallel_loop3A_978, %parallel_loop3A_977 : i32
      %parallel_loop3A_988 = arith.select %parallel_loop3A_986, %parallel_loop3A_987, %parallel_loop3A_978 : i32
      %parallel_loop3A_989 = vector.broadcast %parallel_loop3A_988 : i32 to vector<16xi32>
      %parallel_loop3A_990 = arith.cmpi eq, %iota3A, %parallel_loop3A_989 : vector<16xi32>
      %parallel_loop3A_991 = arith.constant 16 : i32
      %parallel_loop3A_992 = arith.cmpi slt, %parallel_loop3A_534, %parallel_loop3A_991 : i32
      %parallel_loop3A_993 = vector.broadcast %parallel_loop3A_992 : i1 to vector<16xi1>
      %parallel_loop3A_994 = arith.andi %parallel_loop3A_990, %parallel_loop3A_993 : vector<16xi1>
      %parallel_loop3A_995 = arith.select %parallel_loop3A_994, %parallel_loop3A_967, %parallel_loop3A_535 : vector<16xi1>, vector<16xf32>
      %parallel_loop3A_996 = arith.andi %parallel_loop3A_990, %parallel_loop3A_993 : vector<16xi1>
      %parallel_loop3A_997 = arith.select %parallel_loop3A_996, %parallel_loop3A_972, %parallel_loop3A_537 : vector<16xi1>, vector<16xf32>
      %parallel_loop3A_998 = arith.constant dense<true> : vector<16xi1>
      %parallel_loop3A_999 = arith.xori %parallel_loop3A_993, %parallel_loop3A_998 : vector<16xi1>
      %parallel_loop3A_1000 = arith.andi %parallel_loop3A_990, %parallel_loop3A_999 : vector<16xi1>
      %parallel_loop3A_1001 = arith.select %parallel_loop3A_1000, %parallel_loop3A_967, %parallel_loop3A_536 : vector<16xi1>, vector<16xf32>
      %parallel_loop3A_1002 = arith.constant dense<true> : vector<16xi1>
      %parallel_loop3A_1003 = arith.xori %parallel_loop3A_993, %parallel_loop3A_1002 : vector<16xi1>
      %parallel_loop3A_1004 = arith.andi %parallel_loop3A_990, %parallel_loop3A_1003 : vector<16xi1>
      %parallel_loop3A_1005 = arith.select %parallel_loop3A_1004, %parallel_loop3A_972, %parallel_loop3A_538 : vector<16xi1>, vector<16xf32>
      scf.yield %parallel_loop3A_995, %parallel_loop3A_1001, %parallel_loop3A_997, %parallel_loop3A_1005 : vector<16xf32>, vector<16xf32>, vector<16xf32>, vector<16xf32>
    } {sc.loop_unroll_factor = 1 : i64, sc.parallel_access}
    %max3A_442 = arith.constant 1.000000e-24 : f32
    %max3A_443 = vector.broadcast %max3A_442 : f32 to vector<16xf32>
    %max3A_444 = arith.maximumf %parallel_loop3A_441#2, %max3A_443 : vector<16xf32>
    %bitcast3A = vector.bitcast %max3A_444 : vector<16xf32> to vector<16xi32>
    %shift_right_logical3A = arith.constant 1 : i32
    %shift_right_logical3A_445 = vector.broadcast %shift_right_logical3A : i32 to vector<16xi32>
    %shift_right_logical3A_446 = arith.shrui %bitcast3A, %shift_right_logical3A_445 : vector<16xi32>
    %sub3A_447 = arith.constant 1597463007 : i32
    %sub3A_448 = vector.broadcast %sub3A_447 : i32 to vector<16xi32>
    %sub3A_449 = arith.subi %sub3A_448, %shift_right_logical3A_446 : vector<16xi32>
    %bitcast3A_450 = vector.bitcast %sub3A_449 : vector<16xi32> to vector<16xf32>
    %mul3A_451 = arith.constant 5.000000e-01 : f32
    %mul3A_452 = vector.broadcast %mul3A_451 : f32 to vector<16xf32>
    %mul3A_453 = arith.mulf %mul3A_452, %max3A_444 : vector<16xf32>
    %mul3A_454 = arith.mulf %mul3A_453, %bitcast3A_450 : vector<16xf32>
    %mul3A_455 = arith.mulf %mul3A_454, %bitcast3A_450 : vector<16xf32>
    %sub3A_456 = arith.constant 1.500000e+00 : f32
    %sub3A_457 = vector.broadcast %sub3A_456 : f32 to vector<16xf32>
    %sub3A_458 = arith.subf %sub3A_457, %mul3A_455 : vector<16xf32>
    %mul3A_459 = arith.mulf %bitcast3A_450, %sub3A_458 : vector<16xf32>
    %mul3A_460 = arith.constant 5.000000e-01 : f32
    %mul3A_461 = vector.broadcast %mul3A_460 : f32 to vector<16xf32>
    %mul3A_462 = arith.mulf %mul3A_461, %max3A_444 : vector<16xf32>
    %mul3A_463 = arith.mulf %mul3A_462, %mul3A_459 : vector<16xf32>
    %mul3A_464 = arith.mulf %mul3A_463, %mul3A_459 : vector<16xf32>
    %sub3A_465 = arith.constant 1.500000e+00 : f32
    %sub3A_466 = vector.broadcast %sub3A_465 : f32 to vector<16xf32>
    %sub3A_467 = arith.subf %sub3A_466, %mul3A_464 : vector<16xf32>
    %mul3A_468 = arith.mulf %mul3A_459, %sub3A_467 : vector<16xf32>
    %mul3A_469 = arith.constant 5.000000e-01 : f32
    %mul3A_470 = vector.broadcast %mul3A_469 : f32 to vector<16xf32>
    %mul3A_471 = arith.mulf %mul3A_470, %max3A_444 : vector<16xf32>
    %mul3A_472 = arith.mulf %mul3A_471, %mul3A_468 : vector<16xf32>
    %mul3A_473 = arith.mulf %mul3A_472, %mul3A_468 : vector<16xf32>
    %sub3A_474 = arith.constant 1.500000e+00 : f32
    %sub3A_475 = vector.broadcast %sub3A_474 : f32 to vector<16xf32>
    %sub3A_476 = arith.subf %sub3A_475, %mul3A_473 : vector<16xf32>
    %mul3A_477 = arith.mulf %mul3A_468, %sub3A_476 : vector<16xf32>
    %mul3A_478 = arith.constant 2.000000e+00 : f32
    %mul3A_479 = vector.broadcast %mul3A_478 : f32 to vector<16xf32>
    %mul3A_480 = arith.mulf %mul3A_479, %parallel_loop3A_441#0 : vector<16xf32>
    %mul3A_481 = arith.mulf %mul3A_480, %mul3A_477 : vector<16xf32>
    %sub3A_482 = arith.constant 2.000000e+00 : f32
    %sub3A_483 = vector.broadcast %sub3A_482 : f32 to vector<16xf32>
    %sub3A_484 = arith.subf %sub3A_483, %mul3A_481 : vector<16xf32>
    %swap3A_485 = arith.constant 0 : index
    %swap3A_486 = tpu.vector_load %arg11[%swap3A_485] {strides = array<i32>} : memref<32xf32, #tpu.memory_space<vmem>>, vector<16xf32>,
    tpu.vector_store %arg11[%swap3A_485], %sub3A_484 {strides = array<i32>} : memref<32xf32, #tpu.memory_space<vmem>>, vector<16xf32>,
    %max3A_487 = arith.constant 1.000000e-24 : f32
    %max3A_488 = vector.broadcast %max3A_487 : f32 to vector<16xf32>
    %max3A_489 = arith.maximumf %parallel_loop3A_441#3, %max3A_488 : vector<16xf32>
    %bitcast3A_490 = vector.bitcast %max3A_489 : vector<16xf32> to vector<16xi32>
    %shift_right_logical3A_491 = arith.constant 1 : i32
    %shift_right_logical3A_492 = vector.broadcast %shift_right_logical3A_491 : i32 to vector<16xi32>
    %shift_right_logical3A_493 = arith.shrui %bitcast3A_490, %shift_right_logical3A_492 : vector<16xi32>
    %sub3A_494 = arith.constant 1597463007 : i32
    %sub3A_495 = vector.broadcast %sub3A_494 : i32 to vector<16xi32>
    %sub3A_496 = arith.subi %sub3A_495, %shift_right_logical3A_493 : vector<16xi32>
    %bitcast3A_497 = vector.bitcast %sub3A_496 : vector<16xi32> to vector<16xf32>
    %mul3A_498 = arith.constant 5.000000e-01 : f32
    %mul3A_499 = vector.broadcast %mul3A_498 : f32 to vector<16xf32>
    %mul3A_500 = arith.mulf %mul3A_499, %max3A_489 : vector<16xf32>
    %mul3A_501 = arith.mulf %mul3A_500, %bitcast3A_497 : vector<16xf32>
    %mul3A_502 = arith.mulf %mul3A_501, %bitcast3A_497 : vector<16xf32>
    %sub3A_503 = arith.constant 1.500000e+00 : f32
    %sub3A_504 = vector.broadcast %sub3A_503 : f32 to vector<16xf32>
    %sub3A_505 = arith.subf %sub3A_504, %mul3A_502 : vector<16xf32>
    %mul3A_506 = arith.mulf %bitcast3A_497, %sub3A_505 : vector<16xf32>
    %mul3A_507 = arith.constant 5.000000e-01 : f32
    %mul3A_508 = vector.broadcast %mul3A_507 : f32 to vector<16xf32>
    %mul3A_509 = arith.mulf %mul3A_508, %max3A_489 : vector<16xf32>
    %mul3A_510 = arith.mulf %mul3A_509, %mul3A_506 : vector<16xf32>
    %mul3A_511 = arith.mulf %mul3A_510, %mul3A_506 : vector<16xf32>
    %sub3A_512 = arith.constant 1.500000e+00 : f32
    %sub3A_513 = vector.broadcast %sub3A_512 : f32 to vector<16xf32>
    %sub3A_514 = arith.subf %sub3A_513, %mul3A_511 : vector<16xf32>
    %mul3A_515 = arith.mulf %mul3A_506, %sub3A_514 : vector<16xf32>
    %mul3A_516 = arith.constant 5.000000e-01 : f32
    %mul3A_517 = vector.broadcast %mul3A_516 : f32 to vector<16xf32>
    %mul3A_518 = arith.mulf %mul3A_517, %max3A_489 : vector<16xf32>
    %mul3A_519 = arith.mulf %mul3A_518, %mul3A_515 : vector<16xf32>
    %mul3A_520 = arith.mulf %mul3A_519, %mul3A_515 : vector<16xf32>
    %sub3A_521 = arith.constant 1.500000e+00 : f32
    %sub3A_522 = vector.broadcast %sub3A_521 : f32 to vector<16xf32>
    %sub3A_523 = arith.subf %sub3A_522, %mul3A_520 : vector<16xf32>
    %mul3A_524 = arith.mulf %mul3A_515, %sub3A_523 : vector<16xf32>
    %mul3A_525 = arith.constant 2.000000e+00 : f32
    %mul3A_526 = vector.broadcast %mul3A_525 : f32 to vector<16xf32>
    %mul3A_527 = arith.mulf %mul3A_526, %parallel_loop3A_441#1 : vector<16xf32>
    %mul3A_528 = arith.mulf %mul3A_527, %mul3A_524 : vector<16xf32>
    %sub3A_529 = arith.constant 2.000000e+00 : f32
    %sub3A_530 = vector.broadcast %sub3A_529 : f32 to vector<16xf32>
    %sub3A_531 = arith.subf %sub3A_530, %mul3A_528 : vector<16xf32>
    %swap3A_532 = arith.constant 16 : index
    %swap3A_533 = tpu.vector_load %arg11[%swap3A_532] {strides = array<i32>} : memref<32xf32, #tpu.memory_space<vmem>>, vector<16xf32>,
    tpu.vector_store %arg11[%swap3A_532], %sub3A_531 {strides = array<i32>} : memref<32xf32, #tpu.memory_space<vmem>>, vector<16xf32>,
    %run_scoped3A = arith.constant 0 : i32
    "tpu.region"() ({
      %run_scoped3A_534 = tpu.sem_alloc : memref<!tpu.dma_semaphore, #tpu.memory_space<semaphore_mem>>
      %dma_start3A_535 = tpu.memref_slice %arg5[%run_scoped3A, %mul3A_2] : memref<1x1024xf32, #tpu.memory_space<hbm>> -> memref<1x32xf32, #tpu.memory_space<hbm>>
      %dma_start3A_536 = tpu.memref_squeeze %dma_start3A_535 : memref<1x32xf32, #tpu.memory_space<hbm>> -> memref<32xf32, #tpu.memory_space<hbm>>
      %dma_start3A_537 = tpu.memref_slice %arg5[%run_scoped3A, %mul3A_2] : memref<1x1024xf32, #tpu.memory_space<hbm>> -> memref<1x32xf32, #tpu.memory_space<hbm>>
      %dma_start3A_538 = tpu.memref_squeeze %dma_start3A_537 : memref<1x32xf32, #tpu.memory_space<hbm>> -> memref<32xf32, #tpu.memory_space<hbm>>
      tpu.enqueue_dma source(%arg11 : memref<32xf32, #tpu.memory_space<vmem>>) target(%dma_start3A_538 : memref<32xf32, #tpu.memory_space<hbm>>) target_semaphore(%run_scoped3A_534 : memref<!tpu.dma_semaphore, #tpu.memory_space<semaphore_mem>>)
      %dma_wait3A_539 = tpu.memref_slice %arg5[%run_scoped3A, %mul3A_2] : memref<1x1024xf32, #tpu.memory_space<hbm>> -> memref<1x32xf32, #tpu.memory_space<hbm>>
      %dma_wait3A_540 = tpu.memref_squeeze %dma_wait3A_539 : memref<1x32xf32, #tpu.memory_space<hbm>> -> memref<32xf32, #tpu.memory_space<hbm>>
      %dma_wait3A_541 = tpu.memref_slice %arg5[%run_scoped3A, %mul3A_2] : memref<1x1024xf32, #tpu.memory_space<hbm>> -> memref<1x32xf32, #tpu.memory_space<hbm>>
      %dma_wait3A_542 = tpu.memref_squeeze %dma_wait3A_541 : memref<1x32xf32, #tpu.memory_space<hbm>> -> memref<32xf32, #tpu.memory_space<hbm>>
      tpu.wait_dma2 semaphore(%run_scoped3A_534 : memref<!tpu.dma_semaphore, #tpu.memory_space<semaphore_mem>>) src(%arg11 : memref<32xf32, #tpu.memory_space<vmem>>) dst(%dma_wait3A_542 : memref<32xf32, #tpu.memory_space<hbm>>)
      tpu.yield
    }) : () -> ()
    return
  }
}

module attributes {stable_mosaic.version = 14 : i64} {
  func.func @_tc_body(%arg0: memref<2x1024xf32, #tpu.memory_space<vmem>>, %arg1: memref<192x1024xf32, #tpu.memory_space<vmem>>, %arg2: memref<192x1024xf32, #tpu.memory_space<vmem>>, %arg3: memref<4x1024xf32, #tpu.memory_space<vmem>>) attributes {dimension_semantics = [], scalar_prefetch = 0 : i64, scratch_operands = 0 : i64, tpu.core_type = #tpu.core_type<tc>} {
    %get3A = arith.constant 1 : index
    %get3A_0 = arith.constant 0 : index
    %get3A_1 = vector.load %arg0[%get3A, %get3A_0] : memref<2x1024xf32, #tpu.memory_space<vmem>>, vector<1x1024xf32>
    %get3A_2 = arith.constant 0 : index
    %get3A_3 = arith.constant 0 : index
    %get3A_4 = vector.load %arg0[%get3A_2, %get3A_3] : memref<2x1024xf32, #tpu.memory_space<vmem>>, vector<1x1024xf32>
    %get3A_5 = arith.constant 0 : index
    %get3A_6 = arith.constant 0 : index
    %get3A_7 = vector.load %arg1[%get3A_5, %get3A_6] : memref<192x1024xf32, #tpu.memory_space<vmem>>, vector<192x1024xf32>
    %get3A_8 = arith.constant 0 : index
    %get3A_9 = arith.constant 0 : index
    %get3A_10 = vector.load %arg2[%get3A_8, %get3A_9] : memref<192x1024xf32, #tpu.memory_space<vmem>>, vector<192x1024xf32>
    %dot_general3A = arith.constant dense<0.000000e+00> : vector<1024x1024xf32>
    %dot_general3A_11 = tpu.matmul %get3A_7, %get3A_10, %dot_general3A {dimension_numbers = #tpu.dot_dimension_numbers<[0], [0], [1], [1], [0, 1, 1, 1], [], []>, precision = #tpu.contract_precision<fp32>, transpose_lhs_hint = false} : vector<192x1024xf32>, vector<192x1024xf32>, vector<1024x1024xf32> -> vector<1024x1024xf32>
    %iota3A = tpu.iota {dimensions = array<i32: 1>} : vector<1024x1024xi32>
    %sub3A = arith.constant 8.000000e+00 : f32
    %sub3A_12 = vector.broadcast %sub3A : f32 to vector<1x1024xf32>
    %sub3A_13 = arith.subf %get3A_1, %sub3A_12 : vector<1x1024xf32>
    %div3A = arith.constant 1.600000e+01 : f32
    %div3A_14 = vector.broadcast %div3A : f32 to vector<1x1024xf32>
    %div3A_15 = arith.divf %sub3A_13, %div3A_14 : vector<1x1024xf32>
    %floor3A = math.floor %div3A_15 : vector<1x1024xf32>
    %jit3A = arith.constant 0.000000e+00 : f32
    %jit3A_16 = arith.constant 3.000000e+01 : f32
    %max3A = vector.broadcast %jit3A : f32 to vector<1x1024xf32>
    %max3A_17 = arith.maximumf %max3A, %floor3A : vector<1x1024xf32>
    %min3A = vector.broadcast %jit3A_16 : f32 to vector<1x1024xf32>
    %min3A_18 = arith.minimumf %min3A, %max3A_17 : vector<1x1024xf32>
    %mul3A = arith.constant 1.600000e+01 : f32
    %mul3A_19 = vector.broadcast %mul3A : f32 to vector<1x1024xf32>
    %mul3A_20 = arith.mulf %min3A_18, %mul3A_19 : vector<1x1024xf32>
    %add3A = arith.constant 8.000000e+00 : f32
    %add3A_21 = vector.broadcast %add3A : f32 to vector<1x1024xf32>
    %add3A_22 = arith.addf %mul3A_20, %add3A_21 : vector<1x1024xf32>
    %add3A_23 = arith.constant 1.600000e+01 : f32
    %add3A_24 = vector.broadcast %add3A_23 : f32 to vector<1x1024xf32>
    %add3A_25 = arith.addf %add3A_22, %add3A_24 : vector<1x1024xf32>
    %sub3A_26 = arith.subf %get3A_1, %add3A_22 : vector<1x1024xf32>
    %abs3A = math.absf %sub3A_26 : vector<1x1024xf32>
    %sub3A_27 = arith.subf %get3A_1, %add3A_25 : vector<1x1024xf32>
    %abs3A_28 = math.absf %sub3A_27 : vector<1x1024xf32>
    %le3A = arith.cmpf ole, %abs3A, %abs3A_28 : vector<1x1024xf32>
    %add3A_29 = arith.constant 1.000000e+00 : f32
    %add3A_30 = vector.broadcast %add3A_29 : f32 to vector<1x1024xf32>
    %add3A_31 = arith.addf %min3A_18, %add3A_30 : vector<1x1024xf32>
    %select_n3A = arith.select %le3A, %min3A_18, %add3A_31 : vector<1x1024xi1>, vector<1x1024xf32>
    %add3A_32 = arith.constant 1.000000e+00 : f32
    %add3A_33 = vector.broadcast %add3A_32 : f32 to vector<1x1024xf32>
    %add3A_34 = arith.addf %min3A_18, %add3A_33 : vector<1x1024xf32>
    %select_n3A_35 = arith.select %le3A, %add3A_34, %min3A_18 : vector<1x1024xi1>, vector<1x1024xf32>
    %sub3A_36 = arith.constant 1.600000e+01 : f32
    %sub3A_37 = vector.broadcast %sub3A_36 : f32 to vector<1x1024xf32>
    %sub3A_38 = arith.subf %add3A_22, %sub3A_37 : vector<1x1024xf32>
    %sub3A_39 = arith.subf %get3A_1, %sub3A_38 : vector<1x1024xf32>
    %abs3A_40 = math.absf %sub3A_39 : vector<1x1024xf32>
    %add3A_41 = arith.constant 1.600000e+01 : f32
    %add3A_42 = vector.broadcast %add3A_41 : f32 to vector<1x1024xf32>
    %add3A_43 = arith.addf %add3A_25, %add3A_42 : vector<1x1024xf32>
    %sub3A_44 = arith.subf %get3A_1, %add3A_43 : vector<1x1024xf32>
    %abs3A_45 = math.absf %sub3A_44 : vector<1x1024xf32>
    %eq3A = arith.constant 0.000000e+00 : f32
    %eq3A_46 = vector.broadcast %eq3A : f32 to vector<1x1024xf32>
    %eq3A_47 = arith.cmpf oeq, %min3A_18, %eq3A_46 : vector<1x1024xf32>
    %add3A_48 = arith.constant 2.000000e+00 : f32
    %add3A_49 = vector.broadcast %add3A_48 : f32 to vector<1x1024xf32>
    %add3A_50 = arith.addf %min3A_18, %add3A_49 : vector<1x1024xf32>
    %eq3A_51 = arith.constant 3.000000e+01 : f32
    %eq3A_52 = vector.broadcast %eq3A_51 : f32 to vector<1x1024xf32>
    %eq3A_53 = arith.cmpf oeq, %min3A_18, %eq3A_52 : vector<1x1024xf32>
    %sub3A_54 = arith.constant 1.000000e+00 : f32
    %sub3A_55 = vector.broadcast %sub3A_54 : f32 to vector<1x1024xf32>
    %sub3A_56 = arith.subf %min3A_18, %sub3A_55 : vector<1x1024xf32>
    %le3A_57 = arith.cmpf ole, %abs3A_40, %abs3A_45 : vector<1x1024xf32>
    %sub3A_58 = arith.constant 1.000000e+00 : f32
    %sub3A_59 = vector.broadcast %sub3A_58 : f32 to vector<1x1024xf32>
    %sub3A_60 = arith.subf %min3A_18, %sub3A_59 : vector<1x1024xf32>
    %add3A_61 = arith.constant 2.000000e+00 : f32
    %add3A_62 = vector.broadcast %add3A_61 : f32 to vector<1x1024xf32>
    %add3A_63 = arith.addf %min3A_18, %add3A_62 : vector<1x1024xf32>
    %select_n3A_64 = arith.select %le3A_57, %sub3A_60, %add3A_63 : vector<1x1024xi1>, vector<1x1024xf32>
    %select_n3A_65 = arith.select %eq3A_53, %sub3A_56, %select_n3A_64 : vector<1x1024xi1>, vector<1x1024xf32>
    %select_n3A_66 = arith.select %eq3A_47, %add3A_50, %select_n3A_65 : vector<1x1024xi1>, vector<1x1024xf32>
    %sub3A_67 = arith.constant 8.000000e+00 : f32
    %sub3A_68 = vector.broadcast %sub3A_67 : f32 to vector<1x1024xf32>
    %sub3A_69 = arith.subf %get3A_4, %sub3A_68 : vector<1x1024xf32>
    %div3A_70 = arith.constant 1.600000e+01 : f32
    %div3A_71 = vector.broadcast %div3A_70 : f32 to vector<1x1024xf32>
    %div3A_72 = arith.divf %sub3A_69, %div3A_71 : vector<1x1024xf32>
    %floor3A_73 = math.floor %div3A_72 : vector<1x1024xf32>
    %jit3A_74 = arith.constant 0.000000e+00 : f32
    %jit3A_75 = arith.constant 3.000000e+01 : f32
    %max3A_76 = vector.broadcast %jit3A_74 : f32 to vector<1x1024xf32>
    %max3A_77 = arith.maximumf %max3A_76, %floor3A_73 : vector<1x1024xf32>
    %min3A_78 = vector.broadcast %jit3A_75 : f32 to vector<1x1024xf32>
    %min3A_79 = arith.minimumf %min3A_78, %max3A_77 : vector<1x1024xf32>
    %mul3A_80 = arith.constant 1.600000e+01 : f32
    %mul3A_81 = vector.broadcast %mul3A_80 : f32 to vector<1x1024xf32>
    %mul3A_82 = arith.mulf %min3A_79, %mul3A_81 : vector<1x1024xf32>
    %add3A_83 = arith.constant 8.000000e+00 : f32
    %add3A_84 = vector.broadcast %add3A_83 : f32 to vector<1x1024xf32>
    %add3A_85 = arith.addf %mul3A_82, %add3A_84 : vector<1x1024xf32>
    %add3A_86 = arith.constant 1.600000e+01 : f32
    %add3A_87 = vector.broadcast %add3A_86 : f32 to vector<1x1024xf32>
    %add3A_88 = arith.addf %add3A_85, %add3A_87 : vector<1x1024xf32>
    %sub3A_89 = arith.subf %get3A_4, %add3A_85 : vector<1x1024xf32>
    %abs3A_90 = math.absf %sub3A_89 : vector<1x1024xf32>
    %sub3A_91 = arith.subf %get3A_4, %add3A_88 : vector<1x1024xf32>
    %abs3A_92 = math.absf %sub3A_91 : vector<1x1024xf32>
    %le3A_93 = arith.cmpf ole, %abs3A_90, %abs3A_92 : vector<1x1024xf32>
    %add3A_94 = arith.constant 1.000000e+00 : f32
    %add3A_95 = vector.broadcast %add3A_94 : f32 to vector<1x1024xf32>
    %add3A_96 = arith.addf %min3A_79, %add3A_95 : vector<1x1024xf32>
    %select_n3A_97 = arith.select %le3A_93, %min3A_79, %add3A_96 : vector<1x1024xi1>, vector<1x1024xf32>
    %add3A_98 = arith.constant 1.000000e+00 : f32
    %add3A_99 = vector.broadcast %add3A_98 : f32 to vector<1x1024xf32>
    %add3A_100 = arith.addf %min3A_79, %add3A_99 : vector<1x1024xf32>
    %select_n3A_101 = arith.select %le3A_93, %add3A_100, %min3A_79 : vector<1x1024xi1>, vector<1x1024xf32>
    %sub3A_102 = arith.constant 1.600000e+01 : f32
    %sub3A_103 = vector.broadcast %sub3A_102 : f32 to vector<1x1024xf32>
    %sub3A_104 = arith.subf %add3A_85, %sub3A_103 : vector<1x1024xf32>
    %sub3A_105 = arith.subf %get3A_4, %sub3A_104 : vector<1x1024xf32>
    %abs3A_106 = math.absf %sub3A_105 : vector<1x1024xf32>
    %add3A_107 = arith.constant 1.600000e+01 : f32
    %add3A_108 = vector.broadcast %add3A_107 : f32 to vector<1x1024xf32>
    %add3A_109 = arith.addf %add3A_88, %add3A_108 : vector<1x1024xf32>
    %sub3A_110 = arith.subf %get3A_4, %add3A_109 : vector<1x1024xf32>
    %abs3A_111 = math.absf %sub3A_110 : vector<1x1024xf32>
    %eq3A_112 = arith.constant 0.000000e+00 : f32
    %eq3A_113 = vector.broadcast %eq3A_112 : f32 to vector<1x1024xf32>
    %eq3A_114 = arith.cmpf oeq, %min3A_79, %eq3A_113 : vector<1x1024xf32>
    %add3A_115 = arith.constant 2.000000e+00 : f32
    %add3A_116 = vector.broadcast %add3A_115 : f32 to vector<1x1024xf32>
    %add3A_117 = arith.addf %min3A_79, %add3A_116 : vector<1x1024xf32>
    %eq3A_118 = arith.constant 3.000000e+01 : f32
    %eq3A_119 = vector.broadcast %eq3A_118 : f32 to vector<1x1024xf32>
    %eq3A_120 = arith.cmpf oeq, %min3A_79, %eq3A_119 : vector<1x1024xf32>
    %sub3A_121 = arith.constant 1.000000e+00 : f32
    %sub3A_122 = vector.broadcast %sub3A_121 : f32 to vector<1x1024xf32>
    %sub3A_123 = arith.subf %min3A_79, %sub3A_122 : vector<1x1024xf32>
    %le3A_124 = arith.cmpf ole, %abs3A_106, %abs3A_111 : vector<1x1024xf32>
    %sub3A_125 = arith.constant 1.000000e+00 : f32
    %sub3A_126 = vector.broadcast %sub3A_125 : f32 to vector<1x1024xf32>
    %sub3A_127 = arith.subf %min3A_79, %sub3A_126 : vector<1x1024xf32>
    %add3A_128 = arith.constant 2.000000e+00 : f32
    %add3A_129 = vector.broadcast %add3A_128 : f32 to vector<1x1024xf32>
    %add3A_130 = arith.addf %min3A_79, %add3A_129 : vector<1x1024xf32>
    %select_n3A_131 = arith.select %le3A_124, %sub3A_127, %add3A_130 : vector<1x1024xi1>, vector<1x1024xf32>
    %select_n3A_132 = arith.select %eq3A_120, %sub3A_123, %select_n3A_131 : vector<1x1024xi1>, vector<1x1024xf32>
    %select_n3A_133 = arith.select %eq3A_114, %add3A_117, %select_n3A_132 : vector<1x1024xi1>, vector<1x1024xf32>
    %mul3A_134 = arith.constant 1.600000e+01 : f32
    %mul3A_135 = vector.broadcast %mul3A_134 : f32 to vector<1x1024xf32>
    %mul3A_136 = arith.mulf %select_n3A, %mul3A_135 : vector<1x1024xf32>
    %add3A_137 = arith.constant 8.000000e+00 : f32
    %add3A_138 = vector.broadcast %add3A_137 : f32 to vector<1x1024xf32>
    %add3A_139 = arith.addf %mul3A_136, %add3A_138 : vector<1x1024xf32>
    %sub3A_140 = arith.subf %get3A_1, %add3A_139 : vector<1x1024xf32>
    %mul3A_141 = arith.constant 1.600000e+01 : f32
    %mul3A_142 = vector.broadcast %mul3A_141 : f32 to vector<1x1024xf32>
    %mul3A_143 = arith.mulf %select_n3A_97, %mul3A_142 : vector<1x1024xf32>
    %add3A_144 = arith.constant 8.000000e+00 : f32
    %add3A_145 = vector.broadcast %add3A_144 : f32 to vector<1x1024xf32>
    %add3A_146 = arith.addf %mul3A_143, %add3A_145 : vector<1x1024xf32>
    %sub3A_147 = arith.subf %get3A_4, %add3A_146 : vector<1x1024xf32>
    %mul3A_148 = arith.mulf %sub3A_140, %sub3A_140 : vector<1x1024xf32>
    %mul3A_149 = arith.mulf %sub3A_147, %sub3A_147 : vector<1x1024xf32>
    %add3A_150 = arith.addf %mul3A_148, %mul3A_149 : vector<1x1024xf32>
    %sqrt3A = math.sqrt %add3A_150 : vector<1x1024xf32>
    %convert_element_type3A = arith.fptosi %select_n3A_97 : vector<1x1024xf32> to vector<1x1024xi32>
    %mul3A_151 = arith.constant 32 : i32
    %mul3A_152 = vector.broadcast %mul3A_151 : i32 to vector<1x1024xi32>
    %mul3A_153 = arith.muli %convert_element_type3A, %mul3A_152 : vector<1x1024xi32>
    %convert_element_type3A_154 = arith.fptosi %select_n3A : vector<1x1024xf32> to vector<1x1024xi32>
    %add3A_155 = arith.addi %mul3A_153, %convert_element_type3A_154 : vector<1x1024xi32>
    %mul3A_156 = arith.constant 1.600000e+01 : f32
    %mul3A_157 = vector.broadcast %mul3A_156 : f32 to vector<1x1024xf32>
    %mul3A_158 = arith.mulf %select_n3A_35, %mul3A_157 : vector<1x1024xf32>
    %add3A_159 = arith.constant 8.000000e+00 : f32
    %add3A_160 = vector.broadcast %add3A_159 : f32 to vector<1x1024xf32>
    %add3A_161 = arith.addf %mul3A_158, %add3A_160 : vector<1x1024xf32>
    %sub3A_162 = arith.subf %get3A_1, %add3A_161 : vector<1x1024xf32>
    %mul3A_163 = arith.constant 1.600000e+01 : f32
    %mul3A_164 = vector.broadcast %mul3A_163 : f32 to vector<1x1024xf32>
    %mul3A_165 = arith.mulf %select_n3A_97, %mul3A_164 : vector<1x1024xf32>
    %add3A_166 = arith.constant 8.000000e+00 : f32
    %add3A_167 = vector.broadcast %add3A_166 : f32 to vector<1x1024xf32>
    %add3A_168 = arith.addf %mul3A_165, %add3A_167 : vector<1x1024xf32>
    %sub3A_169 = arith.subf %get3A_4, %add3A_168 : vector<1x1024xf32>
    %mul3A_170 = arith.mulf %sub3A_162, %sub3A_162 : vector<1x1024xf32>
    %mul3A_171 = arith.mulf %sub3A_169, %sub3A_169 : vector<1x1024xf32>
    %add3A_172 = arith.addf %mul3A_170, %mul3A_171 : vector<1x1024xf32>
    %sqrt3A_173 = math.sqrt %add3A_172 : vector<1x1024xf32>
    %convert_element_type3A_174 = arith.fptosi %select_n3A_97 : vector<1x1024xf32> to vector<1x1024xi32>
    %mul3A_175 = arith.constant 32 : i32
    %mul3A_176 = vector.broadcast %mul3A_175 : i32 to vector<1x1024xi32>
    %mul3A_177 = arith.muli %convert_element_type3A_174, %mul3A_176 : vector<1x1024xi32>
    %convert_element_type3A_178 = arith.fptosi %select_n3A_35 : vector<1x1024xf32> to vector<1x1024xi32>
    %add3A_179 = arith.addi %mul3A_177, %convert_element_type3A_178 : vector<1x1024xi32>
    %mul3A_180 = arith.constant 1.600000e+01 : f32
    %mul3A_181 = vector.broadcast %mul3A_180 : f32 to vector<1x1024xf32>
    %mul3A_182 = arith.mulf %select_n3A, %mul3A_181 : vector<1x1024xf32>
    %add3A_183 = arith.constant 8.000000e+00 : f32
    %add3A_184 = vector.broadcast %add3A_183 : f32 to vector<1x1024xf32>
    %add3A_185 = arith.addf %mul3A_182, %add3A_184 : vector<1x1024xf32>
    %sub3A_186 = arith.subf %get3A_1, %add3A_185 : vector<1x1024xf32>
    %mul3A_187 = arith.constant 1.600000e+01 : f32
    %mul3A_188 = vector.broadcast %mul3A_187 : f32 to vector<1x1024xf32>
    %mul3A_189 = arith.mulf %select_n3A_101, %mul3A_188 : vector<1x1024xf32>
    %add3A_190 = arith.constant 8.000000e+00 : f32
    %add3A_191 = vector.broadcast %add3A_190 : f32 to vector<1x1024xf32>
    %add3A_192 = arith.addf %mul3A_189, %add3A_191 : vector<1x1024xf32>
    %sub3A_193 = arith.subf %get3A_4, %add3A_192 : vector<1x1024xf32>
    %mul3A_194 = arith.mulf %sub3A_186, %sub3A_186 : vector<1x1024xf32>
    %mul3A_195 = arith.mulf %sub3A_193, %sub3A_193 : vector<1x1024xf32>
    %add3A_196 = arith.addf %mul3A_194, %mul3A_195 : vector<1x1024xf32>
    %sqrt3A_197 = math.sqrt %add3A_196 : vector<1x1024xf32>
    %convert_element_type3A_198 = arith.fptosi %select_n3A_101 : vector<1x1024xf32> to vector<1x1024xi32>
    %mul3A_199 = arith.constant 32 : i32
    %mul3A_200 = vector.broadcast %mul3A_199 : i32 to vector<1x1024xi32>
    %mul3A_201 = arith.muli %convert_element_type3A_198, %mul3A_200 : vector<1x1024xi32>
    %convert_element_type3A_202 = arith.fptosi %select_n3A : vector<1x1024xf32> to vector<1x1024xi32>
    %add3A_203 = arith.addi %mul3A_201, %convert_element_type3A_202 : vector<1x1024xi32>
    %mul3A_204 = arith.constant 1.600000e+01 : f32
    %mul3A_205 = vector.broadcast %mul3A_204 : f32 to vector<1x1024xf32>
    %mul3A_206 = arith.mulf %select_n3A_35, %mul3A_205 : vector<1x1024xf32>
    %add3A_207 = arith.constant 8.000000e+00 : f32
    %add3A_208 = vector.broadcast %add3A_207 : f32 to vector<1x1024xf32>
    %add3A_209 = arith.addf %mul3A_206, %add3A_208 : vector<1x1024xf32>
    %sub3A_210 = arith.subf %get3A_1, %add3A_209 : vector<1x1024xf32>
    %mul3A_211 = arith.constant 1.600000e+01 : f32
    %mul3A_212 = vector.broadcast %mul3A_211 : f32 to vector<1x1024xf32>
    %mul3A_213 = arith.mulf %select_n3A_101, %mul3A_212 : vector<1x1024xf32>
    %add3A_214 = arith.constant 8.000000e+00 : f32
    %add3A_215 = vector.broadcast %add3A_214 : f32 to vector<1x1024xf32>
    %add3A_216 = arith.addf %mul3A_213, %add3A_215 : vector<1x1024xf32>
    %sub3A_217 = arith.subf %get3A_4, %add3A_216 : vector<1x1024xf32>
    %mul3A_218 = arith.mulf %sub3A_210, %sub3A_210 : vector<1x1024xf32>
    %mul3A_219 = arith.mulf %sub3A_217, %sub3A_217 : vector<1x1024xf32>
    %add3A_220 = arith.addf %mul3A_218, %mul3A_219 : vector<1x1024xf32>
    %sqrt3A_221 = math.sqrt %add3A_220 : vector<1x1024xf32>
    %convert_element_type3A_222 = arith.fptosi %select_n3A_101 : vector<1x1024xf32> to vector<1x1024xi32>
    %mul3A_223 = arith.constant 32 : i32
    %mul3A_224 = vector.broadcast %mul3A_223 : i32 to vector<1x1024xi32>
    %mul3A_225 = arith.muli %convert_element_type3A_222, %mul3A_224 : vector<1x1024xi32>
    %convert_element_type3A_226 = arith.fptosi %select_n3A_35 : vector<1x1024xf32> to vector<1x1024xi32>
    %add3A_227 = arith.addi %mul3A_225, %convert_element_type3A_226 : vector<1x1024xi32>
    %mul3A_228 = arith.constant 1.600000e+01 : f32
    %mul3A_229 = vector.broadcast %mul3A_228 : f32 to vector<1x1024xf32>
    %mul3A_230 = arith.mulf %select_n3A_66, %mul3A_229 : vector<1x1024xf32>
    %add3A_231 = arith.constant 8.000000e+00 : f32
    %add3A_232 = vector.broadcast %add3A_231 : f32 to vector<1x1024xf32>
    %add3A_233 = arith.addf %mul3A_230, %add3A_232 : vector<1x1024xf32>
    %sub3A_234 = arith.subf %get3A_1, %add3A_233 : vector<1x1024xf32>
    %mul3A_235 = arith.constant 1.600000e+01 : f32
    %mul3A_236 = vector.broadcast %mul3A_235 : f32 to vector<1x1024xf32>
    %mul3A_237 = arith.mulf %select_n3A_97, %mul3A_236 : vector<1x1024xf32>
    %add3A_238 = arith.constant 8.000000e+00 : f32
    %add3A_239 = vector.broadcast %add3A_238 : f32 to vector<1x1024xf32>
    %add3A_240 = arith.addf %mul3A_237, %add3A_239 : vector<1x1024xf32>
    %sub3A_241 = arith.subf %get3A_4, %add3A_240 : vector<1x1024xf32>
    %mul3A_242 = arith.mulf %sub3A_234, %sub3A_234 : vector<1x1024xf32>
    %mul3A_243 = arith.mulf %sub3A_241, %sub3A_241 : vector<1x1024xf32>
    %add3A_244 = arith.addf %mul3A_242, %mul3A_243 : vector<1x1024xf32>
    %sqrt3A_245 = math.sqrt %add3A_244 : vector<1x1024xf32>
    %convert_element_type3A_246 = arith.fptosi %select_n3A_97 : vector<1x1024xf32> to vector<1x1024xi32>
    %mul3A_247 = arith.constant 32 : i32
    %mul3A_248 = vector.broadcast %mul3A_247 : i32 to vector<1x1024xi32>
    %mul3A_249 = arith.muli %convert_element_type3A_246, %mul3A_248 : vector<1x1024xi32>
    %convert_element_type3A_250 = arith.fptosi %select_n3A_66 : vector<1x1024xf32> to vector<1x1024xi32>
    %add3A_251 = arith.addi %mul3A_249, %convert_element_type3A_250 : vector<1x1024xi32>
    %mul3A_252 = arith.constant 1.600000e+01 : f32
    %mul3A_253 = vector.broadcast %mul3A_252 : f32 to vector<1x1024xf32>
    %mul3A_254 = arith.mulf %select_n3A, %mul3A_253 : vector<1x1024xf32>
    %add3A_255 = arith.constant 8.000000e+00 : f32
    %add3A_256 = vector.broadcast %add3A_255 : f32 to vector<1x1024xf32>
    %add3A_257 = arith.addf %mul3A_254, %add3A_256 : vector<1x1024xf32>
    %sub3A_258 = arith.subf %get3A_1, %add3A_257 : vector<1x1024xf32>
    %mul3A_259 = arith.constant 1.600000e+01 : f32
    %mul3A_260 = vector.broadcast %mul3A_259 : f32 to vector<1x1024xf32>
    %mul3A_261 = arith.mulf %select_n3A_133, %mul3A_260 : vector<1x1024xf32>
    %add3A_262 = arith.constant 8.000000e+00 : f32
    %add3A_263 = vector.broadcast %add3A_262 : f32 to vector<1x1024xf32>
    %add3A_264 = arith.addf %mul3A_261, %add3A_263 : vector<1x1024xf32>
    %sub3A_265 = arith.subf %get3A_4, %add3A_264 : vector<1x1024xf32>
    %mul3A_266 = arith.mulf %sub3A_258, %sub3A_258 : vector<1x1024xf32>
    %mul3A_267 = arith.mulf %sub3A_265, %sub3A_265 : vector<1x1024xf32>
    %add3A_268 = arith.addf %mul3A_266, %mul3A_267 : vector<1x1024xf32>
    %sqrt3A_269 = math.sqrt %add3A_268 : vector<1x1024xf32>
    %convert_element_type3A_270 = arith.fptosi %select_n3A_133 : vector<1x1024xf32> to vector<1x1024xi32>
    %mul3A_271 = arith.constant 32 : i32
    %mul3A_272 = vector.broadcast %mul3A_271 : i32 to vector<1x1024xi32>
    %mul3A_273 = arith.muli %convert_element_type3A_270, %mul3A_272 : vector<1x1024xi32>
    %convert_element_type3A_274 = arith.fptosi %select_n3A : vector<1x1024xf32> to vector<1x1024xi32>
    %add3A_275 = arith.addi %mul3A_273, %convert_element_type3A_274 : vector<1x1024xi32>
    %broadcast_in_dim3A = arith.constant 0 : i32
    %broadcast_in_dim3A_276 = vector.broadcast %broadcast_in_dim3A : i32 to vector<1x1024xi32>
    %lt3A = arith.cmpf olt, %sqrt3A_173, %sqrt3A : vector<1x1024xf32>
    %eq3A_277 = arith.cmpf oeq, %sqrt3A_173, %sqrt3A : vector<1x1024xf32>
    %lt3A_278 = arith.cmpi slt, %add3A_179, %add3A_155 : vector<1x1024xi32>
    %and3A = arith.andi %eq3A_277, %lt3A_278 : vector<1x1024xi1>
    %or3A = arith.ori %lt3A, %and3A : vector<1x1024xi1>
    %convert_element_type3A_279 = arith.extui %or3A : vector<1x1024xi1> to vector<1x1024xi32>
    %add3A_280 = arith.addi %broadcast_in_dim3A_276, %convert_element_type3A_279 : vector<1x1024xi32>
    %lt3A_281 = arith.cmpf olt, %sqrt3A_197, %sqrt3A : vector<1x1024xf32>
    %eq3A_282 = arith.cmpf oeq, %sqrt3A_197, %sqrt3A : vector<1x1024xf32>
    %lt3A_283 = arith.cmpi slt, %add3A_203, %add3A_155 : vector<1x1024xi32>
    %and3A_284 = arith.andi %eq3A_282, %lt3A_283 : vector<1x1024xi1>
    %or3A_285 = arith.ori %lt3A_281, %and3A_284 : vector<1x1024xi1>
    %convert_element_type3A_286 = arith.extui %or3A_285 : vector<1x1024xi1> to vector<1x1024xi32>
    %add3A_287 = arith.addi %add3A_280, %convert_element_type3A_286 : vector<1x1024xi32>
    %lt3A_288 = arith.cmpf olt, %sqrt3A_221, %sqrt3A : vector<1x1024xf32>
    %eq3A_289 = arith.cmpf oeq, %sqrt3A_221, %sqrt3A : vector<1x1024xf32>
    %lt3A_290 = arith.cmpi slt, %add3A_227, %add3A_155 : vector<1x1024xi32>
    %and3A_291 = arith.andi %eq3A_289, %lt3A_290 : vector<1x1024xi1>
    %or3A_292 = arith.ori %lt3A_288, %and3A_291 : vector<1x1024xi1>
    %convert_element_type3A_293 = arith.extui %or3A_292 : vector<1x1024xi1> to vector<1x1024xi32>
    %add3A_294 = arith.addi %add3A_287, %convert_element_type3A_293 : vector<1x1024xi32>
    %lt3A_295 = arith.cmpf olt, %sqrt3A_245, %sqrt3A : vector<1x1024xf32>
    %eq3A_296 = arith.cmpf oeq, %sqrt3A_245, %sqrt3A : vector<1x1024xf32>
    %lt3A_297 = arith.cmpi slt, %add3A_251, %add3A_155 : vector<1x1024xi32>
    %and3A_298 = arith.andi %eq3A_296, %lt3A_297 : vector<1x1024xi1>
    %or3A_299 = arith.ori %lt3A_295, %and3A_298 : vector<1x1024xi1>
    %convert_element_type3A_300 = arith.extui %or3A_299 : vector<1x1024xi1> to vector<1x1024xi32>
    %add3A_301 = arith.addi %add3A_294, %convert_element_type3A_300 : vector<1x1024xi32>
    %lt3A_302 = arith.cmpf olt, %sqrt3A_269, %sqrt3A : vector<1x1024xf32>
    %eq3A_303 = arith.cmpf oeq, %sqrt3A_269, %sqrt3A : vector<1x1024xf32>
    %lt3A_304 = arith.cmpi slt, %add3A_275, %add3A_155 : vector<1x1024xi32>
    %and3A_305 = arith.andi %eq3A_303, %lt3A_304 : vector<1x1024xi1>
    %or3A_306 = arith.ori %lt3A_302, %and3A_305 : vector<1x1024xi1>
    %convert_element_type3A_307 = arith.extui %or3A_306 : vector<1x1024xi1> to vector<1x1024xi32>
    %add3A_308 = arith.addi %add3A_301, %convert_element_type3A_307 : vector<1x1024xi32>
    %broadcast_in_dim3A_309 = arith.constant 0 : i32
    %broadcast_in_dim3A_310 = vector.broadcast %broadcast_in_dim3A_309 : i32 to vector<1x1024xi32>
    %lt3A_311 = arith.cmpf olt, %sqrt3A, %sqrt3A_173 : vector<1x1024xf32>
    %eq3A_312 = arith.cmpf oeq, %sqrt3A, %sqrt3A_173 : vector<1x1024xf32>
    %lt3A_313 = arith.cmpi slt, %add3A_155, %add3A_179 : vector<1x1024xi32>
    %and3A_314 = arith.andi %eq3A_312, %lt3A_313 : vector<1x1024xi1>
    %or3A_315 = arith.ori %lt3A_311, %and3A_314 : vector<1x1024xi1>
    %convert_element_type3A_316 = arith.extui %or3A_315 : vector<1x1024xi1> to vector<1x1024xi32>
    %add3A_317 = arith.addi %broadcast_in_dim3A_310, %convert_element_type3A_316 : vector<1x1024xi32>
    %lt3A_318 = arith.cmpf olt, %sqrt3A_197, %sqrt3A_173 : vector<1x1024xf32>
    %eq3A_319 = arith.cmpf oeq, %sqrt3A_197, %sqrt3A_173 : vector<1x1024xf32>
    %lt3A_320 = arith.cmpi slt, %add3A_203, %add3A_179 : vector<1x1024xi32>
    %and3A_321 = arith.andi %eq3A_319, %lt3A_320 : vector<1x1024xi1>
    %or3A_322 = arith.ori %lt3A_318, %and3A_321 : vector<1x1024xi1>
    %convert_element_type3A_323 = arith.extui %or3A_322 : vector<1x1024xi1> to vector<1x1024xi32>
    %add3A_324 = arith.addi %add3A_317, %convert_element_type3A_323 : vector<1x1024xi32>
    %lt3A_325 = arith.cmpf olt, %sqrt3A_221, %sqrt3A_173 : vector<1x1024xf32>
    %eq3A_326 = arith.cmpf oeq, %sqrt3A_221, %sqrt3A_173 : vector<1x1024xf32>
    %lt3A_327 = arith.cmpi slt, %add3A_227, %add3A_179 : vector<1x1024xi32>
    %and3A_328 = arith.andi %eq3A_326, %lt3A_327 : vector<1x1024xi1>
    %or3A_329 = arith.ori %lt3A_325, %and3A_328 : vector<1x1024xi1>
    %convert_element_type3A_330 = arith.extui %or3A_329 : vector<1x1024xi1> to vector<1x1024xi32>
    %add3A_331 = arith.addi %add3A_324, %convert_element_type3A_330 : vector<1x1024xi32>
    %lt3A_332 = arith.cmpf olt, %sqrt3A_245, %sqrt3A_173 : vector<1x1024xf32>
    %eq3A_333 = arith.cmpf oeq, %sqrt3A_245, %sqrt3A_173 : vector<1x1024xf32>
    %lt3A_334 = arith.cmpi slt, %add3A_251, %add3A_179 : vector<1x1024xi32>
    %and3A_335 = arith.andi %eq3A_333, %lt3A_334 : vector<1x1024xi1>
    %or3A_336 = arith.ori %lt3A_332, %and3A_335 : vector<1x1024xi1>
    %convert_element_type3A_337 = arith.extui %or3A_336 : vector<1x1024xi1> to vector<1x1024xi32>
    %add3A_338 = arith.addi %add3A_331, %convert_element_type3A_337 : vector<1x1024xi32>
    %lt3A_339 = arith.cmpf olt, %sqrt3A_269, %sqrt3A_173 : vector<1x1024xf32>
    %eq3A_340 = arith.cmpf oeq, %sqrt3A_269, %sqrt3A_173 : vector<1x1024xf32>
    %lt3A_341 = arith.cmpi slt, %add3A_275, %add3A_179 : vector<1x1024xi32>
    %and3A_342 = arith.andi %eq3A_340, %lt3A_341 : vector<1x1024xi1>
    %or3A_343 = arith.ori %lt3A_339, %and3A_342 : vector<1x1024xi1>
    %convert_element_type3A_344 = arith.extui %or3A_343 : vector<1x1024xi1> to vector<1x1024xi32>
    %add3A_345 = arith.addi %add3A_338, %convert_element_type3A_344 : vector<1x1024xi32>
    %broadcast_in_dim3A_346 = arith.constant 0 : i32
    %broadcast_in_dim3A_347 = vector.broadcast %broadcast_in_dim3A_346 : i32 to vector<1x1024xi32>
    %lt3A_348 = arith.cmpf olt, %sqrt3A, %sqrt3A_197 : vector<1x1024xf32>
    %eq3A_349 = arith.cmpf oeq, %sqrt3A, %sqrt3A_197 : vector<1x1024xf32>
    %lt3A_350 = arith.cmpi slt, %add3A_155, %add3A_203 : vector<1x1024xi32>
    %and3A_351 = arith.andi %eq3A_349, %lt3A_350 : vector<1x1024xi1>
    %or3A_352 = arith.ori %lt3A_348, %and3A_351 : vector<1x1024xi1>
    %convert_element_type3A_353 = arith.extui %or3A_352 : vector<1x1024xi1> to vector<1x1024xi32>
    %add3A_354 = arith.addi %broadcast_in_dim3A_347, %convert_element_type3A_353 : vector<1x1024xi32>
    %lt3A_355 = arith.cmpf olt, %sqrt3A_173, %sqrt3A_197 : vector<1x1024xf32>
    %eq3A_356 = arith.cmpf oeq, %sqrt3A_173, %sqrt3A_197 : vector<1x1024xf32>
    %lt3A_357 = arith.cmpi slt, %add3A_179, %add3A_203 : vector<1x1024xi32>
    %and3A_358 = arith.andi %eq3A_356, %lt3A_357 : vector<1x1024xi1>
    %or3A_359 = arith.ori %lt3A_355, %and3A_358 : vector<1x1024xi1>
    %convert_element_type3A_360 = arith.extui %or3A_359 : vector<1x1024xi1> to vector<1x1024xi32>
    %add3A_361 = arith.addi %add3A_354, %convert_element_type3A_360 : vector<1x1024xi32>
    %lt3A_362 = arith.cmpf olt, %sqrt3A_221, %sqrt3A_197 : vector<1x1024xf32>
    %eq3A_363 = arith.cmpf oeq, %sqrt3A_221, %sqrt3A_197 : vector<1x1024xf32>
    %lt3A_364 = arith.cmpi slt, %add3A_227, %add3A_203 : vector<1x1024xi32>
    %and3A_365 = arith.andi %eq3A_363, %lt3A_364 : vector<1x1024xi1>
    %or3A_366 = arith.ori %lt3A_362, %and3A_365 : vector<1x1024xi1>
    %convert_element_type3A_367 = arith.extui %or3A_366 : vector<1x1024xi1> to vector<1x1024xi32>
    %add3A_368 = arith.addi %add3A_361, %convert_element_type3A_367 : vector<1x1024xi32>
    %lt3A_369 = arith.cmpf olt, %sqrt3A_245, %sqrt3A_197 : vector<1x1024xf32>
    %eq3A_370 = arith.cmpf oeq, %sqrt3A_245, %sqrt3A_197 : vector<1x1024xf32>
    %lt3A_371 = arith.cmpi slt, %add3A_251, %add3A_203 : vector<1x1024xi32>
    %and3A_372 = arith.andi %eq3A_370, %lt3A_371 : vector<1x1024xi1>
    %or3A_373 = arith.ori %lt3A_369, %and3A_372 : vector<1x1024xi1>
    %convert_element_type3A_374 = arith.extui %or3A_373 : vector<1x1024xi1> to vector<1x1024xi32>
    %add3A_375 = arith.addi %add3A_368, %convert_element_type3A_374 : vector<1x1024xi32>
    %lt3A_376 = arith.cmpf olt, %sqrt3A_269, %sqrt3A_197 : vector<1x1024xf32>
    %eq3A_377 = arith.cmpf oeq, %sqrt3A_269, %sqrt3A_197 : vector<1x1024xf32>
    %lt3A_378 = arith.cmpi slt, %add3A_275, %add3A_203 : vector<1x1024xi32>
    %and3A_379 = arith.andi %eq3A_377, %lt3A_378 : vector<1x1024xi1>
    %or3A_380 = arith.ori %lt3A_376, %and3A_379 : vector<1x1024xi1>
    %convert_element_type3A_381 = arith.extui %or3A_380 : vector<1x1024xi1> to vector<1x1024xi32>
    %add3A_382 = arith.addi %add3A_375, %convert_element_type3A_381 : vector<1x1024xi32>
    %broadcast_in_dim3A_383 = arith.constant 0 : i32
    %broadcast_in_dim3A_384 = vector.broadcast %broadcast_in_dim3A_383 : i32 to vector<1x1024xi32>
    %lt3A_385 = arith.cmpf olt, %sqrt3A, %sqrt3A_221 : vector<1x1024xf32>
    %eq3A_386 = arith.cmpf oeq, %sqrt3A, %sqrt3A_221 : vector<1x1024xf32>
    %lt3A_387 = arith.cmpi slt, %add3A_155, %add3A_227 : vector<1x1024xi32>
    %and3A_388 = arith.andi %eq3A_386, %lt3A_387 : vector<1x1024xi1>
    %or3A_389 = arith.ori %lt3A_385, %and3A_388 : vector<1x1024xi1>
    %convert_element_type3A_390 = arith.extui %or3A_389 : vector<1x1024xi1> to vector<1x1024xi32>
    %add3A_391 = arith.addi %broadcast_in_dim3A_384, %convert_element_type3A_390 : vector<1x1024xi32>
    %lt3A_392 = arith.cmpf olt, %sqrt3A_173, %sqrt3A_221 : vector<1x1024xf32>
    %eq3A_393 = arith.cmpf oeq, %sqrt3A_173, %sqrt3A_221 : vector<1x1024xf32>
    %lt3A_394 = arith.cmpi slt, %add3A_179, %add3A_227 : vector<1x1024xi32>
    %and3A_395 = arith.andi %eq3A_393, %lt3A_394 : vector<1x1024xi1>
    %or3A_396 = arith.ori %lt3A_392, %and3A_395 : vector<1x1024xi1>
    %convert_element_type3A_397 = arith.extui %or3A_396 : vector<1x1024xi1> to vector<1x1024xi32>
    %add3A_398 = arith.addi %add3A_391, %convert_element_type3A_397 : vector<1x1024xi32>
    %lt3A_399 = arith.cmpf olt, %sqrt3A_197, %sqrt3A_221 : vector<1x1024xf32>
    %eq3A_400 = arith.cmpf oeq, %sqrt3A_197, %sqrt3A_221 : vector<1x1024xf32>
    %lt3A_401 = arith.cmpi slt, %add3A_203, %add3A_227 : vector<1x1024xi32>
    %and3A_402 = arith.andi %eq3A_400, %lt3A_401 : vector<1x1024xi1>
    %or3A_403 = arith.ori %lt3A_399, %and3A_402 : vector<1x1024xi1>
    %convert_element_type3A_404 = arith.extui %or3A_403 : vector<1x1024xi1> to vector<1x1024xi32>
    %add3A_405 = arith.addi %add3A_398, %convert_element_type3A_404 : vector<1x1024xi32>
    %lt3A_406 = arith.cmpf olt, %sqrt3A_245, %sqrt3A_221 : vector<1x1024xf32>
    %eq3A_407 = arith.cmpf oeq, %sqrt3A_245, %sqrt3A_221 : vector<1x1024xf32>
    %lt3A_408 = arith.cmpi slt, %add3A_251, %add3A_227 : vector<1x1024xi32>
    %and3A_409 = arith.andi %eq3A_407, %lt3A_408 : vector<1x1024xi1>
    %or3A_410 = arith.ori %lt3A_406, %and3A_409 : vector<1x1024xi1>
    %convert_element_type3A_411 = arith.extui %or3A_410 : vector<1x1024xi1> to vector<1x1024xi32>
    %add3A_412 = arith.addi %add3A_405, %convert_element_type3A_411 : vector<1x1024xi32>
    %lt3A_413 = arith.cmpf olt, %sqrt3A_269, %sqrt3A_221 : vector<1x1024xf32>
    %eq3A_414 = arith.cmpf oeq, %sqrt3A_269, %sqrt3A_221 : vector<1x1024xf32>
    %lt3A_415 = arith.cmpi slt, %add3A_275, %add3A_227 : vector<1x1024xi32>
    %and3A_416 = arith.andi %eq3A_414, %lt3A_415 : vector<1x1024xi1>
    %or3A_417 = arith.ori %lt3A_413, %and3A_416 : vector<1x1024xi1>
    %convert_element_type3A_418 = arith.extui %or3A_417 : vector<1x1024xi1> to vector<1x1024xi32>
    %add3A_419 = arith.addi %add3A_412, %convert_element_type3A_418 : vector<1x1024xi32>
    %broadcast_in_dim3A_420 = arith.constant 0 : i32
    %broadcast_in_dim3A_421 = vector.broadcast %broadcast_in_dim3A_420 : i32 to vector<1x1024xi32>
    %lt3A_422 = arith.cmpf olt, %sqrt3A, %sqrt3A_245 : vector<1x1024xf32>
    %eq3A_423 = arith.cmpf oeq, %sqrt3A, %sqrt3A_245 : vector<1x1024xf32>
    %lt3A_424 = arith.cmpi slt, %add3A_155, %add3A_251 : vector<1x1024xi32>
    %and3A_425 = arith.andi %eq3A_423, %lt3A_424 : vector<1x1024xi1>
    %or3A_426 = arith.ori %lt3A_422, %and3A_425 : vector<1x1024xi1>
    %convert_element_type3A_427 = arith.extui %or3A_426 : vector<1x1024xi1> to vector<1x1024xi32>
    %add3A_428 = arith.addi %broadcast_in_dim3A_421, %convert_element_type3A_427 : vector<1x1024xi32>
    %lt3A_429 = arith.cmpf olt, %sqrt3A_173, %sqrt3A_245 : vector<1x1024xf32>
    %eq3A_430 = arith.cmpf oeq, %sqrt3A_173, %sqrt3A_245 : vector<1x1024xf32>
    %lt3A_431 = arith.cmpi slt, %add3A_179, %add3A_251 : vector<1x1024xi32>
    %and3A_432 = arith.andi %eq3A_430, %lt3A_431 : vector<1x1024xi1>
    %or3A_433 = arith.ori %lt3A_429, %and3A_432 : vector<1x1024xi1>
    %convert_element_type3A_434 = arith.extui %or3A_433 : vector<1x1024xi1> to vector<1x1024xi32>
    %add3A_435 = arith.addi %add3A_428, %convert_element_type3A_434 : vector<1x1024xi32>
    %lt3A_436 = arith.cmpf olt, %sqrt3A_197, %sqrt3A_245 : vector<1x1024xf32>
    %eq3A_437 = arith.cmpf oeq, %sqrt3A_197, %sqrt3A_245 : vector<1x1024xf32>
    %lt3A_438 = arith.cmpi slt, %add3A_203, %add3A_251 : vector<1x1024xi32>
    %and3A_439 = arith.andi %eq3A_437, %lt3A_438 : vector<1x1024xi1>
    %or3A_440 = arith.ori %lt3A_436, %and3A_439 : vector<1x1024xi1>
    %convert_element_type3A_441 = arith.extui %or3A_440 : vector<1x1024xi1> to vector<1x1024xi32>
    %add3A_442 = arith.addi %add3A_435, %convert_element_type3A_441 : vector<1x1024xi32>
    %lt3A_443 = arith.cmpf olt, %sqrt3A_221, %sqrt3A_245 : vector<1x1024xf32>
    %eq3A_444 = arith.cmpf oeq, %sqrt3A_221, %sqrt3A_245 : vector<1x1024xf32>
    %lt3A_445 = arith.cmpi slt, %add3A_227, %add3A_251 : vector<1x1024xi32>
    %and3A_446 = arith.andi %eq3A_444, %lt3A_445 : vector<1x1024xi1>
    %or3A_447 = arith.ori %lt3A_443, %and3A_446 : vector<1x1024xi1>
    %convert_element_type3A_448 = arith.extui %or3A_447 : vector<1x1024xi1> to vector<1x1024xi32>
    %add3A_449 = arith.addi %add3A_442, %convert_element_type3A_448 : vector<1x1024xi32>
    %lt3A_450 = arith.cmpf olt, %sqrt3A_269, %sqrt3A_245 : vector<1x1024xf32>
    %eq3A_451 = arith.cmpf oeq, %sqrt3A_269, %sqrt3A_245 : vector<1x1024xf32>
    %lt3A_452 = arith.cmpi slt, %add3A_275, %add3A_251 : vector<1x1024xi32>
    %and3A_453 = arith.andi %eq3A_451, %lt3A_452 : vector<1x1024xi1>
    %or3A_454 = arith.ori %lt3A_450, %and3A_453 : vector<1x1024xi1>
    %convert_element_type3A_455 = arith.extui %or3A_454 : vector<1x1024xi1> to vector<1x1024xi32>
    %add3A_456 = arith.addi %add3A_449, %convert_element_type3A_455 : vector<1x1024xi32>
    %broadcast_in_dim3A_457 = arith.constant 0 : i32
    %broadcast_in_dim3A_458 = vector.broadcast %broadcast_in_dim3A_457 : i32 to vector<1x1024xi32>
    %lt3A_459 = arith.cmpf olt, %sqrt3A, %sqrt3A_269 : vector<1x1024xf32>
    %eq3A_460 = arith.cmpf oeq, %sqrt3A, %sqrt3A_269 : vector<1x1024xf32>
    %lt3A_461 = arith.cmpi slt, %add3A_155, %add3A_275 : vector<1x1024xi32>
    %and3A_462 = arith.andi %eq3A_460, %lt3A_461 : vector<1x1024xi1>
    %or3A_463 = arith.ori %lt3A_459, %and3A_462 : vector<1x1024xi1>
    %convert_element_type3A_464 = arith.extui %or3A_463 : vector<1x1024xi1> to vector<1x1024xi32>
    %add3A_465 = arith.addi %broadcast_in_dim3A_458, %convert_element_type3A_464 : vector<1x1024xi32>
    %lt3A_466 = arith.cmpf olt, %sqrt3A_173, %sqrt3A_269 : vector<1x1024xf32>
    %eq3A_467 = arith.cmpf oeq, %sqrt3A_173, %sqrt3A_269 : vector<1x1024xf32>
    %lt3A_468 = arith.cmpi slt, %add3A_179, %add3A_275 : vector<1x1024xi32>
    %and3A_469 = arith.andi %eq3A_467, %lt3A_468 : vector<1x1024xi1>
    %or3A_470 = arith.ori %lt3A_466, %and3A_469 : vector<1x1024xi1>
    %convert_element_type3A_471 = arith.extui %or3A_470 : vector<1x1024xi1> to vector<1x1024xi32>
    %add3A_472 = arith.addi %add3A_465, %convert_element_type3A_471 : vector<1x1024xi32>
    %lt3A_473 = arith.cmpf olt, %sqrt3A_197, %sqrt3A_269 : vector<1x1024xf32>
    %eq3A_474 = arith.cmpf oeq, %sqrt3A_197, %sqrt3A_269 : vector<1x1024xf32>
    %lt3A_475 = arith.cmpi slt, %add3A_203, %add3A_275 : vector<1x1024xi32>
    %and3A_476 = arith.andi %eq3A_474, %lt3A_475 : vector<1x1024xi1>
    %or3A_477 = arith.ori %lt3A_473, %and3A_476 : vector<1x1024xi1>
    %convert_element_type3A_478 = arith.extui %or3A_477 : vector<1x1024xi1> to vector<1x1024xi32>
    %add3A_479 = arith.addi %add3A_472, %convert_element_type3A_478 : vector<1x1024xi32>
    %lt3A_480 = arith.cmpf olt, %sqrt3A_221, %sqrt3A_269 : vector<1x1024xf32>
    %eq3A_481 = arith.cmpf oeq, %sqrt3A_221, %sqrt3A_269 : vector<1x1024xf32>
    %lt3A_482 = arith.cmpi slt, %add3A_227, %add3A_275 : vector<1x1024xi32>
    %and3A_483 = arith.andi %eq3A_481, %lt3A_482 : vector<1x1024xi1>
    %or3A_484 = arith.ori %lt3A_480, %and3A_483 : vector<1x1024xi1>
    %convert_element_type3A_485 = arith.extui %or3A_484 : vector<1x1024xi1> to vector<1x1024xi32>
    %add3A_486 = arith.addi %add3A_479, %convert_element_type3A_485 : vector<1x1024xi32>
    %lt3A_487 = arith.cmpf olt, %sqrt3A_245, %sqrt3A_269 : vector<1x1024xf32>
    %eq3A_488 = arith.cmpf oeq, %sqrt3A_245, %sqrt3A_269 : vector<1x1024xf32>
    %lt3A_489 = arith.cmpi slt, %add3A_251, %add3A_275 : vector<1x1024xi32>
    %and3A_490 = arith.andi %eq3A_488, %lt3A_489 : vector<1x1024xi1>
    %or3A_491 = arith.ori %lt3A_487, %and3A_490 : vector<1x1024xi1>
    %convert_element_type3A_492 = arith.extui %or3A_491 : vector<1x1024xi1> to vector<1x1024xi32>
    %add3A_493 = arith.addi %add3A_486, %convert_element_type3A_492 : vector<1x1024xi32>
    %broadcast_in_dim3A_494 = arith.constant 0 : i32
    %broadcast_in_dim3A_495 = vector.broadcast %broadcast_in_dim3A_494 : i32 to vector<1x1024xi32>
    %eq3A_496 = arith.constant 0 : i32
    %eq3A_497 = vector.broadcast %eq3A_496 : i32 to vector<1x1024xi32>
    %eq3A_498 = arith.cmpi eq, %add3A_308, %eq3A_497 : vector<1x1024xi32>
    %jit3A_499 = arith.constant 0 : i32
    %broadcast_in_dim3A_500 = vector.broadcast %jit3A_499 : i32 to vector<1x1024xi32>
    %select_n3A_501 = arith.select %eq3A_498, %add3A_155, %broadcast_in_dim3A_500 : vector<1x1024xi1>, vector<1x1024xi32>
    %add3A_502 = arith.addi %broadcast_in_dim3A_495, %select_n3A_501 : vector<1x1024xi32>
    %eq3A_503 = arith.constant 0 : i32
    %eq3A_504 = vector.broadcast %eq3A_503 : i32 to vector<1x1024xi32>
    %eq3A_505 = arith.cmpi eq, %add3A_345, %eq3A_504 : vector<1x1024xi32>
    %jit3A_506 = arith.constant 0 : i32
    %broadcast_in_dim3A_507 = vector.broadcast %jit3A_506 : i32 to vector<1x1024xi32>
    %select_n3A_508 = arith.select %eq3A_505, %add3A_179, %broadcast_in_dim3A_507 : vector<1x1024xi1>, vector<1x1024xi32>
    %add3A_509 = arith.addi %add3A_502, %select_n3A_508 : vector<1x1024xi32>
    %eq3A_510 = arith.constant 0 : i32
    %eq3A_511 = vector.broadcast %eq3A_510 : i32 to vector<1x1024xi32>
    %eq3A_512 = arith.cmpi eq, %add3A_382, %eq3A_511 : vector<1x1024xi32>
    %jit3A_513 = arith.constant 0 : i32
    %broadcast_in_dim3A_514 = vector.broadcast %jit3A_513 : i32 to vector<1x1024xi32>
    %select_n3A_515 = arith.select %eq3A_512, %add3A_203, %broadcast_in_dim3A_514 : vector<1x1024xi1>, vector<1x1024xi32>
    %add3A_516 = arith.addi %add3A_509, %select_n3A_515 : vector<1x1024xi32>
    %eq3A_517 = arith.constant 0 : i32
    %eq3A_518 = vector.broadcast %eq3A_517 : i32 to vector<1x1024xi32>
    %eq3A_519 = arith.cmpi eq, %add3A_419, %eq3A_518 : vector<1x1024xi32>
    %jit3A_520 = arith.constant 0 : i32
    %broadcast_in_dim3A_521 = vector.broadcast %jit3A_520 : i32 to vector<1x1024xi32>
    %select_n3A_522 = arith.select %eq3A_519, %add3A_227, %broadcast_in_dim3A_521 : vector<1x1024xi1>, vector<1x1024xi32>
    %add3A_523 = arith.addi %add3A_516, %select_n3A_522 : vector<1x1024xi32>
    %eq3A_524 = arith.constant 0 : i32
    %eq3A_525 = vector.broadcast %eq3A_524 : i32 to vector<1x1024xi32>
    %eq3A_526 = arith.cmpi eq, %add3A_456, %eq3A_525 : vector<1x1024xi32>
    %jit3A_527 = arith.constant 0 : i32
    %broadcast_in_dim3A_528 = vector.broadcast %jit3A_527 : i32 to vector<1x1024xi32>
    %select_n3A_529 = arith.select %eq3A_526, %add3A_251, %broadcast_in_dim3A_528 : vector<1x1024xi1>, vector<1x1024xi32>
    %add3A_530 = arith.addi %add3A_523, %select_n3A_529 : vector<1x1024xi32>
    %eq3A_531 = arith.constant 0 : i32
    %eq3A_532 = vector.broadcast %eq3A_531 : i32 to vector<1x1024xi32>
    %eq3A_533 = arith.cmpi eq, %add3A_493, %eq3A_532 : vector<1x1024xi32>
    %jit3A_534 = arith.constant 0 : i32
    %broadcast_in_dim3A_535 = vector.broadcast %jit3A_534 : i32 to vector<1x1024xi32>
    %select_n3A_536 = arith.select %eq3A_533, %add3A_275, %broadcast_in_dim3A_535 : vector<1x1024xi1>, vector<1x1024xi32>
    %add3A_537 = arith.addi %add3A_530, %select_n3A_536 : vector<1x1024xi32>
    %reshape3A = vector.shape_cast %add3A_537 : vector<1x1024xi32> to vector<1024x1xi32>
    %broadcast_in_dim3A_538 = arith.constant 0 : i32
    %broadcast_in_dim3A_539 = vector.broadcast %broadcast_in_dim3A_538 : i32 to vector<1x1024xi32>
    %eq3A_540 = arith.constant 1 : i32
    %eq3A_541 = vector.broadcast %eq3A_540 : i32 to vector<1x1024xi32>
    %eq3A_542 = arith.cmpi eq, %add3A_308, %eq3A_541 : vector<1x1024xi32>
    %jit3A_543 = arith.constant 0 : i32
    %broadcast_in_dim3A_544 = vector.broadcast %jit3A_543 : i32 to vector<1x1024xi32>
    %select_n3A_545 = arith.select %eq3A_542, %add3A_155, %broadcast_in_dim3A_544 : vector<1x1024xi1>, vector<1x1024xi32>
    %add3A_546 = arith.addi %broadcast_in_dim3A_539, %select_n3A_545 : vector<1x1024xi32>
    %eq3A_547 = arith.constant 1 : i32
    %eq3A_548 = vector.broadcast %eq3A_547 : i32 to vector<1x1024xi32>
    %eq3A_549 = arith.cmpi eq, %add3A_345, %eq3A_548 : vector<1x1024xi32>
    %jit3A_550 = arith.constant 0 : i32
    %broadcast_in_dim3A_551 = vector.broadcast %jit3A_550 : i32 to vector<1x1024xi32>
    %select_n3A_552 = arith.select %eq3A_549, %add3A_179, %broadcast_in_dim3A_551 : vector<1x1024xi1>, vector<1x1024xi32>
    %add3A_553 = arith.addi %add3A_546, %select_n3A_552 : vector<1x1024xi32>
    %eq3A_554 = arith.constant 1 : i32
    %eq3A_555 = vector.broadcast %eq3A_554 : i32 to vector<1x1024xi32>
    %eq3A_556 = arith.cmpi eq, %add3A_382, %eq3A_555 : vector<1x1024xi32>
    %jit3A_557 = arith.constant 0 : i32
    %broadcast_in_dim3A_558 = vector.broadcast %jit3A_557 : i32 to vector<1x1024xi32>
    %select_n3A_559 = arith.select %eq3A_556, %add3A_203, %broadcast_in_dim3A_558 : vector<1x1024xi1>, vector<1x1024xi32>
    %add3A_560 = arith.addi %add3A_553, %select_n3A_559 : vector<1x1024xi32>
    %eq3A_561 = arith.constant 1 : i32
    %eq3A_562 = vector.broadcast %eq3A_561 : i32 to vector<1x1024xi32>
    %eq3A_563 = arith.cmpi eq, %add3A_419, %eq3A_562 : vector<1x1024xi32>
    %jit3A_564 = arith.constant 0 : i32
    %broadcast_in_dim3A_565 = vector.broadcast %jit3A_564 : i32 to vector<1x1024xi32>
    %select_n3A_566 = arith.select %eq3A_563, %add3A_227, %broadcast_in_dim3A_565 : vector<1x1024xi1>, vector<1x1024xi32>
    %add3A_567 = arith.addi %add3A_560, %select_n3A_566 : vector<1x1024xi32>
    %eq3A_568 = arith.constant 1 : i32
    %eq3A_569 = vector.broadcast %eq3A_568 : i32 to vector<1x1024xi32>
    %eq3A_570 = arith.cmpi eq, %add3A_456, %eq3A_569 : vector<1x1024xi32>
    %jit3A_571 = arith.constant 0 : i32
    %broadcast_in_dim3A_572 = vector.broadcast %jit3A_571 : i32 to vector<1x1024xi32>
    %select_n3A_573 = arith.select %eq3A_570, %add3A_251, %broadcast_in_dim3A_572 : vector<1x1024xi1>, vector<1x1024xi32>
    %add3A_574 = arith.addi %add3A_567, %select_n3A_573 : vector<1x1024xi32>
    %eq3A_575 = arith.constant 1 : i32
    %eq3A_576 = vector.broadcast %eq3A_575 : i32 to vector<1x1024xi32>
    %eq3A_577 = arith.cmpi eq, %add3A_493, %eq3A_576 : vector<1x1024xi32>
    %jit3A_578 = arith.constant 0 : i32
    %broadcast_in_dim3A_579 = vector.broadcast %jit3A_578 : i32 to vector<1x1024xi32>
    %select_n3A_580 = arith.select %eq3A_577, %add3A_275, %broadcast_in_dim3A_579 : vector<1x1024xi1>, vector<1x1024xi32>
    %add3A_581 = arith.addi %add3A_574, %select_n3A_580 : vector<1x1024xi32>
    %reshape3A_582 = vector.shape_cast %add3A_581 : vector<1x1024xi32> to vector<1024x1xi32>
    %broadcast_in_dim3A_583 = arith.constant 0 : i32
    %broadcast_in_dim3A_584 = vector.broadcast %broadcast_in_dim3A_583 : i32 to vector<1x1024xi32>
    %eq3A_585 = arith.constant 2 : i32
    %eq3A_586 = vector.broadcast %eq3A_585 : i32 to vector<1x1024xi32>
    %eq3A_587 = arith.cmpi eq, %add3A_308, %eq3A_586 : vector<1x1024xi32>
    %jit3A_588 = arith.constant 0 : i32
    %broadcast_in_dim3A_589 = vector.broadcast %jit3A_588 : i32 to vector<1x1024xi32>
    %select_n3A_590 = arith.select %eq3A_587, %add3A_155, %broadcast_in_dim3A_589 : vector<1x1024xi1>, vector<1x1024xi32>
    %add3A_591 = arith.addi %broadcast_in_dim3A_584, %select_n3A_590 : vector<1x1024xi32>
    %eq3A_592 = arith.constant 2 : i32
    %eq3A_593 = vector.broadcast %eq3A_592 : i32 to vector<1x1024xi32>
    %eq3A_594 = arith.cmpi eq, %add3A_345, %eq3A_593 : vector<1x1024xi32>
    %jit3A_595 = arith.constant 0 : i32
    %broadcast_in_dim3A_596 = vector.broadcast %jit3A_595 : i32 to vector<1x1024xi32>
    %select_n3A_597 = arith.select %eq3A_594, %add3A_179, %broadcast_in_dim3A_596 : vector<1x1024xi1>, vector<1x1024xi32>
    %add3A_598 = arith.addi %add3A_591, %select_n3A_597 : vector<1x1024xi32>
    %eq3A_599 = arith.constant 2 : i32
    %eq3A_600 = vector.broadcast %eq3A_599 : i32 to vector<1x1024xi32>
    %eq3A_601 = arith.cmpi eq, %add3A_382, %eq3A_600 : vector<1x1024xi32>
    %jit3A_602 = arith.constant 0 : i32
    %broadcast_in_dim3A_603 = vector.broadcast %jit3A_602 : i32 to vector<1x1024xi32>
    %select_n3A_604 = arith.select %eq3A_601, %add3A_203, %broadcast_in_dim3A_603 : vector<1x1024xi1>, vector<1x1024xi32>
    %add3A_605 = arith.addi %add3A_598, %select_n3A_604 : vector<1x1024xi32>
    %eq3A_606 = arith.constant 2 : i32
    %eq3A_607 = vector.broadcast %eq3A_606 : i32 to vector<1x1024xi32>
    %eq3A_608 = arith.cmpi eq, %add3A_419, %eq3A_607 : vector<1x1024xi32>
    %jit3A_609 = arith.constant 0 : i32
    %broadcast_in_dim3A_610 = vector.broadcast %jit3A_609 : i32 to vector<1x1024xi32>
    %select_n3A_611 = arith.select %eq3A_608, %add3A_227, %broadcast_in_dim3A_610 : vector<1x1024xi1>, vector<1x1024xi32>
    %add3A_612 = arith.addi %add3A_605, %select_n3A_611 : vector<1x1024xi32>
    %eq3A_613 = arith.constant 2 : i32
    %eq3A_614 = vector.broadcast %eq3A_613 : i32 to vector<1x1024xi32>
    %eq3A_615 = arith.cmpi eq, %add3A_456, %eq3A_614 : vector<1x1024xi32>
    %jit3A_616 = arith.constant 0 : i32
    %broadcast_in_dim3A_617 = vector.broadcast %jit3A_616 : i32 to vector<1x1024xi32>
    %select_n3A_618 = arith.select %eq3A_615, %add3A_251, %broadcast_in_dim3A_617 : vector<1x1024xi1>, vector<1x1024xi32>
    %add3A_619 = arith.addi %add3A_612, %select_n3A_618 : vector<1x1024xi32>
    %eq3A_620 = arith.constant 2 : i32
    %eq3A_621 = vector.broadcast %eq3A_620 : i32 to vector<1x1024xi32>
    %eq3A_622 = arith.cmpi eq, %add3A_493, %eq3A_621 : vector<1x1024xi32>
    %jit3A_623 = arith.constant 0 : i32
    %broadcast_in_dim3A_624 = vector.broadcast %jit3A_623 : i32 to vector<1x1024xi32>
    %select_n3A_625 = arith.select %eq3A_622, %add3A_275, %broadcast_in_dim3A_624 : vector<1x1024xi1>, vector<1x1024xi32>
    %add3A_626 = arith.addi %add3A_619, %select_n3A_625 : vector<1x1024xi32>
    %reshape3A_627 = vector.shape_cast %add3A_626 : vector<1x1024xi32> to vector<1024x1xi32>
    %broadcast_in_dim3A_628 = arith.constant 0 : i32
    %broadcast_in_dim3A_629 = vector.broadcast %broadcast_in_dim3A_628 : i32 to vector<1x1024xi32>
    %eq3A_630 = arith.constant 3 : i32
    %eq3A_631 = vector.broadcast %eq3A_630 : i32 to vector<1x1024xi32>
    %eq3A_632 = arith.cmpi eq, %add3A_308, %eq3A_631 : vector<1x1024xi32>
    %jit3A_633 = arith.constant 0 : i32
    %broadcast_in_dim3A_634 = vector.broadcast %jit3A_633 : i32 to vector<1x1024xi32>
    %select_n3A_635 = arith.select %eq3A_632, %add3A_155, %broadcast_in_dim3A_634 : vector<1x1024xi1>, vector<1x1024xi32>
    %add3A_636 = arith.addi %broadcast_in_dim3A_629, %select_n3A_635 : vector<1x1024xi32>
    %eq3A_637 = arith.constant 3 : i32
    %eq3A_638 = vector.broadcast %eq3A_637 : i32 to vector<1x1024xi32>
    %eq3A_639 = arith.cmpi eq, %add3A_345, %eq3A_638 : vector<1x1024xi32>
    %jit3A_640 = arith.constant 0 : i32
    %broadcast_in_dim3A_641 = vector.broadcast %jit3A_640 : i32 to vector<1x1024xi32>
    %select_n3A_642 = arith.select %eq3A_639, %add3A_179, %broadcast_in_dim3A_641 : vector<1x1024xi1>, vector<1x1024xi32>
    %add3A_643 = arith.addi %add3A_636, %select_n3A_642 : vector<1x1024xi32>
    %eq3A_644 = arith.constant 3 : i32
    %eq3A_645 = vector.broadcast %eq3A_644 : i32 to vector<1x1024xi32>
    %eq3A_646 = arith.cmpi eq, %add3A_382, %eq3A_645 : vector<1x1024xi32>
    %jit3A_647 = arith.constant 0 : i32
    %broadcast_in_dim3A_648 = vector.broadcast %jit3A_647 : i32 to vector<1x1024xi32>
    %select_n3A_649 = arith.select %eq3A_646, %add3A_203, %broadcast_in_dim3A_648 : vector<1x1024xi1>, vector<1x1024xi32>
    %add3A_650 = arith.addi %add3A_643, %select_n3A_649 : vector<1x1024xi32>
    %eq3A_651 = arith.constant 3 : i32
    %eq3A_652 = vector.broadcast %eq3A_651 : i32 to vector<1x1024xi32>
    %eq3A_653 = arith.cmpi eq, %add3A_419, %eq3A_652 : vector<1x1024xi32>
    %jit3A_654 = arith.constant 0 : i32
    %broadcast_in_dim3A_655 = vector.broadcast %jit3A_654 : i32 to vector<1x1024xi32>
    %select_n3A_656 = arith.select %eq3A_653, %add3A_227, %broadcast_in_dim3A_655 : vector<1x1024xi1>, vector<1x1024xi32>
    %add3A_657 = arith.addi %add3A_650, %select_n3A_656 : vector<1x1024xi32>
    %eq3A_658 = arith.constant 3 : i32
    %eq3A_659 = vector.broadcast %eq3A_658 : i32 to vector<1x1024xi32>
    %eq3A_660 = arith.cmpi eq, %add3A_456, %eq3A_659 : vector<1x1024xi32>
    %jit3A_661 = arith.constant 0 : i32
    %broadcast_in_dim3A_662 = vector.broadcast %jit3A_661 : i32 to vector<1x1024xi32>
    %select_n3A_663 = arith.select %eq3A_660, %add3A_251, %broadcast_in_dim3A_662 : vector<1x1024xi1>, vector<1x1024xi32>
    %add3A_664 = arith.addi %add3A_657, %select_n3A_663 : vector<1x1024xi32>
    %eq3A_665 = arith.constant 3 : i32
    %eq3A_666 = vector.broadcast %eq3A_665 : i32 to vector<1x1024xi32>
    %eq3A_667 = arith.cmpi eq, %add3A_493, %eq3A_666 : vector<1x1024xi32>
    %jit3A_668 = arith.constant 0 : i32
    %broadcast_in_dim3A_669 = vector.broadcast %jit3A_668 : i32 to vector<1x1024xi32>
    %select_n3A_670 = arith.select %eq3A_667, %add3A_275, %broadcast_in_dim3A_669 : vector<1x1024xi1>, vector<1x1024xi32>
    %add3A_671 = arith.addi %add3A_664, %select_n3A_670 : vector<1x1024xi32>
    %reshape3A_672 = vector.shape_cast %add3A_671 : vector<1x1024xi32> to vector<1024x1xi32>
    %eq3A_673 = vector.broadcast %reshape3A : vector<1024x1xi32> to vector<1024x1024xi32>
    %eq3A_674 = arith.cmpi eq, %iota3A, %eq3A_673 : vector<1024x1024xi32>
    %eq3A_675 = vector.broadcast %reshape3A_582 : vector<1024x1xi32> to vector<1024x1024xi32>
    %eq3A_676 = arith.cmpi eq, %iota3A, %eq3A_675 : vector<1024x1024xi32>
    %or3A_677 = arith.ori %eq3A_674, %eq3A_676 : vector<1024x1024xi1>
    %eq3A_678 = vector.broadcast %reshape3A_627 : vector<1024x1xi32> to vector<1024x1024xi32>
    %eq3A_679 = arith.cmpi eq, %iota3A, %eq3A_678 : vector<1024x1024xi32>
    %or3A_680 = arith.ori %or3A_677, %eq3A_679 : vector<1024x1024xi1>
    %eq3A_681 = vector.broadcast %reshape3A_672 : vector<1024x1xi32> to vector<1024x1024xi32>
    %eq3A_682 = arith.cmpi eq, %iota3A, %eq3A_681 : vector<1024x1024xi32>
    %or3A_683 = arith.ori %or3A_680, %eq3A_682 : vector<1024x1024xi1>
    %jit3A_684 = arith.constant 2.500000e+00 : f32
    %jit3A_685 = arith.constant 0.000000e+00 : f32
    %broadcast_in_dim3A_686 = vector.broadcast %jit3A_684 : f32 to vector<1024x1024xf32>
    %broadcast_in_dim3A_687 = vector.broadcast %jit3A_685 : f32 to vector<1024x1024xf32>
    %select_n3A_688 = arith.select %or3A_683, %broadcast_in_dim3A_686, %broadcast_in_dim3A_687 : vector<1024x1024xi1>, vector<1024x1024xf32>
    %sub3A_689 = arith.subf %dot_general3A_11, %select_n3A_688 : vector<1024x1024xf32>
    %reduce_max3A = arith.constant dense<0xFF800000> : vector<1024xf32>
    %reduce_max3A_690 = vector.multi_reduction <maximumf>, %sub3A_689, %reduce_max3A [1] : vector<1024x1024xf32> to vector<1024xf32>
    %broadcast_in_dim3A_691 = vector.shape_cast %reduce_max3A_690 : vector<1024xf32> to vector<1024x1xf32>
    %reshape3A_692 = vector.shape_cast %broadcast_in_dim3A_691 : vector<1024x1xf32> to vector<1x1024xf32>
    %mul3A_693 = arith.constant 2.000000e+00 : f32
    %mul3A_694 = vector.broadcast %mul3A_693 : f32 to vector<1x1024xf32>
    %mul3A_695 = arith.mulf %mul3A_694, %reshape3A_692 : vector<1x1024xf32>
    %sub3A_696 = arith.constant 2.000000e+00 : f32
    %sub3A_697 = vector.broadcast %sub3A_696 : f32 to vector<1x1024xf32>
    %sub3A_698 = arith.subf %sub3A_697, %mul3A_695 : vector<1x1024xf32>
    %swap3A = arith.constant 0 : index
    %swap3A_699 = arith.constant 0 : index
    %swap3A_700 = vector.load %arg3[%swap3A, %swap3A_699] : memref<4x1024xf32, #tpu.memory_space<vmem>>, vector<1x1024xf32>
    tpu.vector_store %arg3[%swap3A, %swap3A_699], %sub3A_698 {strides = array<i32>} : memref<4x1024xf32, #tpu.memory_space<vmem>>, vector<1x1024xf32>,
    %lt3A_701 = vector.broadcast %broadcast_in_dim3A_691 : vector<1024x1xf32> to vector<1024x1024xf32>
    %lt3A_702 = arith.cmpf olt, %sub3A_689, %lt3A_701 : vector<1024x1024xf32>
    %jit3A_703 = arith.constant 0xFF800000 : f32
    %broadcast_in_dim3A_704 = vector.broadcast %jit3A_703 : f32 to vector<1024x1024xf32>
    %select_n3A_705 = arith.select %lt3A_702, %sub3A_689, %broadcast_in_dim3A_704 : vector<1024x1024xi1>, vector<1024x1024xf32>
    %reduce_max3A_706 = arith.constant dense<0xFF800000> : vector<1024xf32>
    %reduce_max3A_707 = vector.multi_reduction <maximumf>, %select_n3A_705, %reduce_max3A_706 [1] : vector<1024x1024xf32> to vector<1024xf32>
    %broadcast_in_dim3A_708 = vector.shape_cast %reduce_max3A_707 : vector<1024xf32> to vector<1024x1xf32>
    %reshape3A_709 = vector.shape_cast %broadcast_in_dim3A_708 : vector<1024x1xf32> to vector<1x1024xf32>
    %mul3A_710 = arith.constant 2.000000e+00 : f32
    %mul3A_711 = vector.broadcast %mul3A_710 : f32 to vector<1x1024xf32>
    %mul3A_712 = arith.mulf %mul3A_711, %reshape3A_709 : vector<1x1024xf32>
    %sub3A_713 = arith.constant 2.000000e+00 : f32
    %sub3A_714 = vector.broadcast %sub3A_713 : f32 to vector<1x1024xf32>
    %sub3A_715 = arith.subf %sub3A_714, %mul3A_712 : vector<1x1024xf32>
    %swap3A_716 = arith.constant 1 : index
    %swap3A_717 = arith.constant 0 : index
    %swap3A_718 = vector.load %arg3[%swap3A_716, %swap3A_717] : memref<4x1024xf32, #tpu.memory_space<vmem>>, vector<1x1024xf32>
    tpu.vector_store %arg3[%swap3A_716, %swap3A_717], %sub3A_715 {strides = array<i32>} : memref<4x1024xf32, #tpu.memory_space<vmem>>, vector<1x1024xf32>,
    %lt3A_719 = vector.broadcast %broadcast_in_dim3A_708 : vector<1024x1xf32> to vector<1024x1024xf32>
    %lt3A_720 = arith.cmpf olt, %sub3A_689, %lt3A_719 : vector<1024x1024xf32>
    %jit3A_721 = arith.constant 0xFF800000 : f32
    %broadcast_in_dim3A_722 = vector.broadcast %jit3A_721 : f32 to vector<1024x1024xf32>
    %select_n3A_723 = arith.select %lt3A_720, %sub3A_689, %broadcast_in_dim3A_722 : vector<1024x1024xi1>, vector<1024x1024xf32>
    %reduce_max3A_724 = arith.constant dense<0xFF800000> : vector<1024xf32>
    %reduce_max3A_725 = vector.multi_reduction <maximumf>, %select_n3A_723, %reduce_max3A_724 [1] : vector<1024x1024xf32> to vector<1024xf32>
    %broadcast_in_dim3A_726 = vector.shape_cast %reduce_max3A_725 : vector<1024xf32> to vector<1024x1xf32>
    %reshape3A_727 = vector.shape_cast %broadcast_in_dim3A_726 : vector<1024x1xf32> to vector<1x1024xf32>
    %mul3A_728 = arith.constant 2.000000e+00 : f32
    %mul3A_729 = vector.broadcast %mul3A_728 : f32 to vector<1x1024xf32>
    %mul3A_730 = arith.mulf %mul3A_729, %reshape3A_727 : vector<1x1024xf32>
    %sub3A_731 = arith.constant 2.000000e+00 : f32
    %sub3A_732 = vector.broadcast %sub3A_731 : f32 to vector<1x1024xf32>
    %sub3A_733 = arith.subf %sub3A_732, %mul3A_730 : vector<1x1024xf32>
    %swap3A_734 = arith.constant 2 : index
    %swap3A_735 = arith.constant 0 : index
    %swap3A_736 = vector.load %arg3[%swap3A_734, %swap3A_735] : memref<4x1024xf32, #tpu.memory_space<vmem>>, vector<1x1024xf32>
    tpu.vector_store %arg3[%swap3A_734, %swap3A_735], %sub3A_733 {strides = array<i32>} : memref<4x1024xf32, #tpu.memory_space<vmem>>, vector<1x1024xf32>,
    %lt3A_737 = vector.broadcast %broadcast_in_dim3A_726 : vector<1024x1xf32> to vector<1024x1024xf32>
    %lt3A_738 = arith.cmpf olt, %sub3A_689, %lt3A_737 : vector<1024x1024xf32>
    %jit3A_739 = arith.constant 0xFF800000 : f32
    %broadcast_in_dim3A_740 = vector.broadcast %jit3A_739 : f32 to vector<1024x1024xf32>
    %select_n3A_741 = arith.select %lt3A_738, %sub3A_689, %broadcast_in_dim3A_740 : vector<1024x1024xi1>, vector<1024x1024xf32>
    %reduce_max3A_742 = arith.constant dense<0xFF800000> : vector<1024xf32>
    %reduce_max3A_743 = vector.multi_reduction <maximumf>, %select_n3A_741, %reduce_max3A_742 [1] : vector<1024x1024xf32> to vector<1024xf32>
    %broadcast_in_dim3A_744 = vector.shape_cast %reduce_max3A_743 : vector<1024xf32> to vector<1024x1xf32>
    %reshape3A_745 = vector.shape_cast %broadcast_in_dim3A_744 : vector<1024x1xf32> to vector<1x1024xf32>
    %mul3A_746 = arith.constant 2.000000e+00 : f32
    %mul3A_747 = vector.broadcast %mul3A_746 : f32 to vector<1x1024xf32>
    %mul3A_748 = arith.mulf %mul3A_747, %reshape3A_745 : vector<1x1024xf32>
    %sub3A_749 = arith.constant 2.000000e+00 : f32
    %sub3A_750 = vector.broadcast %sub3A_749 : f32 to vector<1x1024xf32>
    %sub3A_751 = arith.subf %sub3A_750, %mul3A_748 : vector<1x1024xf32>
    %swap3A_752 = arith.constant 3 : index
    %swap3A_753 = arith.constant 0 : index
    %swap3A_754 = vector.load %arg3[%swap3A_752, %swap3A_753] : memref<4x1024xf32, #tpu.memory_space<vmem>>, vector<1x1024xf32>
    tpu.vector_store %arg3[%swap3A_752, %swap3A_753], %sub3A_751 {strides = array<i32>} : memref<4x1024xf32, #tpu.memory_space<vmem>>, vector<1x1024xf32>,
    return
  }
}

module attributes {stable_mosaic.version = 14 : i64} {
  func.func @_combine_body(%arg0: memref<4x1024xf32, #tpu.memory_space<vmem>>, %arg1: memref<1x1024xf32, #tpu.memory_space<vmem>>, %arg2: memref<1x1xf32, #tpu.memory_space<vmem>>, %arg3: memref<1x1xf32, #tpu.memory_space<vmem>>) attributes {dimension_semantics = [], scalar_prefetch = 0 : i64, scratch_operands = 0 : i64, tpu.core_type = #tpu.core_type<tc>} {
    %get3A = arith.constant 0 : index
    %get3A_0 = arith.constant 0 : index
    %get3A_1 = vector.load %arg0[%get3A, %get3A_0] : memref<4x1024xf32, #tpu.memory_space<vmem>>, vector<4x1024xf32>
    %get3A_2 = arith.constant 0 : index
    %get3A_3 = arith.constant 0 : index
    %get3A_4 = vector.load %arg1[%get3A_2, %get3A_3] : memref<1x1024xf32, #tpu.memory_space<vmem>>, vector<1x1024xf32>
    %sub3A = vector.broadcast %get3A_4 : vector<1x1024xf32> to vector<4x1024xf32>
    %sub3A_5 = arith.subf %sub3A, %get3A_1 : vector<4x1024xf32>
    %add3A = arith.constant 1.000000e+00 : f32
    %add3A_6 = vector.broadcast %add3A : f32 to vector<4x1024xf32>
    %add3A_7 = arith.addf %sub3A_5, %add3A_6 : vector<4x1024xf32>
    %max3A = arith.constant 0.000000e+00 : f32
    %max3A_8 = vector.broadcast %max3A : f32 to vector<4x1024xf32>
    %max3A_9 = arith.maximumf %add3A_7, %max3A_8 : vector<4x1024xf32>
    %reduce_sum3A = vector.shape_cast %max3A_9 : vector<4x1024xf32> to vector<1x4x1024xf32>
    %reduce_sum3A_10 = arith.constant dense<0.000000e+00> : vector<1xf32>
    %reduce_sum3A_11 = vector.multi_reduction <add>, %reduce_sum3A, %reduce_sum3A_10 [1, 2] : vector<1x4x1024xf32> to vector<1xf32>
    %reduce_sum3A_12 = vector.shape_cast %reduce_sum3A_11 : vector<1xf32> to vector<1x1x1xf32>
    %reduce_sum3A_13 = vector.extract %reduce_sum3A_12[0, 0, 0] : f32 from vector<1x1x1xf32>
    %mul3A = arith.constant 2.44140625E-4 : f32
    %mul3A_14 = arith.mulf %reduce_sum3A_13, %mul3A : f32
    %broadcast_in_dim3A = vector.broadcast %mul3A_14 : f32 to vector<1x1xf32>
    %swap3A = arith.constant 0 : index
    %swap3A_15 = arith.constant 0 : index
    %swap3A_16 = vector.load %arg2[%swap3A, %swap3A_15] : memref<1x1xf32, #tpu.memory_space<vmem>>, vector<1x1xf32>
    tpu.vector_store %arg2[%swap3A, %swap3A_15], %broadcast_in_dim3A {strides = array<i32>} : memref<1x1xf32, #tpu.memory_space<vmem>>, vector<1x1xf32>,
    %reduce_sum3A_17 = vector.shape_cast %get3A_4 : vector<1x1024xf32> to vector<1x1x1024xf32>
    %reduce_sum3A_18 = arith.constant dense<0.000000e+00> : vector<1xf32>
    %reduce_sum3A_19 = vector.multi_reduction <add>, %reduce_sum3A_17, %reduce_sum3A_18 [1, 2] : vector<1x1x1024xf32> to vector<1xf32>
    %reduce_sum3A_20 = vector.shape_cast %reduce_sum3A_19 : vector<1xf32> to vector<1x1x1xf32>
    %reduce_sum3A_21 = vector.extract %reduce_sum3A_20[0, 0, 0] : f32 from vector<1x1x1xf32>
    %div3A = arith.constant 1.024000e+03 : f32
    %div3A_22 = arith.divf %reduce_sum3A_21, %div3A : f32
    %broadcast_in_dim3A_23 = vector.broadcast %div3A_22 : f32 to vector<1x1xf32>
    %swap3A_24 = arith.constant 0 : index
    %swap3A_25 = arith.constant 0 : index
    %swap3A_26 = vector.load %arg3[%swap3A_24, %swap3A_25] : memref<1x1xf32, #tpu.memory_space<vmem>>, vector<1x1xf32>
    tpu.vector_store %arg3[%swap3A_24, %swap3A_25], %broadcast_in_dim3A_23 {strides = array<i32>} : memref<1x1xf32, #tpu.memory_space<vmem>>, vector<1x1xf32>,
    return
  }
}

</mosaic_0001>

<sc_bundles>
// kernel: kernel.5.cloned.1.call-start
scs
__scs_entry_jumppad:
0x0: {  	(pc) =	sbr.rel $0x88, $3  }
0x1: {  	(tag) =	ssettag $0x0;
	lr =	simm.s32 $0x1  }
0x2: {  	[smem:$0x3F9E] =	sst lr;
	_ =	strace $0xD0000000  }
0x3: {  	_ = 	snop  }
0x4: {  	_ = 	snop  }
0x5: {  	_ = 	snop  }
0x6: {  	_ = 	snop  }
0x7: {  	_ = 	snop  }
__scs_overlays_trampoline_lowered:
0x8: {  	[smem:$0x3FAD] =	sst s0  }
0x9: {  	[smem:$0x3FAE] =	sst s1  }
0xa: {  	[smem:$0x3FAF] =	sst s2  }
0xb: {  	[smem:$0x3FB0] =	sst s3  }
0xc: {  	[smem:$0x3FB1] =	sst s4  }
0xd: {  	[smem:$0x3FB2] =	sst s5  }
0xe: {  	[smem:$0x3FB3] =	sst s6  }
0xf: {  	[smem:$0x3FB4] =	sst s7  }
0x10: {  	[smem:$0x3FB5] =	sst s8  }
0x11: {  	[smem:$0x3FB6] =	sst s9;
	s0 =	simm.s32 @!p0 $0x0  }
0x12: {  	s1 =	sld [smem:$0x3F9C];
	s0 =	simm.s32 @p0 $0x1  }
0x13: {  	[smem:$0x3FB7] =	sst s0;
	s0 =	simm.s32 @!p1 $0x0  }
0x14: {  	s2 =	sld [smem:$0x3F9B];
	s0 =	simm.s32 @p1 $0x1  }
0x15: {  	[smem:$0x3FB8] =	sst s0;
	s0 =	simm.s32 @!p2 $0x0  }
0x16: {  	s3 =	sld [smem:$0x3FDB];
	s0 =	simm.s32 @p2 $0x1  }
0x17: {  	s4 =	simm.s32 $0x1BF5;
	[smem:$0x3FBA] =	sst s0  }
0x18: {  	s0 =	sld [smem:$0x3F9D];
	_ =	swait.ge [sflag:s4], $0x0  }
0x19: {  	s7 =	sld [smem:$0x3F9E]  }
0x1a: {  	s8 =	sadd.s32 $0xFFFFE003, lr  }
0x1b: {  	s9 =	sadd.s32 $0xFFFFFEF7, lr;
	s5 =	simm.s32 $0xFFFFFFFF;
	p2 =	slt.u32 s8, $0xFFFFF086  }
0x1c: {  	p1 =	slt.u32 s9, $0xF7A;
	s5 =	simm.s32 @!p2 $0x0  }
0x1d: {  	s5 =	simm.s32 @p1 $0x1;
	p0 =	seq.s32 s7, s2  }
0x1e: {  	s7 =	smul.u32 @!p0 $0xF7A, s2;
	p2 =	seq.s32 @!p0 s5, $0x0  }
0x1f: {  	s9 =	smul.u32 $0xF7A, s1;
	s8 =	simm.s32 @!p0 $0x1BF5;
	p2 =	por !p2, p0  }
0x20: {  	[sflag:s8] =	ssyncset.s32 @!p0 $0xFFFFF086;
	s6 =	sadd.s32 @!p0 s3, s7;
	s7 =	simm.s32 @!p0 $0x108  }
0x21: {  	s3 =	sadd.s32 s3, s9;
	s6 =	sadd.s32 @!p0 $0x88, s6;
	s7 =	simm.s32 @p2 $0x1082  }
0x22: {  	[simem:s7], [sflag:s8] =	dma.local @!p0 [hbm:s6], $0xF7A  }
0x23: {  	s9 =	sor.u32 $0xD0000000, s2;
	s6 =	simm.s32 $0x108;
	_ =	swait.ge @!p0 [sflag:s8], $0x0  }
0x24: {  	s3 =	sadd.s32 $0x88, s3;
	s6 =	simm.s32 @!p1 $0x1082;
	[sflag:s4] =	ssyncset.s32 $0xFFFFF086  }
0x25: {  	[simem:s6], [sflag:s4] =	dma.local [hbm:s3], $0xF7A  }
0x26: {  	[smem:$0x3F9E] =	sst s1;
	(tag) =	ssettag s2;
	_ =	strace s9  }
0x27: {  	s1 =	sld [smem:$0x3FAE]  }
0x28: {  	s2 =	sld [smem:$0x3FAF]  }
0x29: {  	s4 =	sld [smem:$0x3FB1]  }
0x2a: {  	p0 =	seq.s32 s5, $0x0;
	s5 =	sld [smem:$0x3FB2]  }
0x2b: {  	s6 =	sld [smem:$0x3FB3]  }
0x2c: {  	s7 =	sld [smem:$0x3FB4]  }
0x2d: {  	s3 =	simm.s32 $0x108;
	s8 =	sld [smem:$0x3FB5]  }
0x2e: {  	s3 =	simm.s32 @!p0 $0x1082;
	s9 =	sld [smem:$0x3FB6]  }
0x2f: {  	lr =	sadd.s32 s0, s3;
	s0 =	sld [smem:$0x3FAD]  }
0x30: {  	s3 =	sld [smem:$0x3FB0]  }
0x31: {  	[smem:$0x3FB9] =	sst s10  }
0x32: {  	s10 =	sld [smem:$0x3FB7];
	_ =	sdelay $0x3  }
0x33: {  	p0 =	seq.s32 s10, $0x1;
	s10 =	sld [smem:$0x3FB9];
	_ =	sdelay $0x3  }
0x34: {  	[smem:$0x3FB9] =	sst s10  }
0x35: {  	s10 =	sld [smem:$0x3FB8];
	_ =	sdelay $0x3  }
0x36: {  	p1 =	seq.s32 s10, $0x1;
	s10 =	sld [smem:$0x3FB9];
	_ =	sdelay $0x3  }
0x37: {  	[smem:$0x3FB9] =	sst s10  }
0x38: {  	s10 =	sld [smem:$0x3FBA]  }
0x39: {  	_ = 	snop;
	(pc) =	sbr.ind lr, $3  }
0x3a: {  	_ = 	snop  }
0x3b: {  	_ = 	snop  }
0x3c: {  	p2 =	seq.s32 s10, $0x1;
	s10 =	sld [smem:$0x3FB9]  }
0x3d: {  	_ =	shalt  }
0x3e: {  	_ =	shalt  }
0x3f: {  	_ =	shalt  }
0x40: {  	_ =	shalt  }
0x41: {  	_ =	shalt  }
0x42: {  	_ =	shalt  }
0x43: {  	_ =	shalt  }
0x44: {  	_ =	shalt  }
0x45: {  	_ =	shalt  }
0x46: {  	_ =	shalt  }
0x47: {  	_ =	shalt  }
0x48: {  	_ =	shalt  }
0x49: {  	_ =	shalt  }
0x4a: {  	_ =	shalt  }
0x4b: {  	_ =	shalt  }
0x4c: {  	_ =	shalt  }
0x4d: {  	_ =	shalt  }
0x4e: {  	_ =	shalt  }
0x4f: {  	_ =	shalt  }
0x50: {  	_ =	shalt  }
0x51: {  	_ =	shalt  }
0x52: {  	_ =	shalt  }
0x53: {  	_ =	shalt  }
0x54: {  	_ =	shalt  }
0x55: {  	_ =	shalt  }
0x56: {  	_ =	shalt  }
0x57: {  	_ =	shalt  }
0x58: {  	_ =	shalt  }
0x59: {  	_ =	shalt  }
0x5a: {  	_ =	shalt  }
0x5b: {  	_ =	shalt  }
0x5c: {  	_ =	shalt  }
0x5d: {  	_ =	shalt  }
0x5e: {  	_ =	shalt  }
0x5f: {  	_ =	shalt  }
0x60: {  	_ =	shalt  }
0x61: {  	_ =	shalt  }
0x62: {  	_ =	shalt  }
0x63: {  	_ =	shalt  }
0x64: {  	_ =	shalt  }
0x65: {  	_ =	shalt  }
0x66: {  	_ =	shalt  }
0x67: {  	_ =	shalt  }
0x68: {  	_ =	shalt  }
0x69: {  	_ =	shalt  }
0x6a: {  	_ =	shalt  }
0x6b: {  	_ =	shalt  }
0x6c: {  	_ =	shalt  }
0x6d: {  	_ =	shalt  }
0x6e: {  	_ =	shalt  }
0x6f: {  	_ =	shalt  }
0x70: {  	_ =	shalt  }
0x71: {  	_ =	shalt  }
0x72: {  	_ =	shalt  }
0x73: {  	_ =	shalt  }
0x74: {  	_ =	shalt  }
0x75: {  	_ =	shalt  }
0x76: {  	_ =	shalt  }
0x77: {  	_ =	shalt  }
0x78: {  	_ =	shalt  }
0x79: {  	_ =	shalt  }
0x7a: {  	_ =	shalt  }
0x7b: {  	_ =	shalt  }
0x7c: {  	_ =	shalt  }
0x7d: {  	_ =	shalt  }
0x7e: {  	_ =	shalt  }
0x7f: {  	_ =	shalt  }
0x80: {  	_ =	shalt  }
0x81: {  	_ =	shalt  }
0x82: {  	_ =	shalt  }
0x83: {  	_ =	shalt  }
0x84: {  	_ =	shalt  }
0x85: {  	_ =	shalt  }
0x86: {  	_ =	shalt  }
0x87: {  	_ =	shalt  }
.Lfunc_end0:
.L_simem_size_0:
called_computation_lowered:
.L_overlay_start_0:
0x88: {  	s2 =	sld [smem:$0x3FD9]  }
0x89: {  	s3 =	sld [smem:$0x3FFE];
	_ =	sdelay $0x1  }
0x8a: {  	s1 =	srdreg.scid  }
0x8b: {  	s0 =	sand.u32 $0x1, s1  }
0x8c: {  	s16 =	sshll.u32 s0, $0xA;
	s2 =	sadd.s32 s3, s2  }
0x8d: {  	s2 =	sadd.s32 s2, s16  }
0x8e: {  	[smem:$0x3FC5] =	sst s2  }
0x8f: {  	_ = 	snop  }
0x90: {  	(tm) =	ssettm $0x1  }
0x91: {  	s17 =	sld [smem:$0x3FFB];
	_ =	sdelay $0x3  }
0x92: {  	_ =	strace s17  }
0x93: {  	s2 =	sld [smem:$0x3FFC];
	_ =	sdelay $0x3  }
0x94: {  	_ =	strace s2  }
0x95: {  	s2 =	sld [smem:$0x3FFD];
	_ =	sdelay $0x3  }
0x96: {  	_ =	strace s2  }
0x97: {  	_ =	strace $0x8FFFFFFF  }
0x98: {  	s18 =	sld [smem:$0x3FDB];
	_ =	sdelay $0x1  }
0x99: {  	s19 =	simm.s32 $_scs_section_size  }
0x9a: {  	s4 =	simm.s32 $_size__tile_overlayer_lowered;
	s5 =	simm.s32 $_tile_overlayer_lowered  }
0x9b: {  	s22 =	simm.s32 $0x1BFF;
	s21 =	sshll.u32 s5, $0x1;
	s2 =	sadd.s32 s19, s18  }
0x9c: {  	s6 =	simm.s32 $0x0;
	s20 =	sshll.u32 s4, $0x1;
	s4 =	sadd.s32 s21, s2  }
0x9d: {  	[timem:s6], [sflag:s22] =	dma.local [hbm:s4], s20  }
0x9e: {  	_ =	swait.ge [sflag:s22], s20  }
0x9f: {  	s3 =	ssub.s32 $0x0, s20;
	[sflag:s22] =	ssyncset.done $0x0  }
0xa0: {  	[sflag:s22] =	ssyncadd.s32 s3;
	_ =	sdelay $0x1  }
0xa1: {  	s23 =	simm.s32 $0x1B8B  }
0xa2: {  	_ =	swait.ge [sflag:s23], $0x1  }
0xa3: {  	[sflag:s23] =	ssyncset.done $0x0  }
0xa4: {  	s25 =	simm.s32 $0x1B8E;
	s24 =	sld [smem:$0x3FFE];
	[sflag:s23] =	ssyncadd.s32 $0xFFFFFFFF  }
0xa5: {  	s26 =	simm.s32 $execute0_lowered;
	[smem:$0x3FD2] =	sst s25  }
0xa6: {  	s4 =	sshll.u32 s26, $0x1;
	_ =	strace $0x80000046;
	[dreg:$0x1] =	wrdreg $0xFFFFFFFF  }
0xa7: {  	s28 =	simm.s32 $_size_execute0_lowered;
	s2 =	sadd.s32 s2, s4;
	[dreg:$0x0] =	wrdreg $0x0  }
0xa8: {  	s4 =	sshll.u32 s28, $0x1;
	[dreg:$0x2] =	wrdreg s2  }
0xa9: {  	[dreg:$0x3] =	wrdreg s4  }
0xaa: {  	[dreg:$0x4] =	wrdreg $0xC0  }
0xab: {  	_ =	task [dreg:s6], $0x5FFFF  }
0xac: {  	[dreg:$0x1] =	wrdreg $0xFFFFFFFF  }
0xad: {  	[dreg:$0x0] =	wrdreg $0x60  }
0xae: {  	[dreg:$0x2] =	wrdreg s24  }
0xaf: {  	[dreg:$0x3] =	wrdreg $0x9  }
0xb0: {  	_ =	task.clear_ibuf [dreg:s6], $0x4FFFF;
	_ =	strace $0x90000046  }
0xb1: {  	s29 =	simm.s32 $0x9;
	_ =	strace $0x80000048  }
0xb2: {  	_ =	swait.ge [sflag:s29], $0x1  }
0xb3: {  	[sflag:s29] =	ssyncadd.s32 $0xFFFFFFFF  }
0xb4: {  	_ =	strace $0x90000048  }
0xb5: {  	_ =	sfence  }
0xb6: {  	s30 =	sld [smem:$0x0];
	_ =	sdelay $0x2  }
0xb7: {  	s31 =	sshll.u32 s1, $0xD;
	s1 =	sshrl.u32 s1, $0x2  }
0xb8: {  	s3 =	sand.u32 $0x4000, s31;
	s1 =	sadd.s32 s1, s30  }
0xb9: {  	s0 =	sor.u32 s3, s0;
	s1 =	sshll.u32 s1, $0x11  }
0xba: {  	s0 =	sor.u32 s1, s0  }
0xbb: {  	s0 =	sadd.s32 $0x8F2B, s0  }
0xbc: {  	[sflag:s0] =	ssyncadd.remote.s32 $0x1  }
0xbd: {  	_ =	sfence.sel $0xFFFF  }
0xbe: {  	[dreg:$0x0] =	wrdreg $0xFFFFFFFF;
	(pc) =	sbr.abs _section_cstart, $3  }
0xbf: {  	[dreg:$0x1] =	wrdreg $0xFFFFFFFF  }
0xc0: {  	_ =	task.clear_ibuf [dreg:s6], $0x2FFFF;
	_ =	strace $0x9FFFFFFF  }
0xc1: {  	(tm) =	ssettm $0x7FFFFFFF  }
tec
execute0_lowered:
.L_overlay_start_1:
0x0: {  	(tag) =	ssettag $0x1  }
0x1: {  	s4 =	rddreg [dreg:$0x0];
	s2 =	simm.s32 $0x0  }
0x2: {  	[smem:$0x7FF] =	sst s2  }
0x3: {  	s0 =	rddreg [dreg:$0x1];
	v0 =	vimm.f32 $1.600000000e+01;
	_ =	strace $0x80000047  }
0x4: {  	s3 =	srdreg.scid;
	(erf) = vrcp.f32 v0  }
0x5: {  	s1 =	stileid.u32;
	s11 =	simm.s32 $0x40;
	s12 =	simm.s32 $0x140  }
0x6: {  	s13 =	simm.s32 $0x1;
	s14 =	simm.s32 $0xC0;
	s15 =	simm.s32 $0x7940  }
0x7: {  	s16 =	simm.s32 $0x0;
	s3 =	sand.u32 $0x1, s3;
	s5 =	sshll.u32 s1, $0x1  }
0x8: {  	s5 =	sor.u32 s3, s5;
	s8 =	ssub.s32 $0x2, s3;
	s3 =	sadd.s32 $0x7000, s4  }
0x9: {  	s6 =	smul.u32 $0x300, s5;
	s7 =	sshll.u32 s5, $0x3;
	s5 =	sshll.u32 s5, $0x2  }
0xa: {  	s9 =	sshrl.u32 s8, $0x1;
	v0 =	vlaneseq.u32;
	s7 =	sadd.s32 s7, s4;
	s10 =	sadd.s32 s5, s4  }
0xb: {  	s8 =	ssub.s32 s8, s9;
	v1 =	vmul.u32 $0x2, v0;
	s9 =	simm.s32 $0x6140;
	s6 =	sadd.s32 s6, s4  }
0xc: {  	vm0 =	vmxor vm0, vm0;
	s4 =	sadd.s32 $0xE00, s7;
	s7 =	smax.u32 s8, $0x1;
	s8 =	simm.s32 $0x2  }
0xd: {  	s5 =	sadd.s32 $0x1000, s6;
	s6 =	sadd.s32 $0xD000, s10;
	s10 =	simm.s32 $0x80;
	v2 =	vor.u32 $0x1, v1;
	v4 =	vor.u32 $0x20, v1;
	v5 =	vor.u32 $0x21, v1;
	v3 =	vpop (erf)  }
.LBB2_1:
0xe: {  	[tilespmem:s2], [sflag:$0x2] =	stream.linear.gather [hbm4b:s4+s2], $0x40, $0x38;
	[tilespmem:$0x7960] =	vst v63  }
0xf: {  	_ =	swait.ge [sflag:s8], $0x40  }
0x10: {  	[sflag:s8] =	ssyncset.done $0x0  }
0x11: {  	[sflag:s8] =	ssyncadd.s32 $0xFFFFFFC0  }
0x12: {  	[tilespmem:s9], [sflag:$0x2] =	stream.linear.gather [hbm4b:s5+s2], $0x1800, $0x38;
	[tilespmem:$0x7960] =	vst v63  }
0x13: {  	_ =	swait.ge [sflag:s8], $0x1800  }
0x14: {  	[sflag:s8] =	ssyncset.done $0x0  }
0x15: {  	[sflag:s8] =	ssyncadd.s32 $0xFFFFE800  }
0x16: {  	v6 =	vld.idx.msk [tilespmem:v1+s2+$0x0], $0xffff  }
0x17: {  	v7 =	vld.idx.msk [tilespmem:v2+s2+$0x0], $0xffff;
	_ =	sdelay $0x4  }
0x18: {  	v6 =	vmul.f32 v6, v3;
	v7 =	vmul.f32 v7, v3;
	_ =	sdelay $0x1  }
0x19: {  	v6 =	vadd.f32 $-5.000000000e-01, v6;
	v7 =	vadd.f32 $-5.000000000e-01, v7;
	_ =	sdelay $0x1  }
0x1a: {  	v8 =	vtrunc.f32 v6;
	v9 =	vtrunc.f32 v7  }
0x1b: {  	v8 =	vcvt.f32.s32 v8;
	v9 =	vcvt.f32.s32 v9;
	_ =	sdelay $0x1  }
0x1c: {  	v8 =	vcvt.s32.f32 v8;
	v9 =	vcvt.s32.f32 v9;
	_ =	sdelay $0x1  }
0x1d: {  	v10 =	vadd.f32 $-1.000000000e+00, v8;
	v11 =	vadd.f32 $-1.000000000e+00, v9  }
0x1e: {  	vm1 =	vlt.f32 v6, v8;
	vm2 =	vlt.f32 v7, v9  }
0x1f: {  	v8 =	vsel vm1, v10, v8;
	v9 =	vsel vm2, v11, v9  }
0x20: {  	v7 =	vsub.f32 v7, v9;
	v6 =	vsub.f32 v6, v8  }
0x21: {  	v12 =	vadd.f32 $1.000000000e+00, v8;
	v13 =	vadd.f32 $1.000000000e+00, v9  }
0x22: {  	vm1 =	vge.f32 v8, $0.0e+00;
	v15 =	vmax.f32 v8, $0.0e+00;
	vm2 =	vle.f32 v8, $3.100000000e+01  }
0x23: {  	vm4 =	vle.f32 v9, $3.100000000e+01;
	v8 =	vmin.f32 v15, $3.100000000e+01;
	v15 =	vmax.f32 v9, $0.0e+00  }
0x24: {  	vm1 =	vmand vm1, vm2;
	vm2 =	vge.f32 v9, $0.0e+00;
	v10 =	vsub.f32 $1.000000000e+00, v7  }
0x25: {  	v11 =	vsub.f32 $1.000000000e+00, v6;
	v8 =	vtrunc.f32 v8;
	v15 =	vmin.f32 v15, $3.100000000e+01  }
0x26: {  	vm3 =	vmand vm1, vm2;
	v17 =	vmax.f32 v12, $0.0e+00;
	vm5 =	vge.f32 v12, $0.0e+00  }
0x27: {  	vm6 =	vle.f32 v12, $3.100000000e+01;
	vm11 =	vle.f32 v13, $3.100000000e+01;
	v8 =	vcvt.f32.s32 v8  }
0x28: {  	v15 =	vtrunc.f32 v15;
	vm3 =	vmand vm4, vm3;
	v17 =	vmin.f32 v17, $3.100000000e+01  }
0x29: {  	vm5 =	vmand vm5, vm6;
	v9 =	vcvt.f32.s32 v15;
	v15 =	vmax.f32 v13, $0.0e+00  }
0x2a: {  	v14 =	vmul.f32 v10, v11;
	v8 =	vshll.u32 v8, $0x5;
	v15 =	vmin.f32 v15, $3.100000000e+01  }
0x2b: {  	v12 =	vtrunc.f32 v17;
	v16 =	vadd.s32 v9, v8;
	v15 =	vtrunc.f32 v15  }
0x2c: {  	v14 =	vnsel vm3, $0x0, v14;
	vm3 =	vge.f32 v13, $0.0e+00;
	v15 =	vcvt.f32.s32 v15  }
0x2d: {  	v11 =	vmul.f32 v7, v11;
	v12 =	vcvt.f32.s32 v12;
	vm1 =	vmand vm1, vm3;
	[tilespmem:$0x40] =	vst v16  }
0x2e: {  	v10 =	vmul.f32 v10, v6;
	[tilespmem:$0xC0] =	vst v14;
	vm1 =	vmand vm11, vm1;
	v8 =	vadd.s32 v15, v8  }
0x2f: {  	[tilespmem:$0x60] =	vst v8;
	v8 =	vnsel vm1, $0x0, v11;
	vm1 =	vmand vm2, vm5;
	v11 =	vshll.u32 v12, $0x5  }
0x30: {  	[tilespmem:$0xE0] =	vst v8;
	vm1 =	vmand vm4, vm1;
	v8 =	vadd.s32 v9, v11  }
0x31: {  	v6 =	vmul.f32 v7, v6;
	[tilespmem:$0x80] =	vst v8;
	v7 =	vnsel vm1, $0x0, v10;
	vm1 =	vmand vm5, vm3  }
0x32: {  	[tilespmem:$0x100] =	vst v7;
	vm1 =	vmand vm11, vm1;
	v7 =	vadd.s32 v15, v11  }
0x33: {  	[tilespmem:$0xA0] =	vst v7;
	v6 =	vnsel vm1, $0x0, v6  }
0x34: {  	[tilespmem:$0x120] =	vst v6  }
0x35: {  	v6 =	vld.idx.msk [tilespmem:v4+s2+$0x0], $0xffff  }
0x36: {  	v7 =	vld.idx.msk [tilespmem:v5+s2+$0x0], $0xffff;
	_ =	sdelay $0x4  }
0x37: {  	v6 =	vmul.f32 v6, v3;
	v7 =	vmul.f32 v7, v3;
	_ =	sdelay $0x1  }
0x38: {  	v6 =	vadd.f32 $-5.000000000e-01, v6;
	v7 =	vadd.f32 $-5.000000000e-01, v7;
	_ =	sdelay $0x1  }
0x39: {  	v8 =	vtrunc.f32 v6;
	v9 =	vtrunc.f32 v7  }
0x3a: {  	v8 =	vcvt.f32.s32 v8;
	v9 =	vcvt.f32.s32 v9;
	_ =	sdelay $0x1  }
0x3b: {  	v8 =	vcvt.s32.f32 v8;
	v9 =	vcvt.s32.f32 v9;
	_ =	sdelay $0x1  }
0x3c: {  	v10 =	vadd.f32 $-1.000000000e+00, v8;
	v11 =	vadd.f32 $-1.000000000e+00, v9  }
0x3d: {  	vm1 =	vlt.f32 v6, v8;
	vm2 =	vlt.f32 v7, v9  }
0x3e: {  	v8 =	vsel vm1, v10, v8;
	v9 =	vsel vm2, v11, v9  }
0x3f: {  	v7 =	vsub.f32 v7, v9;
	v6 =	vsub.f32 v6, v8  }
0x40: {  	v12 =	vadd.f32 $1.000000000e+00, v8;
	v13 =	vadd.f32 $1.000000000e+00, v9  }
0x41: {  	vm1 =	vge.f32 v8, $0.0e+00;
	v15 =	vmax.f32 v8, $0.0e+00;
	vm2 =	vle.f32 v8, $3.100000000e+01  }
0x42: {  	vm12 =	vle.f32 v9, $3.100000000e+01;
	v8 =	vmin.f32 v15, $3.100000000e+01;
	v15 =	vmax.f32 v9, $0.0e+00  }
0x43: {  	vm1 =	vmand vm1, vm2;
	vm2 =	vge.f32 v9, $0.0e+00;
	v10 =	vsub.f32 $1.000000000e+00, v7  }
0x44: {  	v11 =	vsub.f32 $1.000000000e+00, v6;
	v8 =	vtrunc.f32 v8;
	v15 =	vmin.f32 v15, $3.100000000e+01  }
0x45: {  	vm3 =	vmand vm1, vm2;
	v17 =	vmax.f32 v12, $0.0e+00;
	vm13 =	vge.f32 v12, $0.0e+00  }
0x46: {  	vm14 =	vle.f32 v12, $3.100000000e+01;
	vm15 =	vle.f32 v13, $3.100000000e+01;
	v8 =	vcvt.f32.s32 v8  }
0x47: {  	v15 =	vtrunc.f32 v15;
	vm3 =	vmand vm12, vm3;
	v17 =	vmin.f32 v17, $3.100000000e+01  }
0x48: {  	vm5 =	vmand vm13, vm14;
	v9 =	vcvt.f32.s32 v15;
	v15 =	vmax.f32 v13, $0.0e+00  }
0x49: {  	v14 =	vmul.f32 v10, v11;
	v8 =	vshll.u32 v8, $0x5;
	v15 =	vmin.f32 v15, $3.100000000e+01  }
0x4a: {  	v12 =	vtrunc.f32 v17;
	v16 =	vadd.s32 v9, v8;
	v15 =	vtrunc.f32 v15  }
0x4b: {  	v14 =	vnsel vm3, $0x0, v14;
	vm3 =	vge.f32 v13, $0.0e+00;
	v15 =	vcvt.f32.s32 v15  }
0x4c: {  	v11 =	vmul.f32 v7, v11;
	v12 =	vcvt.f32.s32 v12;
	vm1 =	vmand vm1, vm3;
	[tilespmem:$0x50] =	vst v16  }
0x4d: {  	v10 =	vmul.f32 v10, v6;
	[tilespmem:$0xD0] =	vst v14;
	vm1 =	vmand vm15, vm1;
	v8 =	vadd.s32 v15, v8  }
0x4e: {  	[tilespmem:$0x70] =	vst v8;
	v8 =	vnsel vm1, $0x0, v11;
	vm1 =	vmand vm2, vm5;
	v11 =	vshll.u32 v12, $0x5  }
0x4f: {  	[tilespmem:$0xF0] =	vst v8;
	vm1 =	vmand vm12, vm1;
	v8 =	vadd.s32 v9, v11  }
0x50: {  	v6 =	vmul.f32 v7, v6;
	[tilespmem:$0x90] =	vst v8;
	v7 =	vnsel vm1, $0x0, v10;
	vm1 =	vmand vm5, vm3  }
0x51: {  	[tilespmem:$0x110] =	vst v7;
	vm1 =	vmand vm15, vm1;
	v7 =	vadd.s32 v15, v11  }
0x52: {  	[tilespmem:$0xB0] =	vst v7;
	v6 =	vnsel vm1, $0x0, v6  }
0x53: {  	[tilespmem:$0x130] =	vst v6;
	v6 =	vmov s2  }
0x54: {  	[tilespmem:s12], [sflag:$0x1] =	stream.indirect.gather [hbm4b:s3+s10], $0xC0, s11, s10, $0xb8;
	[tilespmem:$0x7960] =	vst v63  }
0x55: {  	_ =	swait.ge [sflag:s13], $0x6000  }
0x56: {  	[sflag:s13] =	ssyncset.done $0x0  }
0x57: {  	[sflag:s13] =	ssyncadd.s32 $0xFFFFA000  }
0x58: {  	s19 =	simm.s32 $0x0;
	v9 =	vld.idx.msk [tilespmem:v6+s14+$0x0], $0xffff  }
0x59: {  	v10 =	vld [tilespmem:s19+$0x49E0]  }
0x5a: {  	v11 =	vld [tilespmem:s19+$0x49D0]  }
0x5b: {  	v12 =	vld [tilespmem:s19+$0x31E0]  }
0x5c: {  	v8 =	vld [tilespmem:s19+$0x1F0]  }
0x5d: {  	v13 =	vld [tilespmem:s19+$0x49C0]  }
0x5e: {  	v14 =	vld [tilespmem:s19+$0x31D0]  }
0x5f: {  	v15 =	vld [tilespmem:s19+$0x1E0]  }
0x60: {  	v16 =	vld [tilespmem:s19+$0x49B0]  }
0x61: {  	v17 =	vld [tilespmem:s19+$0x31C0]  }
0x62: {  	v18 =	vld [tilespmem:s19+$0x1D0]  }
0x63: {  	v19 =	vld [tilespmem:s19+$0x49A0]  }
0x64: {  	v20 =	vld [tilespmem:s19+$0x31B0]  }
0x65: {  	v21 =	vld [tilespmem:s19+$0x1C0]  }
0x66: {  	v22 =	vld [tilespmem:s19+$0x4990]  }
0x67: {  	v23 =	vld [tilespmem:s19+$0x31A0]  }
0x68: {  	v24 =	vld [tilespmem:s19+$0x1B0]  }
0x69: {  	v25 =	vld [tilespmem:s19+$0x4980]  }
0x6a: {  	v26 =	vld [tilespmem:s19+$0x3190]  }
0x6b: {  	v27 =	vld [tilespmem:s19+$0x1A0]  }
0x6c: {  	v28 =	vld [tilespmem:s19+$0x4970]  }
0x6d: {  	s18 =	simm.s32 $0x40;
	v29 =	vld [tilespmem:s19+$0x190]  }
0x6e: {  	v7 =	vmov s18;
	v30 =	vld [tilespmem:s19+$0x180]  }
0x6f: {  	v31 =	vld [tilespmem:s19+$0x170]  }
0x70: {  	v32 =	vld [tilespmem:s19+$0x160]  }
0x71: {  	v33 =	vld [tilespmem:s19+$0x150]  }
0x72: {  	s29 =	simm.s32 $0x20;
	v34 =	vld [tilespmem:s19+$0x140]  }
0x73: {  	v35 =	vmov s29;
	v7 =	vld.idx.msk [tilespmem:v7+s14+$0x0], $0xffff  }
0x74: {  	v36 =	vld [tilespmem:s19+$0x3180]  }
0x75: {  	v37 =	vld [tilespmem:s19+$0x4960]  }
0x76: {  	v38 =	vld [tilespmem:s19+$0x3170]  }
0x77: {  	v40 =	vld [tilespmem:s19+$0x4940]  }
0x78: {  	v35 =	vld.idx.msk [tilespmem:v35+s14+$0x0], $0xffff;
	v8 =	vmul.f32 v8, v9  }
0x79: {  	v41 =	vld [tilespmem:s19+$0x1940];
	v18 =	vmul.f32 v18, v9;
	v15 =	vmul.f32 v15, v9  }
0x7a: {  	v63 =	vld [tilespmem:s19+$0x3140];
	v24 =	vmul.f32 v24, v9;
	v21 =	vmul.f32 v21, v9  }
0x7b: {  	v42 =	vld [tilespmem:s19+$0x1950];
	v29 =	vmul.f32 v29, v9;
	v27 =	vmul.f32 v27, v9  }
0x7c: {  	v44 =	vld [tilespmem:s19+$0x3150];
	v31 =	vmul.f32 v31, v9;
	v30 =	vmul.f32 v30, v9  }
0x7d: {  	s17 =	simm.s32 $0x60;
	v45 =	vld [tilespmem:s19+$0x1970];
	v33 =	vmul.f32 v33, v9;
	v32 =	vmul.f32 v32, v9  }
0x7e: {  	v6 =	vmov s17;
	v52 =	vld [tilespmem:s19+$0x1990];
	v9 =	vmul.f32 v34, v9;
	v12 =	vmul.f32 v12, v7  }
0x7f: {  	v46 =	vld [tilespmem:s19+$0x3160];
	v43 =	vmul.f32 v14, v7;
	v17 =	vmul.f32 v17, v7  }
0x80: {  	v47 =	vld [tilespmem:s19+$0x1980];
	v20 =	vmul.f32 v20, v7;
	v23 =	vmul.f32 v23, v7  }
0x81: {  	v53 =	vld [tilespmem:s19+$0x19A0];
	v41 =	vmul.f32 v41, v35;
	v26 =	vmul.f32 v26, v7  }
0x82: {  	v56 =	vld [tilespmem:s19+$0x19B0];
	v34 =	vmul.f32 v63, v7;
	v42 =	vmul.f32 v42, v35  }
0x83: {  	v6 =	vld.idx.msk [tilespmem:v6+s14+$0x0], $0xffff;
	v36 =	vmul.f32 v36, v7;
	v62 =	vmul.f32 v52, v35  }
0x84: {  	v14 =	vld [tilespmem:s19+$0x1960];
	v54 =	vmul.f32 v44, v7;
	v45 =	vmul.f32 v45, v35;
	v9 =	vadd.f32 v41, v9  }
0x85: {  	v39 =	vld [tilespmem:s19+$0x4950];
	v57 =	vmul.f32 v46, v7;
	v38 =	vmul.f32 v38, v7;
	v29 =	vadd.f32 v62, v29  }
0x86: {  	v48 =	vld [tilespmem:s19+$0x6140];
	v59 =	vmul.f32 v47, v35;
	v33 =	vadd.f32 v42, v33;
	v9 =	vadd.f32 v34, v9  }
0x87: {  	v49 =	vld [tilespmem:s19+$0x6150];
	v34 =	vmul.f32 v53, v35;
	v26 =	vadd.f32 v26, v29;
	v29 =	vmul.f32 v56, v35  }
0x88: {  	v55 =	vld [tilespmem:s19+$0x6160];
	v31 =	vadd.f32 v45, v31;
	v10 =	vmul.f32 v10, v6;
	v11 =	vmul.f32 v11, v6  }
0x89: {  	v58 =	vld [tilespmem:s19+$0x6170];
	v30 =	vadd.f32 v59, v30;
	v14 =	vmul.f32 v14, v35;
	v40 =	vmul.f32 v40, v6  }
0x8a: {  	v60 =	vld [tilespmem:s19+$0x19C0];
	v33 =	vadd.f32 v54, v33;
	v13 =	vmul.f32 v13, v6;
	v16 =	vmul.f32 v16, v6  }
0x8b: {  	v61 =	vld [tilespmem:s19+$0x6180];
	v39 =	vmul.f32 v39, v6;
	v14 =	vadd.f32 v14, v32;
	v9 =	vadd.f32 v40, v9  }
0x8c: {  	v51 =	vld [tilespmem:s19+$0x19E0];
	v31 =	vadd.f32 v38, v31;
	v19 =	vmul.f32 v19, v6;
	v37 =	vmul.f32 v37, v6  }
0x8d: {  	v63 =	vld [tilespmem:s19+$0x19D0];
	v33 =	vadd.f32 v39, v33;
	v48 =	vmul.f32 v9, v48;
	v14 =	vadd.f32 v57, v14  }
0x8e: {  	s18 =	simm.s32 $0xC0;
	v59 =	vld [tilespmem:s19+$0x61F0];
	v30 =	vadd.f32 v36, v30;
	v22 =	vmul.f32 v22, v6;
	v28 =	vmul.f32 v28, v6  }
0x8f: {  	v62 =	vld [tilespmem:s18+$0x1D0];
	v50 =	vmul.f32 v33, v49;
	v48 =	vadd.f32 $0.0e+00, v48;
	v37 =	vadd.f32 v37, v14  }
0x90: {  	v53 =	vld [tilespmem:s19+$0x19F0];
	v25 =	vmul.f32 v25, v6;
	v27 =	vadd.f32 v34, v27;
	v24 =	vadd.f32 v29, v24  }
0x91: {  	v28 =	vadd.f32 v28, v31;
	v31 =	vld [tilespmem:s19+$0x61A0];
	v52 =	vadd.f32 v50, v48;
	v32 =	vmul.f32 v37, v55  }
0x92: {  	v25 =	vadd.f32 v25, v30;
	v23 =	vadd.f32 v23, v27;
	v27 =	vmul.f32 v60, v35;
	v14 =	vld [tilespmem:s19+$0x6190]  }
0x93: {  	v36 =	vld [tilespmem:s18+$0x170];
	v26 =	vadd.f32 v22, v26;
	v54 =	vmul.f32 v28, v58;
	v32 =	vadd.f32 v32, v52  }
0x94: {  	v38 =	vld [tilespmem:s18+$0x150];
	v20 =	vadd.f32 v20, v24;
	v24 =	vmul.f32 v63, v35;
	v21 =	vadd.f32 v27, v21  }
0x95: {  	v29 =	vld [tilespmem:s19+$0x31F0];
	v57 =	vadd.f32 v19, v23;
	v55 =	vmul.f32 v25, v61;
	v32 =	vadd.f32 v54, v32  }
0x96: {  	v30 =	vld [tilespmem:s19+$0x61B0];
	v18 =	vadd.f32 v24, v18;
	v17 =	vadd.f32 v17, v21;
	v21 =	vmul.f32 v51, v35  }
0x97: {  	v22 =	vld [tilespmem:s19+$0x61C0];
	v24 =	vmul.f32 v57, v31;
	v56 =	vmul.f32 v26, v14;
	v32 =	vadd.f32 v55, v32  }
0x98: {  	v27 =	vld [tilespmem:s19+$0x49F0];
	v31 =	vadd.f32 v16, v20;
	v18 =	vadd.f32 v43, v18;
	v20 =	vmul.f32 v53, v35  }
0x99: {  	v34 =	vld [tilespmem:s18+$0x180];
	v9 =	vmul.f32 v9, v9;
	v15 =	vadd.f32 v21, v15;
	v23 =	vadd.f32 v56, v32  }
0x9a: {  	v19 =	vld [tilespmem:s19+$0x61D0];
	v7 =	vmul.f32 v29, v7;
	v13 =	vadd.f32 v13, v17;
	v8 =	vadd.f32 v20, v8  }
0x9b: {  	v60 =	vld [tilespmem:s18+$0x1F0];
	v11 =	vadd.f32 v11, v18;
	v21 =	vadd.f32 v24, v23;
	v23 =	vmul.f32 v31, v30  }
0x9c: {  	v58 =	vld [tilespmem:s19+$0x61E0];
	v12 =	vadd.f32 v12, v15;
	v7 =	vadd.f32 v7, v8;
	v8 =	vmul.f32 v33, v33  }
0x9d: {  	v29 =	vld [tilespmem:s18+$0x4970];
	v6 =	vmul.f32 v27, v6;
	v20 =	vmul.f32 v13, v22;
	v15 =	vadd.f32 v23, v21  }
0x9e: {  	s17 =	simm.s32 $0x1;
	v16 =	vld [tilespmem:s18+$0x49E0];
	v10 =	vadd.f32 v10, v12;
	v12 =	vmul.f32 v37, v37;
	v8 =	vadd.f32 v8, v9  }
0x9f: {  	v44 =	vmov s17;
	v35 =	vld [tilespmem:s18+$0x160];
	v21 =	vmul.f32 v11, v19;
	v15 =	vadd.f32 v20, v15  }
0xa0: {  	v61 =	vld [tilespmem:s18+$0x1E0];
	v6 =	vadd.f32 v6, v7;
	v7 =	vmul.f32 v28, v28;
	v8 =	vadd.f32 v12, v8  }
0xa1: {  	v17 =	vld [tilespmem:s18+$0x49D0];
	v9 =	vadd.f32 v21, v15;
	v15 =	vmul.f32 v10, v58  }
0xa2: {  	v18 =	vld [tilespmem:s18+$0x31E0];
	v12 =	vmul.f32 v25, v25;
	v7 =	vadd.f32 v7, v8  }
0xa3: {  	v27 =	vld [tilespmem:s18+$0x4980];
	v9 =	vadd.f32 v15, v9;
	v15 =	vmul.f32 v6, v59  }
0xa4: {  	v14 =	vld.idx.msk [tilespmem:v44+s14+$0x0], $0xffff;
	v8 =	vmul.f32 v26, v26;
	v7 =	vadd.f32 v12, v7  }
0xa5: {  	v22 =	vld [tilespmem:s18+$0x31C0];
	v9 =	vadd.f32 v15, v9  }
0xa6: {  	v33 =	vld [tilespmem:s18+$0x190];
	v12 =	vmul.f32 v57, v57;
	v7 =	vadd.f32 v8, v7  }
0xa7: {  	v28 =	vld [tilespmem:s18+$0x3190];
	(xrf2) =	vadd.scan.msk.f32 $0xffff, v9  }
0xa8: {  	v37 =	vld [tilespmem:s18+$0x140];
	v8 =	vmul.f32 v31, v31;
	v7 =	vadd.f32 v12, v7  }
0xa9: {  	v25 =	vld [tilespmem:s18+$0x4990]  }
0xaa: {  	v32 =	vld [tilespmem:s18+$0x1A0];
	v7 =	vadd.f32 v8, v7;
	v9 =	vmul.f32 v13, v13  }
0xab: {  	v26 =	vld [tilespmem:s18+$0x31A0]  }
0xac: {  	p0 =	por $0x1, $0x1;
	vm2 =	vmmov vm0;
	v24 =	vld [tilespmem:s18+$0x31B0];
	v8 =	vmul.f32 v11, v11;
	v7 =	vadd.f32 v9, v7  }
0xad: {  	s20 =	simm.s32 $0x41;
	vm2 =	vmneg @p0 vm2;
	v30 =	vld [tilespmem:s18+$0x1C0]  }
0xae: {  	s30 =	simm.s32 $0x61;
	s31 =	sand.u32 $0xF, s2;
	v19 =	vld [tilespmem:s18+$0x49C0];
	v12 =	vmov s20;
	v9 =	vmul.f32 v10, v10;
	v7 =	vadd.f32 v8, v7  }
0xaf: {  	vm1 =	vmneg vm2;
	v23 =	vld [tilespmem:s18+$0x49A0];
	v11 =	vmov s31;
	v10 =	vmov s30  }
0xb0: {  	v31 =	vld [tilespmem:s18+$0x1B0];
	v6 =	vmul.f32 v6, v6;
	vm3 =	veq.s32 v11, v0;
	v7 =	vadd.f32 v9, v7  }
0xb1: {  	v20 =	vld [tilespmem:s18+$0x31D0];
	v11 =	vmul.f32 v60, v14;
	vm1 =	vmand vm3, vm1;
	v13, _, _ =	vpop (xrf2)  }
0xb2: {  	v21 =	vld [tilespmem:s18+$0x49B0];
	vm2 =	vmand vm2, vm3;
	v63 =	vadd.f32 v6, v7;
	v9 =	vbroadcast v13, $0xF  }
0xb3: {  	v12 =	vld.idx.msk [tilespmem:v12+s14+$0x0], $0xffff;
	v15 =	vmul.f32 v62, v14;
	v8 =	vimm.f32 $0.0e+00;
	v13 =	vmul.f32 v61, v14  }
0xb4: {  	s21 =	simm.s32 $0x21;
	s19 =	simm.s32 $0x300;
	s20 =	simm.s32 $0x2;
	v10 =	vld.idx.msk [tilespmem:v10+s14+$0x0], $0xffff;
	(xrf2) =	vadd.scan.msk.f32 $0xffff, v63;
	v6 =	vsel vm1, v9, v8;
	v7 =	vsel vm2, v9, v8;
	v9 =	vimm.f32 $0.0e+00  }
.LBB2_2:
0xb5: {  	p0 =	sne.s32 s20, $0x1F;
	v39 =	vmov s21;
	v40 =	vld [tilespmem:s18+$0x3180];
	v31 =	vmul.f32 v31, v14;
	v41 =	vmul.f32 v30, v14  }
0xb6: {  	v33 =	vmul.f32 v33, v14;
	v32 =	vmul.f32 v32, v14;
	v42 =	vld [tilespmem:s18+$0x4960]  }
0xb7: {  	v36 =	vmul.f32 v36, v14;
	v34 =	vmul.f32 v34, v14;
	v43 =	vld [tilespmem:s18+$0x3170]  }
0xb8: {  	v35 =	vmul.f32 v35, v14;
	v38 =	vmul.f32 v38, v14;
	v44 =	vld [tilespmem:s18+$0x4950]  }
0xb9: {  	v37 =	vmul.f32 v37, v14;
	v30 =	vmul.f32 v16, v10;
	v45 =	vld [tilespmem:s18+$0x4940]  }
0xba: {  	v16 =	vmul.f32 v17, v10;
	v17 =	vmul.f32 v18, v12;
	v14 =	vld.idx.msk [tilespmem:v39+s14+$0x0], $0xffff  }
0xbb: {  	v18 =	vmul.f32 v19, v10;
	v19 =	vmul.f32 v20, v12;
	v39 =	vld [tilespmem:s18+$0x1940]  }
0xbc: {  	v21 =	vmul.f32 v21, v10;
	v22 =	vmul.f32 v22, v12;
	v20 =	vld [tilespmem:s18+$0x3140]  }
0xbd: {  	v47 =	vmul.f32 v23, v10;
	v24 =	vmul.f32 v24, v12;
	v46 =	vld [tilespmem:s18+$0x1950]  }
0xbe: {  	v25 =	vmul.f32 v25, v10;
	v26 =	vmul.f32 v26, v12;
	v48 =	vld [tilespmem:s18+$0x1960];
	v23, _, _ =	vpop (xrf2)  }
0xbf: {  	v27 =	vmul.f32 v27, v10;
	v28 =	vmul.f32 v28, v12;
	v49 =	vld [tilespmem:s18+$0x3150]  }
0xc0: {  	v29 =	vmul.f32 v29, v10;
	v39 =	vmul.f32 v39, v14;
	v50 =	vld [tilespmem:s18+$0x1970]  }
0xc1: {  	v40 =	vmul.f32 v40, v12;
	v42 =	vmul.f32 v42, v10;
	v51 =	vld [tilespmem:s18+$0x3160]  }
0xc2: {  	v20 =	vmul.f32 v20, v12;
	v37 =	vadd.f32 v39, v37;
	v39 =	vmul.f32 v46, v14;
	v46 =	vld [tilespmem:s18+$0x1980]  }
0xc3: {  	v52 =	vmov s20;
	v45 =	vmul.f32 v45, v10;
	v53 =	vld [tilespmem:s18+$0x6140];
	v48 =	vmul.f32 v48, v14  }
0xc4: {  	v20 =	vadd.f32 v20, v37;
	v37 =	vadd.f32 v39, v38;
	v38 =	vmul.f32 v49, v12;
	v39 =	vld [tilespmem:s18+$0x1990]  }
0xc5: {  	v44 =	vmul.f32 v44, v10;
	v49 =	vld [tilespmem:s18+$0x6150];
	v35 =	vadd.f32 v48, v35;
	v48 =	vmul.f32 v50, v14  }
0xc6: {  	v20 =	vadd.f32 v45, v20;
	v37 =	vadd.f32 v38, v37;
	v38 =	vmul.f32 v51, v12;
	v45 =	vld [tilespmem:s18+$0x19A0]  }
0xc7: {  	v43 =	vmul.f32 v43, v12;
	v50 =	vld [tilespmem:s18+$0x6160];
	v36 =	vadd.f32 v48, v36;
	v46 =	vmul.f32 v46, v14  }
0xc8: {  	v48 =	vmul.f32 v20, v53;
	v37 =	vadd.f32 v44, v37;
	v35 =	vadd.f32 v38, v35;
	v38 =	vld [tilespmem:s18+$0x19B0]  }
0xc9: {  	v36 =	vadd.f32 v43, v36;
	v43 =	vld [tilespmem:s18+$0x6170];
	v34 =	vadd.f32 v46, v34;
	v39 =	vmul.f32 v39, v14  }
0xca: {  	v44 =	vadd.f32 $0.0e+00, v48;
	v46 =	vmul.f32 v37, v49;
	v35 =	vadd.f32 v42, v35;
	v42 =	vld [tilespmem:s18+$0x19C0]  }
0xcb: {  	v34 =	vadd.f32 v40, v34;
	v40 =	vld [tilespmem:s18+$0x6180];
	v33 =	vadd.f32 v39, v33;
	v39 =	vmul.f32 v45, v14  }
0xcc: {  	v29 =	vadd.f32 v29, v36;
	v44 =	vadd.f32 v46, v44;
	v45 =	vmul.f32 v35, v50;
	v36 =	vld [tilespmem:s18+$0x19D0]  }
0xcd: {  	v28 =	vadd.f32 v28, v33;
	v33 =	vld [tilespmem:s18+$0x6190];
	v32 =	vadd.f32 v39, v32;
	v38 =	vmul.f32 v38, v14  }
0xce: {  	v27 =	vadd.f32 v27, v34;
	v39 =	vadd.f32 v45, v44;
	v43 =	vmul.f32 v29, v43;
	v34 =	vld [tilespmem:s18+$0x19E0]  }
0xcf: {  	v26 =	vadd.f32 v26, v32;
	v32 =	vld [tilespmem:s18+$0x61A0];
	v31 =	vadd.f32 v38, v31;
	v38 =	vmul.f32 v42, v14  }
0xd0: {  	v25 =	vadd.f32 v25, v28;
	v39 =	vadd.f32 v43, v39;
	v40 =	vmul.f32 v27, v40;
	v28 =	vld [tilespmem:s18+$0x19F0]  }
0xd1: {  	v24 =	vadd.f32 v24, v31;
	v31 =	vld [tilespmem:s18+$0x61B0];
	v38 =	vadd.f32 v38, v41;
	v36 =	vmul.f32 v36, v14  }
0xd2: {  	v26 =	vadd.f32 v47, v26;
	v39 =	vadd.f32 v40, v39;
	v33 =	vmul.f32 v25, v33;
	v40 =	vld [tilespmem:s18+$0x31F0]  }
0xd3: {  	v22 =	vadd.f32 v22, v38;
	v38 =	vld [tilespmem:s18+$0x61C0];
	v15 =	vadd.f32 v36, v15;
	v34 =	vmul.f32 v34, v14  }
0xd4: {  	v21 =	vadd.f32 v21, v24;
	v33 =	vadd.f32 v33, v39;
	v32 =	vmul.f32 v26, v32;
	v24 =	vld [tilespmem:s18+$0x49F0]  }
0xd5: {  	v15 =	vadd.f32 v19, v15;
	v19 =	vld [tilespmem:s18+$0x61D0];
	v13 =	vadd.f32 v34, v13;
	v28 =	vmul.f32 v28, v14  }
0xd6: {  	v22 =	vadd.f32 v18, v22;
	v14 =	vld.idx.msk [tilespmem:v52+s14+$0x0], $0xffff;
	v32 =	vadd.f32 v32, v33;
	v31 =	vmul.f32 v21, v31  }
0xd7: {  	s19 =	sadd.s32 $0x300, s19;
	v13 =	vadd.f32 v17, v13;
	v33 =	vld [tilespmem:s18+$0x61E0];
	v11 =	vadd.f32 v28, v11;
	v12 =	vmul.f32 v40, v12  }
0xd8: {  	v15 =	vadd.f32 v16, v15;
	v18 =	vadd.f32 v31, v32;
	v28 =	vmul.f32 v22, v38;
	v31 =	vld [tilespmem:s18+$0x61F0];
	s18 =	sshra.s32 s19, $0x2  }
0xd9: {  	v20 =	vmul.f32 v20, v20;
	v16 =	vld [tilespmem:s18+$0x49E0];
	v11 =	vadd.f32 v12, v11;
	v10 =	vmul.f32 v24, v10  }
0xda: {  	v13 =	vadd.f32 v30, v13;
	v17 =	vld [tilespmem:s18+$0x49D0];
	v12 =	vadd.f32 v28, v18;
	v19 =	vmul.f32 v15, v19  }
0xdb: {  	v24 =	vmul.f32 v37, v37;
	v28 =	vmul.f32 v35, v35;
	v18 =	vld [tilespmem:s18+$0x31E0]  }
0xdc: {  	v10 =	vadd.f32 v10, v11;
	v39 =	vld [tilespmem:s18+$0x1F0];
	v12 =	vadd.f32 v19, v12;
	v30 =	vmul.f32 v13, v33  }
0xdd: {  	v27 =	vmul.f32 v27, v27;
	v11 =	vadd.f32 v24, v20;
	v24 =	vmul.f32 v29, v29;
	v19 =	vld [tilespmem:s18+$0x49C0]  }
0xde: {  	v25 =	vmul.f32 v25, v25;
	v29 =	vmul.f32 v10, v31;
	v20 =	vld [tilespmem:s18+$0x31D0];
	v12 =	vadd.f32 v30, v12  }
0xdf: {  	v32 =	vmul.f32 v21, v21;
	v11 =	vadd.f32 v28, v11;
	v28 =	vmul.f32 v26, v26;
	v40 =	vld [tilespmem:s18+$0x1E0]  }
0xe0: {  	v15 =	vmul.f32 v15, v15;
	v33 =	vmul.f32 v22, v22;
	v21 =	vld [tilespmem:s18+$0x49B0];
	v12 =	vadd.f32 v29, v12  }
0xe1: {  	v13 =	vmul.f32 v13, v13;
	v10 =	vmul.f32 v10, v10;
	v11 =	vadd.f32 v24, v11;
	v22 =	vld [tilespmem:s18+$0x31C0]  }
0xe2: {  	v41 =	vld [tilespmem:s18+$0x1D0];
	(xrf2) =	vadd.scan.msk.f32 $0xffff, v12;
	v12 =	vbroadcast v23, $0xF  }
0xe3: {  	v11 =	vadd.f32 v27, v11;
	v23 =	vld [tilespmem:s18+$0x49A0]  }
0xe4: {  	v24 =	vld [tilespmem:s18+$0x31B0];
	v8 =	vsel vm2, v12, v8;
	v9 =	vsel vm1, v12, v9  }
0xe5: {  	v11 =	vadd.f32 v25, v11;
	v30 =	vld [tilespmem:s18+$0x1C0]  }
0xe6: {  	v25 =	vld [tilespmem:s18+$0x4990]  }
0xe7: {  	v11 =	vadd.f32 v28, v11;
	v26 =	vld [tilespmem:s18+$0x31A0]  }
0xe8: {  	v31 =	vld [tilespmem:s18+$0x1B0]  }
0xe9: {  	v11 =	vadd.f32 v32, v11;
	v27 =	vld [tilespmem:s18+$0x4980]  }
0xea: {  	v28 =	vld [tilespmem:s18+$0x3190]  }
0xeb: {  	s21 =	sand.u32 $0xF, s17;
	p1 =	slt.u32 s17, $0x10;
	s17 =	smov.u32 s20;
	vm2 =	vmmov vm0;
	v11 =	vadd.f32 v33, v11;
	v32 =	vld [tilespmem:s18+$0x1A0]  }
0xec: {  	v12 =	vmov s21;
	vm2 =	vmneg @p1 vm2;
	v29 =	vld [tilespmem:s18+$0x4970];
	v34, _, _ =	vpop (xrf2)  }
0xed: {  	s21 =	sadd.s32 $0x60, s20;
	vm3 =	veq.s32 v12, v0;
	vm1 =	vmneg vm2;
	v33 =	vld [tilespmem:s18+$0x190];
	v37 =	vbroadcast v34, $0xF  }
0xee: {  	s22 =	sadd.s32 $0x40, s20;
	v12 =	vmov s21;
	vm1 =	vmand vm3, vm1;
	v11 =	vadd.f32 v15, v11;
	v34 =	vld [tilespmem:s18+$0x180]  }
0xef: {  	vm2 =	vmand vm2, vm3;
	v15 =	vmov s22;
	v36 =	vld [tilespmem:s18+$0x170];
	v6 =	vsel vm1, v37, v6  }
.Ltmp0:
0xf0: {  	v11 =	vadd.f32 v13, v11;
	v7 =	vsel vm2, v37, v7;
	v35 =	vld [tilespmem:s18+$0x160];
	(pc) =	sbr.rel @p0 .LBB2_2-.Ltmp0, $4  }
0xf1: {  	v38 =	vld [tilespmem:s18+$0x150]  }
0xf2: {  	v42 =	vadd.f32 v10, v11;
	v37 =	vld [tilespmem:s18+$0x140]  }
0xf3: {  	v11 =	vmul.f32 v39, v14;
	v10 =	vld.idx.msk [tilespmem:v12+s14+$0x0], $0xffff  }
0xf4: {  	s20 =	sadd.s32 $0x1, s20;
	s21 =	sadd.s32 $0x20, s17;
	v13 =	vmul.f32 v40, v14;
	v12 =	vld.idx.msk [tilespmem:v15+s14+$0x0], $0xffff;
	v15 =	vmul.f32 v41, v14;
	(xrf2) =	vadd.scan.msk.f32 $0xffff, v42  }
0xf5: {  	v40 =	vld [tilespmem:s18+$0x3180];
	v31 =	vmul.f32 v31, v14;
	v30 =	vmul.f32 v30, v14  }
0xf6: {  	v41 =	vld [tilespmem:s18+$0x4960];
	v33 =	vmul.f32 v33, v14;
	v32 =	vmul.f32 v32, v14  }
0xf7: {  	v39 =	vmov s21;
	v36 =	vmul.f32 v36, v14;
	v34 =	vmul.f32 v34, v14;
	v53 =	vld [tilespmem:s18+$0x1940]  }
0xf8: {  	v35 =	vmul.f32 v35, v14;
	v45 =	vld [tilespmem:s18+$0x3140];
	v38 =	vmul.f32 v38, v14  }
0xf9: {  	v46 =	vld [tilespmem:s18+$0x1950];
	v37 =	vmul.f32 v37, v14;
	v14 =	vmul.f32 v16, v10  }
0xfa: {  	v47 =	vld [tilespmem:s18+$0x1960];
	v17 =	vmul.f32 v17, v10;
	v19 =	vmul.f32 v19, v10  }
0xfb: {  	v48 =	vld [tilespmem:s18+$0x3150];
	v21 =	vmul.f32 v21, v10;
	v23 =	vmul.f32 v23, v10  }
0xfc: {  	v25 =	vmul.f32 v25, v10;
	v27 =	vmul.f32 v27, v10;
	v16 =	vld.idx.msk [tilespmem:v39+s14+$0x0], $0xffff  }
0xfd: {  	v49 =	vld [tilespmem:s18+$0x1970];
	v29 =	vmul.f32 v29, v10;
	v18 =	vmul.f32 v18, v12  }
0xfe: {  	v56 =	vld [tilespmem:s18+$0x1980];
	v20 =	vmul.f32 v20, v12;
	v22 =	vmul.f32 v22, v12  }
0xff: {  	v58 =	vld [tilespmem:s18+$0x1990];
	v28 =	vmul.f32 v28, v12;
	v41 =	vmul.f32 v41, v10  }
0x100: {  	v50 =	vld [tilespmem:s18+$0x3160];
	v40 =	vmul.f32 v40, v12;
	v54 =	vmul.f32 v45, v12  }
0x101: {  	v42 =	vld [tilespmem:s18+$0x3170];
	v57 =	vmul.f32 v48, v12;
	v39 =	vmul.f32 v53, v16  }
0x102: {  	v44 =	vld [tilespmem:s18+$0x4940];
	v55 =	vmul.f32 v46, v16;
	v47 =	vmul.f32 v47, v16  }
0x103: {  	v43 =	vld [tilespmem:s18+$0x4950];
	v60 =	vmul.f32 v49, v16;
	v46 =	vmul.f32 v56, v16;
	v37 =	vadd.f32 v39, v37  }
0x104: {  	v62 =	vld [tilespmem:s18+$0x19A0];
	v53 =	vmul.f32 v58, v16;
	v38 =	vadd.f32 v55, v38;
	v35 =	vadd.f32 v47, v35  }
0x105: {  	v51 =	vld [tilespmem:s18+$0x6140];
	v61 =	vmul.f32 v50, v12;
	v36 =	vadd.f32 v60, v36;
	v34 =	vadd.f32 v46, v34  }
0x106: {  	v42 =	vmul.f32 v42, v12;
	v56 =	vld [tilespmem:s18+$0x19C0];
	v33 =	vadd.f32 v53, v33;
	v37 =	vadd.f32 v54, v37  }
0x107: {  	v59 =	vld [tilespmem:s18+$0x6150];
	v44 =	vmul.f32 v44, v10;
	v38 =	vadd.f32 v57, v38;
	v35 =	vadd.f32 v61, v35  }
0x108: {  	v63 =	vld [tilespmem:s18+$0x6160];
	v43 =	vmul.f32 v43, v10;
	v36 =	vadd.f32 v42, v36;
	v34 =	vadd.f32 v40, v34  }
0x109: {  	v52 =	vld [tilespmem:s18+$0x6170];
	v57 =	vmul.f32 v62, v16;
	v28 =	vadd.f32 v28, v33;
	v37 =	vadd.f32 v44, v37  }
0x10a: {  	v24 =	vmul.f32 v24, v12;
	v38 =	vadd.f32 v43, v38;
	v35 =	vadd.f32 v41, v35  }
0x10b: {  	v61 =	vld [tilespmem:s18+$0x19D0];
	v47 =	vmul.f32 v56, v16;
	v29 =	vadd.f32 v29, v36;
	v32 =	vadd.f32 v57, v32  }
0x10c: {  	v26 =	vmul.f32 v26, v12;
	v27 =	vadd.f32 v27, v34;
	v25 =	vadd.f32 v25, v28  }
0x10d: {  	v58 =	vld [tilespmem:s18+$0x6180];
	v30 =	vadd.f32 v47, v30;
	v50 =	vmul.f32 v37, v51;
	v55 =	vmul.f32 v38, v59  }
0x10e: {  	v51 =	vld [tilespmem:s18+$0x19B0];
	v60 =	vmul.f32 v35, v63;
	v42 =	vmul.f32 v29, v52;
	v26 =	vadd.f32 v26, v32  }
0x10f: {  	v37 =	vmul.f32 v37, v37;
	v38 =	vmul.f32 v38, v38;
	v54 =	vadd.f32 $0.0e+00, v50  }
0x110: {  	v52 =	vmul.f32 v35, v35;
	v36 =	vmul.f32 v61, v16;
	v22 =	vadd.f32 v22, v30  }
0x111: {  	v48 =	vld [tilespmem:s18+$0x19E0];
	v57 =	vmul.f32 v29, v29;
	v53 =	vadd.f32 v38, v37;
	v59 =	vadd.f32 v55, v54  }
0x112: {  	v63 =	vld [tilespmem:s18+$0x6190];
	v50 =	vmul.f32 v27, v58;
	v23 =	vadd.f32 v23, v26;
	v15 =	vadd.f32 v36, v15  }
0x113: {  	v19 =	vadd.f32 v19, v22;
	v62 =	vmul.f32 v51, v16;
	v46 =	vadd.f32 v60, v59  }
0x114: {  	v27 =	vmul.f32 v27, v27;
	v58 =	vadd.f32 v52, v53;
	v51 =	vld [tilespmem:s18+$0x61A0];
	v15 =	vadd.f32 v20, v15  }
0x115: {  	v54 =	vld [tilespmem:s18+$0x19F0];
	v39 =	vmul.f32 v23, v23;
	v31 =	vadd.f32 v62, v31;
	v49 =	vadd.f32 v42, v46  }
0x116: {  	v56 =	vld [tilespmem:s18+$0x61B0];
	v59 =	vmul.f32 v48, v16;
	v26 =	vadd.f32 v57, v58;
	v15 =	vadd.f32 v17, v15  }
0x117: {  	v55 =	vmul.f32 v25, v63;
	v60 =	vld [tilespmem:s18+$0x31F0];
	v24 =	vadd.f32 v24, v31;
	v34 =	vadd.f32 v50, v49  }
0x118: {  	v63 =	vmul.f32 v25, v25;
	v62 =	vld [tilespmem:s18+$0x61C0];
	v13 =	vadd.f32 v59, v13;
	v33 =	vadd.f32 v27, v26  }
0x119: {  	v38 =	vld [tilespmem:s18+$0x61D0];
	v28 =	vmul.f32 v23, v51;
	v21 =	vadd.f32 v21, v24;
	v61 =	vadd.f32 v55, v34  }
0x11a: {  	v46 =	vmul.f32 v19, v19;
	v16 =	vmul.f32 v54, v16;
	v40 =	vadd.f32 v63, v33;
	v34 =	vld [tilespmem:s18+$0x49F0]  }
0x11b: {  	v13 =	vadd.f32 v18, v13;
	v37 =	vmul.f32 v21, v56;
	v36 =	vadd.f32 v28, v61  }
0x11c: {  	v42 =	vld [tilespmem:s18+$0x61E0];
	v11 =	vadd.f32 v16, v11;
	v22 =	vadd.f32 v39, v40;
	v21 =	vmul.f32 v21, v21  }
0x11d: {  	v41 =	vmul.f32 v60, v12;
	v20 =	vmul.f32 v19, v62;
	v43 =	vadd.f32 v37, v36  }
0x11e: {  	v44 =	vld [tilespmem:s18+$0x61F0];
	v48 =	vmul.f32 v15, v38;
	v13 =	vadd.f32 v14, v13;
	v47 =	vadd.f32 v21, v22  }
0x11f: {  	v11 =	vadd.f32 v41, v11;
	v45 =	vmul.f32 v34, v10;
	v18 =	vadd.f32 v20, v43  }
0x120: {  	v49 =	vmul.f32 v15, v15;
	v50 =	vadd.f32 v46, v47  }
0x121: {  	v16 =	vmul.f32 v13, v42;
	v10 =	vadd.f32 v45, v11;
	v51 =	vadd.f32 v48, v18  }
0x122: {  	v52 =	vmul.f32 v13, v13;
	v53 =	vadd.f32 v49, v50  }
0x123: {  	v12 =	vmul.f32 v10, v44;
	v54 =	vadd.f32 v16, v51  }
0x124: {  	v10 =	vmul.f32 v10, v10;
	v11 =	vadd.f32 v52, v53  }
0x125: {  	v12 =	vadd.f32 v12, v54  }
0x126: {  	v10 =	vadd.f32 v10, v11  }
0x127: {  	(xrf2) =	vadd.scan.msk.f32 $0xffff, v12  }
0x128: {  	(xrf2) =	vadd.scan.msk.f32 $0xffff, v10;
	_ =	sdelay $0x7  }
0x129: {  	v55, _, _ =	vpop (xrf2)  }
0x12a: {  	s31 =	sand.u32 $0xF, s17;
	v56, _, _ =	vpop (xrf2)  }
0x12b: {  	p0 =	slt.u32 s17, $0x10;
	vm3 =	vmmov vm0;
	v57 =	vmov s31;
	v10 =	vbroadcast v55, $0xF;
	v58, _, _ =	vpop (xrf2)  }
0x12c: {  	vm3 =	vmneg @p0 vm3;
	vm4 =	veq.s32 v57, v0;
	v59 =	vbroadcast v58, $0xF  }
0x12d: {  	vm5 =	vmneg vm3;
	v8 =	vsel vm2, v10, v8;
	vm2 =	vmand vm3, vm4  }
0x12e: {  	v9 =	vsel vm1, v10, v9;
	vm1 =	vmand vm4, vm5;
	v8 =	vsel vm2, v59, v8  }
0x12f: {  	v9 =	vsel vm1, v59, v9;
	v8 =	vmax.f32 v8, $1.000000020e-24  }
0x130: {  	v9 =	vmax.f32 v9, $1.000000020e-24;
	v60 =	vshrl.u32 v8, $0x1;
	v8 =	vmul.f32 $5.000000000e-01, v8  }
0x131: {  	v61 =	vshrl.u32 v9, $0x1;
	v9 =	vmul.f32 $5.000000000e-01, v9;
	v10 =	vsub.s32 $0x5F3759DF, v60  }
0x132: {  	v12 =	vsub.s32 $0x5F3759DF, v61;
	v62 =	vmul.f32 v10, v8  }
0x133: {  	v63 =	vmul.f32 v12, v9  }
0x134: {  	v13 =	vmul.f32 v10, v62  }
0x135: {  	v14 =	vmul.f32 v12, v63  }
0x136: {  	v13 =	vsub.f32 $1.500000000e+00, v13  }
0x137: {  	v14 =	vsub.f32 $1.500000000e+00, v14  }
0x138: {  	v10 =	vmul.f32 v10, v13  }
0x139: {  	v12 =	vmul.f32 v12, v14  }
0x13a: {  	v13 =	vmul.f32 v10, v8  }
0x13b: {  	v14 =	vmul.f32 v12, v9  }
0x13c: {  	v13 =	vmul.f32 v13, v10  }
0x13d: {  	v14 =	vmul.f32 v14, v12  }
0x13e: {  	v13 =	vsub.f32 $1.500000000e+00, v13  }
0x13f: {  	v14 =	vsub.f32 $1.500000000e+00, v14  }
0x140: {  	v10 =	vmul.f32 v13, v10  }
0x141: {  	v12 =	vmul.f32 v14, v12  }
0x142: {  	v8 =	vmul.f32 v10, v8  }
0x143: {  	v9 =	vmul.f32 v12, v9  }
0x144: {  	v8 =	vmul.f32 v8, v10  }
0x145: {  	v11 =	vbroadcast v56, $0xF;
	v9 =	vmul.f32 v9, v12  }
0x146: {  	v8 =	vsub.f32 $1.500000000e+00, v8  }
0x147: {  	v7 =	vsel vm2, v11, v7;
	v9 =	vsub.f32 $1.500000000e+00, v9  }
0x148: {  	v6 =	vsel vm1, v11, v6;
	v7 =	vadd.f32 v7, v7;
	v8 =	vmul.f32 v8, v10  }
0x149: {  	v6 =	vadd.f32 v6, v6;
	v9 =	vmul.f32 v9, v12  }
0x14a: {  	v7 =	vmul.f32 v8, v7  }
0x14b: {  	v6 =	vmul.f32 v9, v6  }
0x14c: {  	v7 =	vsub.f32 $2.000000000e+00, v7  }
0x14d: {  	s16 =	sadd.s32 $0x1, s16;
	v6 =	vsub.f32 $2.000000000e+00, v6  }
0x14e: {  	p0 =	sne.s32 s16, s7;
	[tilespmem:$0x7940] =	vst v7  }
.Ltmp1:
0x14f: {  	[tilespmem:$0x7950] =	vst v6;
	(pc) =	sbr.rel @p0 .LBB2_1-.Ltmp1, $4  }
0x150: {  	[hbm4b:s6+s2] =	stream.linear.scatter [tilespmem:s15], [sflag:$0x2], $0x20, $0x38;
	[tilespmem:$0x7960] =	vst v63  }
0x151: {  	_ =	swait.ge [sflag:s8], $0x20  }
0x152: {  	[sflag:s8] =	ssyncset.done $0x0  }
0x153: {  	[sflag:s8] =	ssyncadd.s32 $0xFFFFFFE0  }
0x154: {  	_ =	sfence.sel $0x180000  }
0x155: {  	[bflag:$0x0] =	sbarrier.arrive $0xFFFF  }
0x156: {  	p0 =	sne.s32 s1, $0x0;
	_ =	strace $0x90000047  }
0x157: {  	s0 =	sadd.s32 @!p0 $0x100000, s0;
	[bflag:$0x2] =	sbarrier.arrive $0xFFFF  }
0x158: {  	[sflag:s0] =	ssyncadd.tile.s32 @!p0 $0x1;
	_ =	shalt  }
.Lfunc_end2:
_tile_overlayer_lowered:
.L_overlay_start_2:
0x159: {  	(tag) =	ssettag $0x2  }
0x15a: {  	s0 =	rddreg [dreg:$0x0];
	s2 =	stileid.u32  }
0x15b: {  	s1 =	rddreg [dreg:$0x1];
	p0 =	sne.s32 s2, $0x0  }
0x15c: {  	s3 =	rddreg [dreg:$0x2];
	[bflag:$0x3] =	sbarrier.arrive $0xFFFF;
	s2 =	simm.s32 @!p0 $0x1C02  }
0x15d: {  	[timem:s3], [sflag:s2] =	dma.local @!p0 [hbm:s0], s1  }
0x15e: {  	s0 =	simm.s32 @!p0 $0x2  }
0x15f: {  	_ =	swait.ge @!p0 [sflag:s0], s1  }
0x160: {  	s1 =	ssub.s32 @!p0 $0x0, s1;
	[sflag:s0] =	ssyncset.done @!p0 $0x0  }
0x161: {  	[sflag:s0] =	ssyncadd.s32 @!p0 s1  }
0x162: {  	[bflag:$0x3] =	sbarrier.arrive $0xFFFF  }
0x163: {  	_ =	shalt  }

</sc_bundles>
